<compile_context>
chip_gen: v7x
topology: tpu7x:2x2x1
jax: 0.10.2.dev20260603
libtpu: 0.0.44.dev20260713+nightly
codegen_flags: <defaults>
</compile_context>

<pallas_src>
import jax
import jax.numpy as jnp
import numpy as np
from jax.experimental import pallas as pl
from jax.experimental.pallas import tpu as pltpu

_OUT_SIZE = (4, 64, 64)
_REAL_SIZE = (3, 50, 50)
_SCALEF = 1.4
_THRESH = 0.5
_RAD = {"O": 0.74 * _SCALEF, "H": 0.528 * _SCALEF}
_N = _OUT_SIZE[0] * _OUT_SIZE[1] * _OUT_SIZE[2]
_ROWS, _COLS = 128, 128


def _grid_ind():
    Z, X, Y = _OUT_SIZE
    zz, xx, yy = np.meshgrid(np.arange(Z), np.arange(X), np.arange(Y), indexing="ij")
    ind = np.stack([np.zeros_like(zz), zz, xx, yy], 0).reshape(4, -1)
    return jnp.asarray(ind, dtype=jnp.float32)


def _chan_scale():
    return jnp.asarray(
        [1.0] + [r / float(o) for o, r in zip(_OUT_SIZE, _REAL_SIZE)],
        dtype=jnp.float32,
    )


def _organize(x, ind, scale):
    b = x.shape[0]
    e = x.shape[1] // 4
    Z, X, Y = _OUT_SIZE
    out = x.reshape(b, 4, e, Z * X * Y)
    out = jnp.transpose(out, (0, 2, 1, 3))
    out = out + ind[None, None]
    return out * scale[None, None, :, None]


def _slice_kernel(r2_ref,
                  cP_ref, zP_ref, xP_ref, cPb_ref, zPb_ref, xPb_ref,
                  cT_ref, zT_ref, xT_ref, cTb_ref, zTb_ref, xTb_ref,
                  out_ref, kP_ref, kT_ref, st_ref):
    r2 = r2_ref[0, 0, 0]
    rows = jax.lax.broadcasted_iota(jnp.int32, (_ROWS, _COLS), 0)
    cols = jax.lax.broadcasted_iota(jnp.int32, (_ROWS, _COLS), 1)
    flat = rows * _COLS + cols
    lane = jax.lax.broadcasted_iota(jnp.int32, (1, _COLS), 1)

    def _extract(ref, hi, lo):
        row = ref[0, pl.ds(hi, 1), :]
        oh = (lane == lo).astype(jnp.float32)
        return jnp.sum(row * oh)

    def _extract2(ref, hi, lo):
        row = ref[pl.ds(hi, 1), :]
        oh = (lane == lo).astype(jnp.float32)
        return jnp.sum(row * oh)

    def _nms(c_ref, z_ref, x_ref, cb_ref, zb_ref, xb_ref, k_ref):
        conf = c_ref[0]
        k_ref[:, :] = jnp.where(conf > _THRESH, 1.0, 0.0)

        def body(i, carry):
            hi = i // _COLS
            lo = i % _COLS
            ci = _extract(c_ref, hi, lo)
            zi = _extract(z_ref, hi, lo)
            xi = _extract(x_ref, hi, lo)
            cbi = _extract(cb_ref, hi, lo)
            zbi = _extract(zb_ref, hi, lo)
            xbi = _extract(xb_ref, hi, lo)
            cc = c_ref[0]
            zz = z_ref[0]
            xx = x_ref[0]
            ni = ci * ci + zi * zi + xi * xi
            nrm = cc * cc + zz * zz + xx * xx
            dot = cbi * cb_ref[0] + zbi * zb_ref[0] + xbi * xb_ref[0]
            d2 = ni + nrm - 2.0 * dot
            close = d2 < r2
            keep = k_ref[:, :] > 0.0
            sup = jnp.any(close & keep & (flat < i))
            rowk = k_ref[pl.ds(hi, 1), :]
            newrow = jnp.where((lane == lo) & sup, 0.0, rowk)
            k_ref[pl.ds(hi, 1), :] = newrow
            return carry

        jax.lax.fori_loop(0, _N, body, 0)

    _nms(cP_ref, zP_ref, xP_ref, cPb_ref, zPb_ref, xPb_ref, kP_ref)
    _nms(cT_ref, zT_ref, xT_ref, cTb_ref, zTb_ref, xTb_ref, kT_ref)

    st_ref[:, :] = jnp.zeros((_ROWS, _COLS), jnp.float32)

    def mbody(i, tp):
        hi = i // _COLS
        lo = i % _COLS
        ci = _extract(cP_ref, hi, lo)
        zi = _extract(zP_ref, hi, lo)
        xi = _extract(xP_ref, hi, lo)
        cbi = _extract(cPb_ref, hi, lo)
        zbi = _extract(zPb_ref, hi, lo)
        xbi = _extract(xPb_ref, hi, lo)
        kpi = _extract2(kP_ref, hi, lo)
        cc = cT_ref[0]
        zz = zT_ref[0]
        xx = xT_ref[0]
        ni = ci * ci + zi * zi + xi * xi
        nrm = cc * cc + zz * zz + xx * xx
        dot = cbi * cTb_ref[0] + zbi * zTb_ref[0] + xbi * xTb_ref[0]
        d2 = ni + nrm - 2.0 * dot
        cand = (d2 < r2) & (kT_ref[:, :] > 0.0) & (st_ref[:, :] <= 0.0) & (kpi > 0.0)
        has = jnp.any(cand)
        bb = jnp.min(jnp.where(cand, flat, _N))
        bb = jnp.where(has, bb, 0)
        bhi = bb // _COLS
        blo = bb % _COLS
        rowst = st_ref[pl.ds(bhi, 1), :]
        newrow = jnp.where((lane == blo) & has, 1.0, rowst)
        st_ref[pl.ds(bhi, 1), :] = newrow
        return tp + jnp.where(has, 1.0, 0.0)

    tp = jax.lax.fori_loop(0, _N, mbody, jnp.float32(0.0))
    fp = jnp.sum(kP_ref[:, :]) - tp
    fn = jnp.sum(kT_ref[:, :]) - tp

    r8 = jax.lax.broadcasted_iota(jnp.int32, (8, 128), 0)
    l8 = jax.lax.broadcasted_iota(jnp.int32, (8, 128), 1)
    vals = (jnp.where((r8 == 0) & (l8 == 0), tp, 0.0)
            + jnp.where((r8 == 0) & (l8 == 1), fp, 0.0)
            + jnp.where((r8 == 0) & (l8 == 2), fn, 0.0))
    out_ref[0] = vals


def _round_bf16(x):
    u = jax.lax.bitcast_convert_type(x, jnp.uint32)
    u = (u + jnp.uint32(0x7FFF) + ((u >> 16) & jnp.uint32(1))) & jnp.uint32(0xFFFF0000)
    return jax.lax.bitcast_convert_type(u, jnp.float32)


def _prep(pts):
    conf = pts[:, :, 0, :]
    zc = pts[:, :, 1, :]
    xc = pts[:, :, 2, :]
    key = jnp.where(conf > _THRESH, conf, -jnp.inf)
    order = jnp.argsort(-key, axis=-1)
    cs = jnp.take_along_axis(conf, order, axis=-1)
    zs = jnp.take_along_axis(zc, order, axis=-1)
    xs = jnp.take_along_axis(xc, order, axis=-1)
    S = pts.shape[0] * pts.shape[1]
    sh = (S, _ROWS, _COLS)
    out = [cs.reshape(sh), zs.reshape(sh), xs.reshape(sh)]
    out += [_round_bf16(a) for a in out]
    return out


def kernel(predictions, targets):
    if predictions.ndim == 4:
        predictions = predictions[None]
        targets = targets[None]
    b = predictions.shape[0]
    ind = _grid_ind()
    scale = _chan_scale()
    preds = _organize(predictions, ind, scale)
    targs = _organize(targets, ind, scale)
    P6 = _prep(preds)
    T6 = _prep(targs)
    S = b * 2
    r2_pair = jnp.asarray([_RAD["O"] ** 2, _RAD["H"] ** 2], dtype=jnp.float32)
    r2 = jnp.tile(r2_pair, b)
    r2b = jnp.broadcast_to(r2[:, None, None], (S, 8, 128))

    vspec = pl.BlockSpec((1, _ROWS, _COLS), lambda i: (i, 0, 0))
    out = pl.pallas_call(
        _slice_kernel,
        grid=(S,),
        in_specs=[pl.BlockSpec((1, 8, 128), lambda i: (i, 0, 0))] + [vspec] * 12,
        out_specs=pl.BlockSpec((1, 8, 128), lambda i: (i, 0, 0)),
        out_shape=jax.ShapeDtypeStruct((S, 8, 128), jnp.float32),
        scratch_shapes=[pltpu.VMEM((_ROWS, _COLS), jnp.float32)] * 3,
    )(r2b, *P6, *T6)
    return out[:, 0, :3].reshape(b, 2, 3)

# --- scband reference (transcript-rebuilt; emitter-appended) ---
"""Pipeline reference for scband-analyse-33638183862871 (READ-ONLY COPY).

The authoritative reference and input builder live on the scoring server;
editing this copy changes nothing except your own understanding.
"""

import jax, jax.numpy as jnp
import numpy as np

OUT_SIZE = (4, 64, 64)
REAL_SIZE = (3, 50, 50)
SCALE = 1.4
THRESHOLD = 0.5
D = {"O": 0.74 * SCALE, "H": 0.528 * SCALE}
B, CH = 2, 8


def _ind():
    Z, X, Y = OUT_SIZE
    zz, xx, yy = np.meshgrid(np.arange(Z), np.arange(X), np.arange(Y), indexing="ij")
    ind = np.stack([np.zeros_like(zz), zz, xx, yy], 0).reshape(4, -1)
    return jnp.asarray(ind, dtype=jnp.float32)


def _scale():
    return jnp.asarray([1.0] + [r / float(o) for o, r in zip(OUT_SIZE, REAL_SIZE)], dtype=jnp.float32)


def organize(x, ind, scale):
    b = x.shape[0]
    e = x.shape[1] // 4
    Z, X, Y = OUT_SIZE
    out = x.reshape(b, 4, e, Z * X * Y)          # 'B (C E) Z X Y -> B C E (Z X Y)' with C=4
    out = jnp.transpose(out, (0, 2, 1, 3))       # B E C R
    out = out + ind[None, None]
    return jnp.einsum("becr,c->berc", out, scale)  # B E R C


def select(x, threshold=THRESHOLD, sort=True):
    mask = x[:, 0] > threshold
    out = x
    if sort:
        key = jnp.where(mask, x[:, 0], -jnp.inf)
        order = jnp.argsort(-key)
        out = out[order, :]
        mask = mask[order]
    return out, mask


def _lt_dist(a, b, r):
    d2 = jnp.sum(a * a, 1)[:, None] + jnp.sum(b * b, 1)[None, :] - 2.0 * (a @ b.T)
    return d2 < r * r


def nms(points, valid, distance):
    n = points.shape[0]
    dis = _lt_dist(points, points, distance)
    dis = jnp.triu(dis, 1).T

    def body(bb, keep):
        suppressed = jnp.any(dis[bb] & keep)
        return keep.at[bb].set(keep[bb] & jnp.logical_not(suppressed))

    keep = jax.lax.fori_loop(0, n, body, valid)
    return points, keep


def match(pred, kp, targ, kt, distance):
    n = pred.shape[0]
    dis = _lt_dist(pred, targ, distance)

    def body(a, carry):
        st, tp = carry
        cand = dis[a] & kt & jnp.logical_not(st) & kp[a]
        has = jnp.any(cand)
        bb = jnp.argmax(cand)
        st = st.at[bb].set(st[bb] | has)
        tp = tp + has.astype(jnp.float32)
        return st, tp

    st0 = jnp.zeros_like(kt)
    st, tp = jax.lax.fori_loop(0, n, body, (st0, jnp.float32(0.0)))
    fp = jnp.sum(kp).astype(jnp.float32) - tp
    fn = jnp.sum(kt).astype(jnp.float32) - tp
    return tp, fp, fn


def setup_inputs(seed: int = 0):
    key = jax.random.key(seed)
    k1, k2 = jax.random.split(key)
    Z, X, Y = OUT_SIZE
    predictions = jax.random.normal(k1, (B, CH, Z, X, Y), dtype=jnp.float32)
    targets = jax.random.normal(k2, (B, CH, Z, X, Y), dtype=jnp.float32)
    return {"predictions": predictions, "targets": targets}


def reference(predictions, targets):
    if predictions.ndim == 4:
        predictions = predictions[None]
        targets = targets[None]
    b, c, Z, X, Y = predictions.shape
    targets = targets[:b, :c, :Z, :X, :Y]
    ind = _ind()
    scale = _scale()
    preds = organize(predictions, ind, scale)
    targs = organize(targets, ind, scale)
    elems = list(D.keys())
    rows = []
    for bi in range(b):
        for ei, e in enumerate(elems):
            P, mp = select(preds[bi, ei], THRESHOLD, True)
            T, mt = select(targs[bi, ei], THRESHOLD, True)
            P = P[:, :3]
            T = T[:, :3]
            P, kp = nms(P, mp, D[e])
            T, kt = nms(T, mt, D[e])
            tp, fp, fn = match(P, kp, T, kt, D[e])
            rows.append(jnp.stack([tp, fp, fn]))
    counts = jnp.stack(rows).reshape(b, len(elems), 3).astype(jnp.float32)
    return counts

if __name__ == "__main__":
    import jax
    _d = setup_inputs()
    print(jax.jit(kernel)(*tuple(_d.values())))

</pallas_src>

<mosaic_0001>
module attributes {stable_mosaic.version = 14 : i64} {
  func.func @_slice_kernel(%arg0: i32, %arg1: memref<1x8x128xf32, #tpu.memory_space<vmem>>, %arg2: memref<1x128x128xf32, #tpu.memory_space<vmem>>, %arg3: memref<1x128x128xf32, #tpu.memory_space<vmem>>, %arg4: memref<1x128x128xf32, #tpu.memory_space<vmem>>, %arg5: memref<1x128x128xf32, #tpu.memory_space<vmem>>, %arg6: memref<1x128x128xf32, #tpu.memory_space<vmem>>, %arg7: memref<1x128x128xf32, #tpu.memory_space<vmem>>, %arg8: memref<1x128x128xf32, #tpu.memory_space<vmem>>, %arg9: memref<1x128x128xf32, #tpu.memory_space<vmem>>, %arg10: memref<1x128x128xf32, #tpu.memory_space<vmem>>, %arg11: memref<1x128x128xf32, #tpu.memory_space<vmem>>, %arg12: memref<1x128x128xf32, #tpu.memory_space<vmem>>, %arg13: memref<1x128x128xf32, #tpu.memory_space<vmem>>, %arg14: memref<1x8x128xf32, #tpu.memory_space<vmem>>, %arg15: memref<128x128xf32, #tpu.memory_space<vmem>>, %arg16: memref<128x128xf32, #tpu.memory_space<vmem>>, %arg17: memref<128x128xf32, #tpu.memory_space<vmem>>) attributes {dimension_semantics = [#tpu.dimension_semantics<arbitrary>], iteration_bounds = array<i64: 4>, scalar_prefetch = 0 : i64, scratch_operands = 3 : i64, tpu.core_type = #tpu.core_type<tc>, window_params = [{transform_indices = @transform_0, window_bounds = array<i64: 1, 8, 128>}, {transform_indices = @transform_1, window_bounds = array<i64: 1, 128, 128>}, {transform_indices = @transform_2, window_bounds = array<i64: 1, 128, 128>}, {transform_indices = @transform_3, window_bounds = array<i64: 1, 128, 128>}, {transform_indices = @transform_4, window_bounds = array<i64: 1, 128, 128>}, {transform_indices = @transform_5, window_bounds = array<i64: 1, 128, 128>}, {transform_indices = @transform_6, window_bounds = array<i64: 1, 128, 128>}, {transform_indices = @transform_7, window_bounds = array<i64: 1, 128, 128>}, {transform_indices = @transform_8, window_bounds = array<i64: 1, 128, 128>}, {transform_indices = @transform_9, window_bounds = array<i64: 1, 128, 128>}, {transform_indices = @transform_10, window_bounds = array<i64: 1, 128, 128>}, {transform_indices = @transform_11, window_bounds = array<i64: 1, 128, 128>}, {transform_indices = @transform_12, window_bounds = array<i64: 1, 128, 128>}, {transform_indices = @transform_13, window_bounds = array<i64: 1, 8, 128>}]} {
    %get3A = arith.constant 0 : index
    %get3A_0 = arith.constant 0 : index
    %get3A_1 = arith.constant 0 : index
    %get3A_2 = vector.load %arg1[%get3A, %get3A_0, %get3A_1] : memref<1x8x128xf32, #tpu.memory_space<vmem>>, vector<1x1x1xf32>
    %get3A_3 = vector.extract %get3A_2[0, 0, 0] : f32 from vector<1x1x1xf32>
    %iota3A = tpu.iota {dimensions = array<i32: 0>} : vector<128x128xi32>
    %iota3A_4 = tpu.iota {dimensions = array<i32: 1>} : vector<128x128xi32>
    %mul3A = arith.constant 128 : i32
    %mul3A_5 = vector.broadcast %mul3A : i32 to vector<128x128xi32>
    %mul3A_6 = arith.muli %iota3A, %mul3A_5 : vector<128x128xi32>
    %add3A = arith.addi %mul3A_6, %iota3A_4 : vector<128x128xi32>
    %iota3A_7 = tpu.iota {dimensions = array<i32: 1>} : vector<1x128xi32>
    %get3A_8 = arith.constant 0 : index
    %get3A_9 = arith.constant 0 : index
    %get3A_10 = arith.constant 0 : index
    %get3A_11 = vector.load %arg2[%get3A_8, %get3A_9, %get3A_10] : memref<1x128x128xf32, #tpu.memory_space<vmem>>, vector<1x128x128xf32>
    %get3A_12 = vector.shape_cast %get3A_11 : vector<1x128x128xf32> to vector<128x128xf32>
    %gt3A = arith.constant 5.000000e-01 : f32
    %gt3A_13 = vector.broadcast %gt3A : f32 to vector<128x128xf32>
    %gt3A_14 = arith.cmpf ogt, %get3A_12, %gt3A_13 : vector<128x128xf32>
    %jit3A = arith.constant 1.000000e+00 : f32
    %jit3A_15 = arith.constant 0.000000e+00 : f32
    %broadcast_in_dim3A = vector.broadcast %jit3A : f32 to vector<128x128xf32>
    %broadcast_in_dim3A_16 = vector.broadcast %jit3A_15 : f32 to vector<128x128xf32>
    %select_n3A = arith.select %gt3A_14, %broadcast_in_dim3A, %broadcast_in_dim3A_16 : vector<128x128xi1>, vector<128x128xf32>
    %swap3A = arith.constant 0 : index
    %swap3A_17 = arith.constant 0 : index
    %swap3A_18 = vector.load %arg15[%swap3A, %swap3A_17] : memref<128x128xf32, #tpu.memory_space<vmem>>, vector<128x128xf32>
    tpu.vector_store %arg15[%swap3A, %swap3A_17], %select_n3A {strides = array<i32>} : memref<128x128xf32, #tpu.memory_space<vmem>>, vector<128x128xf32>,
    %scan3A = arith.constant 0 : i32
    %scan3A_19 = arith.constant 16384 : i32
    %scan3A_20 = arith.addi %scan3A, %scan3A_19 : i32
    %scan3A_21 = arith.constant 1 : i32
    scf.for %scan3A_113 = %scan3A to %scan3A_20 step %scan3A_21  : i32 {
      %jit3A_114 = arith.constant 128 : i32
      %div3A = arith.divsi %scan3A_113, %jit3A_114 : i32
      %sign3A = arith.constant 0 : i32
      %sign3A_115 = arith.cmpi sgt, %scan3A_113, %sign3A : i32
      %sign3A_116 = arith.extui %sign3A_115 : i1 to i32
      %sign3A_117 = arith.constant 0 : i32
      %sign3A_118 = arith.cmpi slt, %scan3A_113, %sign3A_117 : i32
      %sign3A_119 = arith.extui %sign3A_118 : i1 to i32
      %sign3A_120 = arith.subi %sign3A_116, %sign3A_119 : i32
      %sign3A_121 = arith.constant 0 : i32
      %sign3A_122 = arith.cmpi sgt, %jit3A_114, %sign3A_121 : i32
      %sign3A_123 = arith.extui %sign3A_122 : i1 to i32
      %sign3A_124 = arith.constant 0 : i32
      %sign3A_125 = arith.cmpi slt, %jit3A_114, %sign3A_124 : i32
      %sign3A_126 = arith.extui %sign3A_125 : i1 to i32
      %sign3A_127 = arith.subi %sign3A_123, %sign3A_126 : i32
      %ne3A = arith.cmpi ne, %sign3A_120, %sign3A_127 : i32
      %rem3A = arith.remsi %scan3A_113, %jit3A_114 : i32
      %ne3A_128 = arith.constant 0 : i32
      %ne3A_129 = arith.cmpi ne, %rem3A, %ne3A_128 : i32
      %and3A_130 = arith.andi %ne3A, %ne3A_129 : i1
      %sub3A_131 = arith.constant 1 : i32
      %sub3A_132 = arith.subi %div3A, %sub3A_131 : i32
      %select_n3A_133 = arith.select %and3A_130, %sub3A_132, %div3A : i32
      %jit3A_134 = arith.constant 128 : i32
      %eq3A_135 = arith.constant 0 : i32
      %eq3A_136 = arith.cmpi eq, %jit3A_134, %eq3A_135 : i32
      %jit3A_137 = arith.constant 1 : i32
      %select_n3A_138 = arith.select %eq3A_136, %jit3A_137, %jit3A_134 : i32
      %rem3A_139 = arith.remsi %scan3A_113, %select_n3A_138 : i32
      %ne3A_140 = arith.constant 0 : i32
      %ne3A_141 = arith.cmpi ne, %rem3A_139, %ne3A_140 : i32
      %lt3A = arith.constant 0 : i32
      %lt3A_142 = arith.cmpi slt, %rem3A_139, %lt3A : i32
      %lt3A_143 = arith.constant 0 : i32
      %lt3A_144 = arith.cmpi slt, %select_n3A_138, %lt3A_143 : i32
      %ne3A_145 = arith.xori %lt3A_142, %lt3A_144 : i1
      %and3A_146 = arith.andi %ne3A_145, %ne3A_141 : i1
      %add3A_147 = arith.addi %rem3A_139, %select_n3A_138 : i32
      %select_n3A_148 = arith.select %and3A_146, %add3A_147, %rem3A_139 : i32
      %get3A_149 = arith.constant 0 : index
      %get3A_150 = arith.index_cast %select_n3A_133 : i32 to index
      %get3A_151 = arith.constant 0 : index
      %get3A_152 = vector.load %arg2[%get3A_149, %get3A_150, %get3A_151] : memref<1x128x128xf32, #tpu.memory_space<vmem>>, vector<1x1x128xf32>
      %get3A_153 = vector.shape_cast %get3A_152 : vector<1x1x128xf32> to vector<1x128xf32>
      %eq3A_154 = vector.broadcast %select_n3A_148 : i32 to vector<1x128xi32>
      %eq3A_155 = arith.cmpi eq, %iota3A_7, %eq3A_154 : vector<1x128xi32>
      %convert_element_type3A = arith.extui %eq3A_155 : vector<1x128xi1> to vector<1x128xi32>
      %convert_element_type3A_156 = arith.sitofp %convert_element_type3A : vector<1x128xi32> to vector<1x128xf32>
      %mul3A_157 = arith.mulf %get3A_153, %convert_element_type3A_156 : vector<1x128xf32>
      %reduce_sum3A_158 = vector.shape_cast %mul3A_157 : vector<1x128xf32> to vector<1x1x128xf32>
      %reduce_sum3A_159 = arith.constant dense<0.000000e+00> : vector<1xf32>
      %reduce_sum3A_160 = vector.multi_reduction <add>, %reduce_sum3A_158, %reduce_sum3A_159 [1, 2] : vector<1x1x128xf32> to vector<1xf32>
      %reduce_sum3A_161 = vector.shape_cast %reduce_sum3A_160 : vector<1xf32> to vector<1x1x1xf32>
      %reduce_sum3A_162 = vector.extract %reduce_sum3A_161[0, 0, 0] : f32 from vector<1x1x1xf32>
      %get3A_163 = arith.constant 0 : index
      %get3A_164 = arith.index_cast %select_n3A_133 : i32 to index
      %get3A_165 = arith.constant 0 : index
      %get3A_166 = vector.load %arg3[%get3A_163, %get3A_164, %get3A_165] : memref<1x128x128xf32, #tpu.memory_space<vmem>>, vector<1x1x128xf32>
      %get3A_167 = vector.shape_cast %get3A_166 : vector<1x1x128xf32> to vector<1x128xf32>
      %eq3A_168 = vector.broadcast %select_n3A_148 : i32 to vector<1x128xi32>
      %eq3A_169 = arith.cmpi eq, %iota3A_7, %eq3A_168 : vector<1x128xi32>
      %convert_element_type3A_170 = arith.extui %eq3A_169 : vector<1x128xi1> to vector<1x128xi32>
      %convert_element_type3A_171 = arith.sitofp %convert_element_type3A_170 : vector<1x128xi32> to vector<1x128xf32>
      %mul3A_172 = arith.mulf %get3A_167, %convert_element_type3A_171 : vector<1x128xf32>
      %reduce_sum3A_173 = vector.shape_cast %mul3A_172 : vector<1x128xf32> to vector<1x1x128xf32>
      %reduce_sum3A_174 = arith.constant dense<0.000000e+00> : vector<1xf32>
      %reduce_sum3A_175 = vector.multi_reduction <add>, %reduce_sum3A_173, %reduce_sum3A_174 [1, 2] : vector<1x1x128xf32> to vector<1xf32>
      %reduce_sum3A_176 = vector.shape_cast %reduce_sum3A_175 : vector<1xf32> to vector<1x1x1xf32>
      %reduce_sum3A_177 = vector.extract %reduce_sum3A_176[0, 0, 0] : f32 from vector<1x1x1xf32>
      %get3A_178 = arith.constant 0 : index
      %get3A_179 = arith.index_cast %select_n3A_133 : i32 to index
      %get3A_180 = arith.constant 0 : index
      %get3A_181 = vector.load %arg4[%get3A_178, %get3A_179, %get3A_180] : memref<1x128x128xf32, #tpu.memory_space<vmem>>, vector<1x1x128xf32>
      %get3A_182 = vector.shape_cast %get3A_181 : vector<1x1x128xf32> to vector<1x128xf32>
      %eq3A_183 = vector.broadcast %select_n3A_148 : i32 to vector<1x128xi32>
      %eq3A_184 = arith.cmpi eq, %iota3A_7, %eq3A_183 : vector<1x128xi32>
      %convert_element_type3A_185 = arith.extui %eq3A_184 : vector<1x128xi1> to vector<1x128xi32>
      %convert_element_type3A_186 = arith.sitofp %convert_element_type3A_185 : vector<1x128xi32> to vector<1x128xf32>
      %mul3A_187 = arith.mulf %get3A_182, %convert_element_type3A_186 : vector<1x128xf32>
      %reduce_sum3A_188 = vector.shape_cast %mul3A_187 : vector<1x128xf32> to vector<1x1x128xf32>
      %reduce_sum3A_189 = arith.constant dense<0.000000e+00> : vector<1xf32>
      %reduce_sum3A_190 = vector.multi_reduction <add>, %reduce_sum3A_188, %reduce_sum3A_189 [1, 2] : vector<1x1x128xf32> to vector<1xf32>
      %reduce_sum3A_191 = vector.shape_cast %reduce_sum3A_190 : vector<1xf32> to vector<1x1x1xf32>
      %reduce_sum3A_192 = vector.extract %reduce_sum3A_191[0, 0, 0] : f32 from vector<1x1x1xf32>
      %get3A_193 = arith.constant 0 : index
      %get3A_194 = arith.index_cast %select_n3A_133 : i32 to index
      %get3A_195 = arith.constant 0 : index
      %get3A_196 = vector.load %arg5[%get3A_193, %get3A_194, %get3A_195] : memref<1x128x128xf32, #tpu.memory_space<vmem>>, vector<1x1x128xf32>
      %get3A_197 = vector.shape_cast %get3A_196 : vector<1x1x128xf32> to vector<1x128xf32>
      %eq3A_198 = vector.broadcast %select_n3A_148 : i32 to vector<1x128xi32>
      %eq3A_199 = arith.cmpi eq, %iota3A_7, %eq3A_198 : vector<1x128xi32>
      %convert_element_type3A_200 = arith.extui %eq3A_199 : vector<1x128xi1> to vector<1x128xi32>
      %convert_element_type3A_201 = arith.sitofp %convert_element_type3A_200 : vector<1x128xi32> to vector<1x128xf32>
      %mul3A_202 = arith.mulf %get3A_197, %convert_element_type3A_201 : vector<1x128xf32>
      %reduce_sum3A_203 = vector.shape_cast %mul3A_202 : vector<1x128xf32> to vector<1x1x128xf32>
      %reduce_sum3A_204 = arith.constant dense<0.000000e+00> : vector<1xf32>
      %reduce_sum3A_205 = vector.multi_reduction <add>, %reduce_sum3A_203, %reduce_sum3A_204 [1, 2] : vector<1x1x128xf32> to vector<1xf32>
      %reduce_sum3A_206 = vector.shape_cast %reduce_sum3A_205 : vector<1xf32> to vector<1x1x1xf32>
      %reduce_sum3A_207 = vector.extract %reduce_sum3A_206[0, 0, 0] : f32 from vector<1x1x1xf32>
      %get3A_208 = arith.constant 0 : index
      %get3A_209 = arith.index_cast %select_n3A_133 : i32 to index
      %get3A_210 = arith.constant 0 : index
      %get3A_211 = vector.load %arg6[%get3A_208, %get3A_209, %get3A_210] : memref<1x128x128xf32, #tpu.memory_space<vmem>>, vector<1x1x128xf32>
      %get3A_212 = vector.shape_cast %get3A_211 : vector<1x1x128xf32> to vector<1x128xf32>
      %eq3A_213 = vector.broadcast %select_n3A_148 : i32 to vector<1x128xi32>
      %eq3A_214 = arith.cmpi eq, %iota3A_7, %eq3A_213 : vector<1x128xi32>
      %convert_element_type3A_215 = arith.extui %eq3A_214 : vector<1x128xi1> to vector<1x128xi32>
      %convert_element_type3A_216 = arith.sitofp %convert_element_type3A_215 : vector<1x128xi32> to vector<1x128xf32>
      %mul3A_217 = arith.mulf %get3A_212, %convert_element_type3A_216 : vector<1x128xf32>
      %reduce_sum3A_218 = vector.shape_cast %mul3A_217 : vector<1x128xf32> to vector<1x1x128xf32>
      %reduce_sum3A_219 = arith.constant dense<0.000000e+00> : vector<1xf32>
      %reduce_sum3A_220 = vector.multi_reduction <add>, %reduce_sum3A_218, %reduce_sum3A_219 [1, 2] : vector<1x1x128xf32> to vector<1xf32>
      %reduce_sum3A_221 = vector.shape_cast %reduce_sum3A_220 : vector<1xf32> to vector<1x1x1xf32>
      %reduce_sum3A_222 = vector.extract %reduce_sum3A_221[0, 0, 0] : f32 from vector<1x1x1xf32>
      %get3A_223 = arith.constant 0 : index
      %get3A_224 = arith.index_cast %select_n3A_133 : i32 to index
      %get3A_225 = arith.constant 0 : index
      %get3A_226 = vector.load %arg7[%get3A_223, %get3A_224, %get3A_225] : memref<1x128x128xf32, #tpu.memory_space<vmem>>, vector<1x1x128xf32>
      %get3A_227 = vector.shape_cast %get3A_226 : vector<1x1x128xf32> to vector<1x128xf32>
      %eq3A_228 = vector.broadcast %select_n3A_148 : i32 to vector<1x128xi32>
      %eq3A_229 = arith.cmpi eq, %iota3A_7, %eq3A_228 : vector<1x128xi32>
      %convert_element_type3A_230 = arith.extui %eq3A_229 : vector<1x128xi1> to vector<1x128xi32>
      %convert_element_type3A_231 = arith.sitofp %convert_element_type3A_230 : vector<1x128xi32> to vector<1x128xf32>
      %mul3A_232 = arith.mulf %get3A_227, %convert_element_type3A_231 : vector<1x128xf32>
      %reduce_sum3A_233 = vector.shape_cast %mul3A_232 : vector<1x128xf32> to vector<1x1x128xf32>
      %reduce_sum3A_234 = arith.constant dense<0.000000e+00> : vector<1xf32>
      %reduce_sum3A_235 = vector.multi_reduction <add>, %reduce_sum3A_233, %reduce_sum3A_234 [1, 2] : vector<1x1x128xf32> to vector<1xf32>
      %reduce_sum3A_236 = vector.shape_cast %reduce_sum3A_235 : vector<1xf32> to vector<1x1x1xf32>
      %reduce_sum3A_237 = vector.extract %reduce_sum3A_236[0, 0, 0] : f32 from vector<1x1x1xf32>
      %get3A_238 = arith.constant 0 : index
      %get3A_239 = arith.constant 0 : index
      %get3A_240 = arith.constant 0 : index
      %get3A_241 = vector.load %arg2[%get3A_238, %get3A_239, %get3A_240] : memref<1x128x128xf32, #tpu.memory_space<vmem>>, vector<1x128x128xf32>
      %get3A_242 = vector.shape_cast %get3A_241 : vector<1x128x128xf32> to vector<128x128xf32>
      %get3A_243 = arith.constant 0 : index
      %get3A_244 = arith.constant 0 : index
      %get3A_245 = arith.constant 0 : index
      %get3A_246 = vector.load %arg3[%get3A_243, %get3A_244, %get3A_245] : memref<1x128x128xf32, #tpu.memory_space<vmem>>, vector<1x128x128xf32>
      %get3A_247 = vector.shape_cast %get3A_246 : vector<1x128x128xf32> to vector<128x128xf32>
      %get3A_248 = arith.constant 0 : index
      %get3A_249 = arith.constant 0 : index
      %get3A_250 = arith.constant 0 : index
      %get3A_251 = vector.load %arg4[%get3A_248, %get3A_249, %get3A_250] : memref<1x128x128xf32, #tpu.memory_space<vmem>>, vector<1x128x128xf32>
      %get3A_252 = vector.shape_cast %get3A_251 : vector<1x128x128xf32> to vector<128x128xf32>
      %mul3A_253 = arith.mulf %reduce_sum3A_162, %reduce_sum3A_162 : f32
      %mul3A_254 = arith.mulf %reduce_sum3A_177, %reduce_sum3A_177 : f32
      %add3A_255 = arith.addf %mul3A_253, %mul3A_254 : f32
      %mul3A_256 = arith.mulf %reduce_sum3A_192, %reduce_sum3A_192 : f32
      %add3A_257 = arith.addf %add3A_255, %mul3A_256 : f32
      %mul3A_258 = arith.mulf %get3A_242, %get3A_242 : vector<128x128xf32>
      %mul3A_259 = arith.mulf %get3A_247, %get3A_247 : vector<128x128xf32>
      %add3A_260 = arith.addf %mul3A_258, %mul3A_259 : vector<128x128xf32>
      %mul3A_261 = arith.mulf %get3A_252, %get3A_252 : vector<128x128xf32>
      %add3A_262 = arith.addf %add3A_260, %mul3A_261 : vector<128x128xf32>
      %get3A_263 = arith.constant 0 : index
      %get3A_264 = arith.constant 0 : index
      %get3A_265 = arith.constant 0 : index
      %get3A_266 = vector.load %arg5[%get3A_263, %get3A_264, %get3A_265] : memref<1x128x128xf32, #tpu.memory_space<vmem>>, vector<1x128x128xf32>
      %get3A_267 = vector.shape_cast %get3A_266 : vector<1x128x128xf32> to vector<128x128xf32>
      %mul3A_268 = vector.broadcast %reduce_sum3A_207 : f32 to vector<128x128xf32>
      %mul3A_269 = arith.mulf %mul3A_268, %get3A_267 : vector<128x128xf32>
      %get3A_270 = arith.constant 0 : index
      %get3A_271 = arith.constant 0 : index
      %get3A_272 = arith.constant 0 : index
      %get3A_273 = vector.load %arg6[%get3A_270, %get3A_271, %get3A_272] : memref<1x128x128xf32, #tpu.memory_space<vmem>>, vector<1x128x128xf32>
      %get3A_274 = vector.shape_cast %get3A_273 : vector<1x128x128xf32> to vector<128x128xf32>
      %mul3A_275 = vector.broadcast %reduce_sum3A_222 : f32 to vector<128x128xf32>
      %mul3A_276 = arith.mulf %mul3A_275, %get3A_274 : vector<128x128xf32>
      %add3A_277 = arith.addf %mul3A_269, %mul3A_276 : vector<128x128xf32>
      %get3A_278 = arith.constant 0 : index
      %get3A_279 = arith.constant 0 : index
      %get3A_280 = arith.constant 0 : index
      %get3A_281 = vector.load %arg7[%get3A_278, %get3A_279, %get3A_280] : memref<1x128x128xf32, #tpu.memory_space<vmem>>, vector<1x128x128xf32>
      %get3A_282 = vector.shape_cast %get3A_281 : vector<1x128x128xf32> to vector<128x128xf32>
      %mul3A_283 = vector.broadcast %reduce_sum3A_237 : f32 to vector<128x128xf32>
      %mul3A_284 = arith.mulf %mul3A_283, %get3A_282 : vector<128x128xf32>
      %add3A_285 = arith.addf %add3A_277, %mul3A_284 : vector<128x128xf32>
      %add3A_286 = vector.broadcast %add3A_257 : f32 to vector<128x128xf32>
      %add3A_287 = arith.addf %add3A_286, %add3A_262 : vector<128x128xf32>
      %mul3A_288 = arith.constant 2.000000e+00 : f32
      %mul3A_289 = vector.broadcast %mul3A_288 : f32 to vector<128x128xf32>
      %mul3A_290 = arith.mulf %mul3A_289, %add3A_285 : vector<128x128xf32>
      %sub3A_291 = arith.subf %add3A_287, %mul3A_290 : vector<128x128xf32>
      %lt3A_292 = vector.broadcast %get3A_3 : f32 to vector<128x128xf32>
      %lt3A_293 = arith.cmpf olt, %sub3A_291, %lt3A_292 : vector<128x128xf32>
      %get3A_294 = arith.constant 0 : index
      %get3A_295 = arith.constant 0 : index
      %get3A_296 = vector.load %arg15[%get3A_294, %get3A_295] : memref<128x128xf32, #tpu.memory_space<vmem>>, vector<128x128xf32>
      %gt3A_297 = arith.constant 0.000000e+00 : f32
      %gt3A_298 = vector.broadcast %gt3A_297 : f32 to vector<128x128xf32>
      %gt3A_299 = arith.cmpf ogt, %get3A_296, %gt3A_298 : vector<128x128xf32>
      %and3A_300 = arith.andi %lt3A_293, %gt3A_299 : vector<128x128xi1>
      %lt3A_301 = vector.broadcast %scan3A_113 : i32 to vector<128x128xi32>
      %lt3A_302 = arith.cmpi slt, %add3A, %lt3A_301 : vector<128x128xi32>
      %and3A_303 = arith.andi %and3A_300, %lt3A_302 : vector<128x128xi1>
      %reduce_or3A = arith.constant 1.000000e+00 : f32
      %reduce_or3A_304 = arith.constant 0.000000e+00 : f32
      %reduce_or3A_305 = vector.broadcast %reduce_or3A : f32 to vector<128x128xf32>
      %reduce_or3A_306 = vector.broadcast %reduce_or3A_304 : f32 to vector<128x128xf32>
      %reduce_or3A_307 = arith.select %and3A_303, %reduce_or3A_305, %reduce_or3A_306 : vector<128x128xi1>, vector<128x128xf32>
      %reduce_or3A_308 = vector.shape_cast %reduce_or3A_307 : vector<128x128xf32> to vector<1x128x128xf32>
      %reduce_or3A_309 = arith.constant dense<0xFF800000> : vector<1xf32>
      %reduce_or3A_310 = vector.multi_reduction <maximumf>, %reduce_or3A_308, %reduce_or3A_309 [1, 2] : vector<1x128x128xf32> to vector<1xf32>
      %reduce_or3A_311 = vector.shape_cast %reduce_or3A_310 : vector<1xf32> to vector<1x1x1xf32>
      %reduce_or3A_312 = vector.extract %reduce_or3A_311[0, 0, 0] : f32 from vector<1x1x1xf32>
      %reduce_or3A_313 = arith.constant 0.000000e+00 : f32
      %reduce_or3A_314 = arith.cmpf ogt, %reduce_or3A_312, %reduce_or3A_313 : f32
      %get3A_315 = arith.index_cast %select_n3A_133 : i32 to index
      %get3A_316 = arith.constant 0 : index
      %get3A_317 = vector.load %arg15[%get3A_315, %get3A_316] : memref<128x128xf32, #tpu.memory_space<vmem>>, vector<1x128xf32>
      %eq3A_318 = vector.broadcast %select_n3A_148 : i32 to vector<1x128xi32>
      %eq3A_319 = arith.cmpi eq, %iota3A_7, %eq3A_318 : vector<1x128xi32>
      %and3A_320 = vector.broadcast %reduce_or3A_314 : i1 to vector<1x128xi1>
      %and3A_321 = arith.andi %eq3A_319, %and3A_320 : vector<1x128xi1>
      %jit3A_322 = arith.constant 0.000000e+00 : f32
      %broadcast_in_dim3A_323 = vector.broadcast %jit3A_322 : f32 to vector<1x128xf32>
      %select_n3A_324 = arith.select %and3A_321, %broadcast_in_dim3A_323, %get3A_317 : vector<1x128xi1>, vector<1x128xf32>
      %swap3A_325 = arith.index_cast %select_n3A_133 : i32 to index
      %swap3A_326 = arith.constant 0 : index
      %swap3A_327 = vector.load %arg15[%swap3A_325, %swap3A_326] : memref<128x128xf32, #tpu.memory_space<vmem>>, vector<1x128xf32>
      tpu.vector_store %arg15[%swap3A_325, %swap3A_326], %select_n3A_324 {strides = array<i32>} : memref<128x128xf32, #tpu.memory_space<vmem>>, vector<1x128xf32>,
    }
    %scan3A_22 = arith.constant 16384 : i32
    %get3A_23 = arith.constant 0 : index
    %get3A_24 = arith.constant 0 : index
    %get3A_25 = arith.constant 0 : index
    %get3A_26 = vector.load %arg8[%get3A_23, %get3A_24, %get3A_25] : memref<1x128x128xf32, #tpu.memory_space<vmem>>, vector<1x128x128xf32>
    %get3A_27 = vector.shape_cast %get3A_26 : vector<1x128x128xf32> to vector<128x128xf32>
    %gt3A_28 = arith.constant 5.000000e-01 : f32
    %gt3A_29 = vector.broadcast %gt3A_28 : f32 to vector<128x128xf32>
    %gt3A_30 = arith.cmpf ogt, %get3A_27, %gt3A_29 : vector<128x128xf32>
    %jit3A_31 = arith.constant 1.000000e+00 : f32
    %jit3A_32 = arith.constant 0.000000e+00 : f32
    %broadcast_in_dim3A_33 = vector.broadcast %jit3A_31 : f32 to vector<128x128xf32>
    %broadcast_in_dim3A_34 = vector.broadcast %jit3A_32 : f32 to vector<128x128xf32>
    %select_n3A_35 = arith.select %gt3A_30, %broadcast_in_dim3A_33, %broadcast_in_dim3A_34 : vector<128x128xi1>, vector<128x128xf32>
    %swap3A_36 = arith.constant 0 : index
    %swap3A_37 = arith.constant 0 : index
    %swap3A_38 = vector.load %arg16[%swap3A_36, %swap3A_37] : memref<128x128xf32, #tpu.memory_space<vmem>>, vector<128x128xf32>
    tpu.vector_store %arg16[%swap3A_36, %swap3A_37], %select_n3A_35 {strides = array<i32>} : memref<128x128xf32, #tpu.memory_space<vmem>>, vector<128x128xf32>,
    %scan3A_39 = arith.constant 0 : i32
    %scan3A_40 = arith.constant 16384 : i32
    %scan3A_41 = arith.addi %scan3A_39, %scan3A_40 : i32
    %scan3A_42 = arith.constant 1 : i32
    scf.for %scan3A_113 = %scan3A_39 to %scan3A_41 step %scan3A_42  : i32 {
      %jit3A_114 = arith.constant 128 : i32
      %div3A = arith.divsi %scan3A_113, %jit3A_114 : i32
      %sign3A = arith.constant 0 : i32
      %sign3A_115 = arith.cmpi sgt, %scan3A_113, %sign3A : i32
      %sign3A_116 = arith.extui %sign3A_115 : i1 to i32
      %sign3A_117 = arith.constant 0 : i32
      %sign3A_118 = arith.cmpi slt, %scan3A_113, %sign3A_117 : i32
      %sign3A_119 = arith.extui %sign3A_118 : i1 to i32
      %sign3A_120 = arith.subi %sign3A_116, %sign3A_119 : i32
      %sign3A_121 = arith.constant 0 : i32
      %sign3A_122 = arith.cmpi sgt, %jit3A_114, %sign3A_121 : i32
      %sign3A_123 = arith.extui %sign3A_122 : i1 to i32
      %sign3A_124 = arith.constant 0 : i32
      %sign3A_125 = arith.cmpi slt, %jit3A_114, %sign3A_124 : i32
      %sign3A_126 = arith.extui %sign3A_125 : i1 to i32
      %sign3A_127 = arith.subi %sign3A_123, %sign3A_126 : i32
      %ne3A = arith.cmpi ne, %sign3A_120, %sign3A_127 : i32
      %rem3A = arith.remsi %scan3A_113, %jit3A_114 : i32
      %ne3A_128 = arith.constant 0 : i32
      %ne3A_129 = arith.cmpi ne, %rem3A, %ne3A_128 : i32
      %and3A_130 = arith.andi %ne3A, %ne3A_129 : i1
      %sub3A_131 = arith.constant 1 : i32
      %sub3A_132 = arith.subi %div3A, %sub3A_131 : i32
      %select_n3A_133 = arith.select %and3A_130, %sub3A_132, %div3A : i32
      %jit3A_134 = arith.constant 128 : i32
      %eq3A_135 = arith.constant 0 : i32
      %eq3A_136 = arith.cmpi eq, %jit3A_134, %eq3A_135 : i32
      %jit3A_137 = arith.constant 1 : i32
      %select_n3A_138 = arith.select %eq3A_136, %jit3A_137, %jit3A_134 : i32
      %rem3A_139 = arith.remsi %scan3A_113, %select_n3A_138 : i32
      %ne3A_140 = arith.constant 0 : i32
      %ne3A_141 = arith.cmpi ne, %rem3A_139, %ne3A_140 : i32
      %lt3A = arith.constant 0 : i32
      %lt3A_142 = arith.cmpi slt, %rem3A_139, %lt3A : i32
      %lt3A_143 = arith.constant 0 : i32
      %lt3A_144 = arith.cmpi slt, %select_n3A_138, %lt3A_143 : i32
      %ne3A_145 = arith.xori %lt3A_142, %lt3A_144 : i1
      %and3A_146 = arith.andi %ne3A_145, %ne3A_141 : i1
      %add3A_147 = arith.addi %rem3A_139, %select_n3A_138 : i32
      %select_n3A_148 = arith.select %and3A_146, %add3A_147, %rem3A_139 : i32
      %get3A_149 = arith.constant 0 : index
      %get3A_150 = arith.index_cast %select_n3A_133 : i32 to index
      %get3A_151 = arith.constant 0 : index
      %get3A_152 = vector.load %arg8[%get3A_149, %get3A_150, %get3A_151] : memref<1x128x128xf32, #tpu.memory_space<vmem>>, vector<1x1x128xf32>
      %get3A_153 = vector.shape_cast %get3A_152 : vector<1x1x128xf32> to vector<1x128xf32>
      %eq3A_154 = vector.broadcast %select_n3A_148 : i32 to vector<1x128xi32>
      %eq3A_155 = arith.cmpi eq, %iota3A_7, %eq3A_154 : vector<1x128xi32>
      %convert_element_type3A = arith.extui %eq3A_155 : vector<1x128xi1> to vector<1x128xi32>
      %convert_element_type3A_156 = arith.sitofp %convert_element_type3A : vector<1x128xi32> to vector<1x128xf32>
      %mul3A_157 = arith.mulf %get3A_153, %convert_element_type3A_156 : vector<1x128xf32>
      %reduce_sum3A_158 = vector.shape_cast %mul3A_157 : vector<1x128xf32> to vector<1x1x128xf32>
      %reduce_sum3A_159 = arith.constant dense<0.000000e+00> : vector<1xf32>
      %reduce_sum3A_160 = vector.multi_reduction <add>, %reduce_sum3A_158, %reduce_sum3A_159 [1, 2] : vector<1x1x128xf32> to vector<1xf32>
      %reduce_sum3A_161 = vector.shape_cast %reduce_sum3A_160 : vector<1xf32> to vector<1x1x1xf32>
      %reduce_sum3A_162 = vector.extract %reduce_sum3A_161[0, 0, 0] : f32 from vector<1x1x1xf32>
      %get3A_163 = arith.constant 0 : index
      %get3A_164 = arith.index_cast %select_n3A_133 : i32 to index
      %get3A_165 = arith.constant 0 : index
      %get3A_166 = vector.load %arg9[%get3A_163, %get3A_164, %get3A_165] : memref<1x128x128xf32, #tpu.memory_space<vmem>>, vector<1x1x128xf32>
      %get3A_167 = vector.shape_cast %get3A_166 : vector<1x1x128xf32> to vector<1x128xf32>
      %eq3A_168 = vector.broadcast %select_n3A_148 : i32 to vector<1x128xi32>
      %eq3A_169 = arith.cmpi eq, %iota3A_7, %eq3A_168 : vector<1x128xi32>
      %convert_element_type3A_170 = arith.extui %eq3A_169 : vector<1x128xi1> to vector<1x128xi32>
      %convert_element_type3A_171 = arith.sitofp %convert_element_type3A_170 : vector<1x128xi32> to vector<1x128xf32>
      %mul3A_172 = arith.mulf %get3A_167, %convert_element_type3A_171 : vector<1x128xf32>
      %reduce_sum3A_173 = vector.shape_cast %mul3A_172 : vector<1x128xf32> to vector<1x1x128xf32>
      %reduce_sum3A_174 = arith.constant dense<0.000000e+00> : vector<1xf32>
      %reduce_sum3A_175 = vector.multi_reduction <add>, %reduce_sum3A_173, %reduce_sum3A_174 [1, 2] : vector<1x1x128xf32> to vector<1xf32>
      %reduce_sum3A_176 = vector.shape_cast %reduce_sum3A_175 : vector<1xf32> to vector<1x1x1xf32>
      %reduce_sum3A_177 = vector.extract %reduce_sum3A_176[0, 0, 0] : f32 from vector<1x1x1xf32>
      %get3A_178 = arith.constant 0 : index
      %get3A_179 = arith.index_cast %select_n3A_133 : i32 to index
      %get3A_180 = arith.constant 0 : index
      %get3A_181 = vector.load %arg10[%get3A_178, %get3A_179, %get3A_180] : memref<1x128x128xf32, #tpu.memory_space<vmem>>, vector<1x1x128xf32>
      %get3A_182 = vector.shape_cast %get3A_181 : vector<1x1x128xf32> to vector<1x128xf32>
      %eq3A_183 = vector.broadcast %select_n3A_148 : i32 to vector<1x128xi32>
      %eq3A_184 = arith.cmpi eq, %iota3A_7, %eq3A_183 : vector<1x128xi32>
      %convert_element_type3A_185 = arith.extui %eq3A_184 : vector<1x128xi1> to vector<1x128xi32>
      %convert_element_type3A_186 = arith.sitofp %convert_element_type3A_185 : vector<1x128xi32> to vector<1x128xf32>
      %mul3A_187 = arith.mulf %get3A_182, %convert_element_type3A_186 : vector<1x128xf32>
      %reduce_sum3A_188 = vector.shape_cast %mul3A_187 : vector<1x128xf32> to vector<1x1x128xf32>
      %reduce_sum3A_189 = arith.constant dense<0.000000e+00> : vector<1xf32>
      %reduce_sum3A_190 = vector.multi_reduction <add>, %reduce_sum3A_188, %reduce_sum3A_189 [1, 2] : vector<1x1x128xf32> to vector<1xf32>
      %reduce_sum3A_191 = vector.shape_cast %reduce_sum3A_190 : vector<1xf32> to vector<1x1x1xf32>
      %reduce_sum3A_192 = vector.extract %reduce_sum3A_191[0, 0, 0] : f32 from vector<1x1x1xf32>
      %get3A_193 = arith.constant 0 : index
      %get3A_194 = arith.index_cast %select_n3A_133 : i32 to index
      %get3A_195 = arith.constant 0 : index
      %get3A_196 = vector.load %arg11[%get3A_193, %get3A_194, %get3A_195] : memref<1x128x128xf32, #tpu.memory_space<vmem>>, vector<1x1x128xf32>
      %get3A_197 = vector.shape_cast %get3A_196 : vector<1x1x128xf32> to vector<1x128xf32>
      %eq3A_198 = vector.broadcast %select_n3A_148 : i32 to vector<1x128xi32>
      %eq3A_199 = arith.cmpi eq, %iota3A_7, %eq3A_198 : vector<1x128xi32>
      %convert_element_type3A_200 = arith.extui %eq3A_199 : vector<1x128xi1> to vector<1x128xi32>
      %convert_element_type3A_201 = arith.sitofp %convert_element_type3A_200 : vector<1x128xi32> to vector<1x128xf32>
      %mul3A_202 = arith.mulf %get3A_197, %convert_element_type3A_201 : vector<1x128xf32>
      %reduce_sum3A_203 = vector.shape_cast %mul3A_202 : vector<1x128xf32> to vector<1x1x128xf32>
      %reduce_sum3A_204 = arith.constant dense<0.000000e+00> : vector<1xf32>
      %reduce_sum3A_205 = vector.multi_reduction <add>, %reduce_sum3A_203, %reduce_sum3A_204 [1, 2] : vector<1x1x128xf32> to vector<1xf32>
      %reduce_sum3A_206 = vector.shape_cast %reduce_sum3A_205 : vector<1xf32> to vector<1x1x1xf32>
      %reduce_sum3A_207 = vector.extract %reduce_sum3A_206[0, 0, 0] : f32 from vector<1x1x1xf32>
      %get3A_208 = arith.constant 0 : index
      %get3A_209 = arith.index_cast %select_n3A_133 : i32 to index
      %get3A_210 = arith.constant 0 : index
      %get3A_211 = vector.load %arg12[%get3A_208, %get3A_209, %get3A_210] : memref<1x128x128xf32, #tpu.memory_space<vmem>>, vector<1x1x128xf32>
      %get3A_212 = vector.shape_cast %get3A_211 : vector<1x1x128xf32> to vector<1x128xf32>
      %eq3A_213 = vector.broadcast %select_n3A_148 : i32 to vector<1x128xi32>
      %eq3A_214 = arith.cmpi eq, %iota3A_7, %eq3A_213 : vector<1x128xi32>
      %convert_element_type3A_215 = arith.extui %eq3A_214 : vector<1x128xi1> to vector<1x128xi32>
      %convert_element_type3A_216 = arith.sitofp %convert_element_type3A_215 : vector<1x128xi32> to vector<1x128xf32>
      %mul3A_217 = arith.mulf %get3A_212, %convert_element_type3A_216 : vector<1x128xf32>
      %reduce_sum3A_218 = vector.shape_cast %mul3A_217 : vector<1x128xf32> to vector<1x1x128xf32>
      %reduce_sum3A_219 = arith.constant dense<0.000000e+00> : vector<1xf32>
      %reduce_sum3A_220 = vector.multi_reduction <add>, %reduce_sum3A_218, %reduce_sum3A_219 [1, 2] : vector<1x1x128xf32> to vector<1xf32>
      %reduce_sum3A_221 = vector.shape_cast %reduce_sum3A_220 : vector<1xf32> to vector<1x1x1xf32>
      %reduce_sum3A_222 = vector.extract %reduce_sum3A_221[0, 0, 0] : f32 from vector<1x1x1xf32>
      %get3A_223 = arith.constant 0 : index
      %get3A_224 = arith.index_cast %select_n3A_133 : i32 to index
      %get3A_225 = arith.constant 0 : index
      %get3A_226 = vector.load %arg13[%get3A_223, %get3A_224, %get3A_225] : memref<1x128x128xf32, #tpu.memory_space<vmem>>, vector<1x1x128xf32>
      %get3A_227 = vector.shape_cast %get3A_226 : vector<1x1x128xf32> to vector<1x128xf32>
      %eq3A_228 = vector.broadcast %select_n3A_148 : i32 to vector<1x128xi32>
      %eq3A_229 = arith.cmpi eq, %iota3A_7, %eq3A_228 : vector<1x128xi32>
      %convert_element_type3A_230 = arith.extui %eq3A_229 : vector<1x128xi1> to vector<1x128xi32>
      %convert_element_type3A_231 = arith.sitofp %convert_element_type3A_230 : vector<1x128xi32> to vector<1x128xf32>
      %mul3A_232 = arith.mulf %get3A_227, %convert_element_type3A_231 : vector<1x128xf32>
      %reduce_sum3A_233 = vector.shape_cast %mul3A_232 : vector<1x128xf32> to vector<1x1x128xf32>
      %reduce_sum3A_234 = arith.constant dense<0.000000e+00> : vector<1xf32>
      %reduce_sum3A_235 = vector.multi_reduction <add>, %reduce_sum3A_233, %reduce_sum3A_234 [1, 2] : vector<1x1x128xf32> to vector<1xf32>
      %reduce_sum3A_236 = vector.shape_cast %reduce_sum3A_235 : vector<1xf32> to vector<1x1x1xf32>
      %reduce_sum3A_237 = vector.extract %reduce_sum3A_236[0, 0, 0] : f32 from vector<1x1x1xf32>
      %get3A_238 = arith.constant 0 : index
      %get3A_239 = arith.constant 0 : index
      %get3A_240 = arith.constant 0 : index
      %get3A_241 = vector.load %arg8[%get3A_238, %get3A_239, %get3A_240] : memref<1x128x128xf32, #tpu.memory_space<vmem>>, vector<1x128x128xf32>
      %get3A_242 = vector.shape_cast %get3A_241 : vector<1x128x128xf32> to vector<128x128xf32>
      %get3A_243 = arith.constant 0 : index
      %get3A_244 = arith.constant 0 : index
      %get3A_245 = arith.constant 0 : index
      %get3A_246 = vector.load %arg9[%get3A_243, %get3A_244, %get3A_245] : memref<1x128x128xf32, #tpu.memory_space<vmem>>, vector<1x128x128xf32>
      %get3A_247 = vector.shape_cast %get3A_246 : vector<1x128x128xf32> to vector<128x128xf32>
      %get3A_248 = arith.constant 0 : index
      %get3A_249 = arith.constant 0 : index
      %get3A_250 = arith.constant 0 : index
      %get3A_251 = vector.load %arg10[%get3A_248, %get3A_249, %get3A_250] : memref<1x128x128xf32, #tpu.memory_space<vmem>>, vector<1x128x128xf32>
      %get3A_252 = vector.shape_cast %get3A_251 : vector<1x128x128xf32> to vector<128x128xf32>
      %mul3A_253 = arith.mulf %reduce_sum3A_162, %reduce_sum3A_162 : f32
      %mul3A_254 = arith.mulf %reduce_sum3A_177, %reduce_sum3A_177 : f32
      %add3A_255 = arith.addf %mul3A_253, %mul3A_254 : f32
      %mul3A_256 = arith.mulf %reduce_sum3A_192, %reduce_sum3A_192 : f32
      %add3A_257 = arith.addf %add3A_255, %mul3A_256 : f32
      %mul3A_258 = arith.mulf %get3A_242, %get3A_242 : vector<128x128xf32>
      %mul3A_259 = arith.mulf %get3A_247, %get3A_247 : vector<128x128xf32>
      %add3A_260 = arith.addf %mul3A_258, %mul3A_259 : vector<128x128xf32>
      %mul3A_261 = arith.mulf %get3A_252, %get3A_252 : vector<128x128xf32>
      %add3A_262 = arith.addf %add3A_260, %mul3A_261 : vector<128x128xf32>
      %get3A_263 = arith.constant 0 : index
      %get3A_264 = arith.constant 0 : index
      %get3A_265 = arith.constant 0 : index
      %get3A_266 = vector.load %arg11[%get3A_263, %get3A_264, %get3A_265] : memref<1x128x128xf32, #tpu.memory_space<vmem>>, vector<1x128x128xf32>
      %get3A_267 = vector.shape_cast %get3A_266 : vector<1x128x128xf32> to vector<128x128xf32>
      %mul3A_268 = vector.broadcast %reduce_sum3A_207 : f32 to vector<128x128xf32>
      %mul3A_269 = arith.mulf %mul3A_268, %get3A_267 : vector<128x128xf32>
      %get3A_270 = arith.constant 0 : index
      %get3A_271 = arith.constant 0 : index
      %get3A_272 = arith.constant 0 : index
      %get3A_273 = vector.load %arg12[%get3A_270, %get3A_271, %get3A_272] : memref<1x128x128xf32, #tpu.memory_space<vmem>>, vector<1x128x128xf32>
      %get3A_274 = vector.shape_cast %get3A_273 : vector<1x128x128xf32> to vector<128x128xf32>
      %mul3A_275 = vector.broadcast %reduce_sum3A_222 : f32 to vector<128x128xf32>
      %mul3A_276 = arith.mulf %mul3A_275, %get3A_274 : vector<128x128xf32>
      %add3A_277 = arith.addf %mul3A_269, %mul3A_276 : vector<128x128xf32>
      %get3A_278 = arith.constant 0 : index
      %get3A_279 = arith.constant 0 : index
      %get3A_280 = arith.constant 0 : index
      %get3A_281 = vector.load %arg13[%get3A_278, %get3A_279, %get3A_280] : memref<1x128x128xf32, #tpu.memory_space<vmem>>, vector<1x128x128xf32>
      %get3A_282 = vector.shape_cast %get3A_281 : vector<1x128x128xf32> to vector<128x128xf32>
      %mul3A_283 = vector.broadcast %reduce_sum3A_237 : f32 to vector<128x128xf32>
      %mul3A_284 = arith.mulf %mul3A_283, %get3A_282 : vector<128x128xf32>
      %add3A_285 = arith.addf %add3A_277, %mul3A_284 : vector<128x128xf32>
      %add3A_286 = vector.broadcast %add3A_257 : f32 to vector<128x128xf32>
      %add3A_287 = arith.addf %add3A_286, %add3A_262 : vector<128x128xf32>
      %mul3A_288 = arith.constant 2.000000e+00 : f32
      %mul3A_289 = vector.broadcast %mul3A_288 : f32 to vector<128x128xf32>
      %mul3A_290 = arith.mulf %mul3A_289, %add3A_285 : vector<128x128xf32>
      %sub3A_291 = arith.subf %add3A_287, %mul3A_290 : vector<128x128xf32>
      %lt3A_292 = vector.broadcast %get3A_3 : f32 to vector<128x128xf32>
      %lt3A_293 = arith.cmpf olt, %sub3A_291, %lt3A_292 : vector<128x128xf32>
      %get3A_294 = arith.constant 0 : index
      %get3A_295 = arith.constant 0 : index
      %get3A_296 = vector.load %arg16[%get3A_294, %get3A_295] : memref<128x128xf32, #tpu.memory_space<vmem>>, vector<128x128xf32>
      %gt3A_297 = arith.constant 0.000000e+00 : f32
      %gt3A_298 = vector.broadcast %gt3A_297 : f32 to vector<128x128xf32>
      %gt3A_299 = arith.cmpf ogt, %get3A_296, %gt3A_298 : vector<128x128xf32>
      %and3A_300 = arith.andi %lt3A_293, %gt3A_299 : vector<128x128xi1>
      %lt3A_301 = vector.broadcast %scan3A_113 : i32 to vector<128x128xi32>
      %lt3A_302 = arith.cmpi slt, %add3A, %lt3A_301 : vector<128x128xi32>
      %and3A_303 = arith.andi %and3A_300, %lt3A_302 : vector<128x128xi1>
      %reduce_or3A = arith.constant 1.000000e+00 : f32
      %reduce_or3A_304 = arith.constant 0.000000e+00 : f32
      %reduce_or3A_305 = vector.broadcast %reduce_or3A : f32 to vector<128x128xf32>
      %reduce_or3A_306 = vector.broadcast %reduce_or3A_304 : f32 to vector<128x128xf32>
      %reduce_or3A_307 = arith.select %and3A_303, %reduce_or3A_305, %reduce_or3A_306 : vector<128x128xi1>, vector<128x128xf32>
      %reduce_or3A_308 = vector.shape_cast %reduce_or3A_307 : vector<128x128xf32> to vector<1x128x128xf32>
      %reduce_or3A_309 = arith.constant dense<0xFF800000> : vector<1xf32>
      %reduce_or3A_310 = vector.multi_reduction <maximumf>, %reduce_or3A_308, %reduce_or3A_309 [1, 2] : vector<1x128x128xf32> to vector<1xf32>
      %reduce_or3A_311 = vector.shape_cast %reduce_or3A_310 : vector<1xf32> to vector<1x1x1xf32>
      %reduce_or3A_312 = vector.extract %reduce_or3A_311[0, 0, 0] : f32 from vector<1x1x1xf32>
      %reduce_or3A_313 = arith.constant 0.000000e+00 : f32
      %reduce_or3A_314 = arith.cmpf ogt, %reduce_or3A_312, %reduce_or3A_313 : f32
      %get3A_315 = arith.index_cast %select_n3A_133 : i32 to index
      %get3A_316 = arith.constant 0 : index
      %get3A_317 = vector.load %arg16[%get3A_315, %get3A_316] : memref<128x128xf32, #tpu.memory_space<vmem>>, vector<1x128xf32>
      %eq3A_318 = vector.broadcast %select_n3A_148 : i32 to vector<1x128xi32>
      %eq3A_319 = arith.cmpi eq, %iota3A_7, %eq3A_318 : vector<1x128xi32>
      %and3A_320 = vector.broadcast %reduce_or3A_314 : i1 to vector<1x128xi1>
      %and3A_321 = arith.andi %eq3A_319, %and3A_320 : vector<1x128xi1>
      %jit3A_322 = arith.constant 0.000000e+00 : f32
      %broadcast_in_dim3A_323 = vector.broadcast %jit3A_322 : f32 to vector<1x128xf32>
      %select_n3A_324 = arith.select %and3A_321, %broadcast_in_dim3A_323, %get3A_317 : vector<1x128xi1>, vector<1x128xf32>
      %swap3A_325 = arith.index_cast %select_n3A_133 : i32 to index
      %swap3A_326 = arith.constant 0 : index
      %swap3A_327 = vector.load %arg16[%swap3A_325, %swap3A_326] : memref<128x128xf32, #tpu.memory_space<vmem>>, vector<1x128xf32>
      tpu.vector_store %arg16[%swap3A_325, %swap3A_326], %select_n3A_324 {strides = array<i32>} : memref<128x128xf32, #tpu.memory_space<vmem>>, vector<1x128xf32>,
    }
    %scan3A_43 = arith.constant 16384 : i32
    %broadcast_in_dim3A_44 = arith.constant 0.000000e+00 : f32
    %broadcast_in_dim3A_45 = vector.broadcast %broadcast_in_dim3A_44 : f32 to vector<128x128xf32>
    %swap3A_46 = arith.constant 0 : index
    %swap3A_47 = arith.constant 0 : index
    %swap3A_48 = vector.load %arg17[%swap3A_46, %swap3A_47] : memref<128x128xf32, #tpu.memory_space<vmem>>, vector<128x128xf32>
    tpu.vector_store %arg17[%swap3A_46, %swap3A_47], %broadcast_in_dim3A_45 {strides = array<i32>} : memref<128x128xf32, #tpu.memory_space<vmem>>, vector<128x128xf32>,
    %scan3A_49 = arith.constant 0.000000e+00 : f32
    %scan3A_50 = arith.constant 0 : i32
    %scan3A_51 = arith.constant 16384 : i32
    %scan3A_52 = arith.addi %scan3A_50, %scan3A_51 : i32
    %scan3A_53 = arith.constant 1 : i32
    %scan3A_54 = scf.for %scan3A_113 = %scan3A_50 to %scan3A_52 step %scan3A_53 iter_args(%scan3A_114 = %scan3A_49) -> (f32)  : i32 {
      %jit3A_115 = arith.constant 128 : i32
      %div3A = arith.divsi %scan3A_113, %jit3A_115 : i32
      %sign3A = arith.constant 0 : i32
      %sign3A_116 = arith.cmpi sgt, %scan3A_113, %sign3A : i32
      %sign3A_117 = arith.extui %sign3A_116 : i1 to i32
      %sign3A_118 = arith.constant 0 : i32
      %sign3A_119 = arith.cmpi slt, %scan3A_113, %sign3A_118 : i32
      %sign3A_120 = arith.extui %sign3A_119 : i1 to i32
      %sign3A_121 = arith.subi %sign3A_117, %sign3A_120 : i32
      %sign3A_122 = arith.constant 0 : i32
      %sign3A_123 = arith.cmpi sgt, %jit3A_115, %sign3A_122 : i32
      %sign3A_124 = arith.extui %sign3A_123 : i1 to i32
      %sign3A_125 = arith.constant 0 : i32
      %sign3A_126 = arith.cmpi slt, %jit3A_115, %sign3A_125 : i32
      %sign3A_127 = arith.extui %sign3A_126 : i1 to i32
      %sign3A_128 = arith.subi %sign3A_124, %sign3A_127 : i32
      %ne3A = arith.cmpi ne, %sign3A_121, %sign3A_128 : i32
      %rem3A = arith.remsi %scan3A_113, %jit3A_115 : i32
      %ne3A_129 = arith.constant 0 : i32
      %ne3A_130 = arith.cmpi ne, %rem3A, %ne3A_129 : i32
      %and3A_131 = arith.andi %ne3A, %ne3A_130 : i1
      %sub3A_132 = arith.constant 1 : i32
      %sub3A_133 = arith.subi %div3A, %sub3A_132 : i32
      %select_n3A_134 = arith.select %and3A_131, %sub3A_133, %div3A : i32
      %jit3A_135 = arith.constant 128 : i32
      %eq3A_136 = arith.constant 0 : i32
      %eq3A_137 = arith.cmpi eq, %jit3A_135, %eq3A_136 : i32
      %jit3A_138 = arith.constant 1 : i32
      %select_n3A_139 = arith.select %eq3A_137, %jit3A_138, %jit3A_135 : i32
      %rem3A_140 = arith.remsi %scan3A_113, %select_n3A_139 : i32
      %ne3A_141 = arith.constant 0 : i32
      %ne3A_142 = arith.cmpi ne, %rem3A_140, %ne3A_141 : i32
      %lt3A = arith.constant 0 : i32
      %lt3A_143 = arith.cmpi slt, %rem3A_140, %lt3A : i32
      %lt3A_144 = arith.constant 0 : i32
      %lt3A_145 = arith.cmpi slt, %select_n3A_139, %lt3A_144 : i32
      %ne3A_146 = arith.xori %lt3A_143, %lt3A_145 : i1
      %and3A_147 = arith.andi %ne3A_146, %ne3A_142 : i1
      %add3A_148 = arith.addi %rem3A_140, %select_n3A_139 : i32
      %select_n3A_149 = arith.select %and3A_147, %add3A_148, %rem3A_140 : i32
      %get3A_150 = arith.constant 0 : index
      %get3A_151 = arith.index_cast %select_n3A_134 : i32 to index
      %get3A_152 = arith.constant 0 : index
      %get3A_153 = vector.load %arg2[%get3A_150, %get3A_151, %get3A_152] : memref<1x128x128xf32, #tpu.memory_space<vmem>>, vector<1x1x128xf32>
      %get3A_154 = vector.shape_cast %get3A_153 : vector<1x1x128xf32> to vector<1x128xf32>
      %eq3A_155 = vector.broadcast %select_n3A_149 : i32 to vector<1x128xi32>
      %eq3A_156 = arith.cmpi eq, %iota3A_7, %eq3A_155 : vector<1x128xi32>
      %convert_element_type3A = arith.extui %eq3A_156 : vector<1x128xi1> to vector<1x128xi32>
      %convert_element_type3A_157 = arith.sitofp %convert_element_type3A : vector<1x128xi32> to vector<1x128xf32>
      %mul3A_158 = arith.mulf %get3A_154, %convert_element_type3A_157 : vector<1x128xf32>
      %reduce_sum3A_159 = vector.shape_cast %mul3A_158 : vector<1x128xf32> to vector<1x1x128xf32>
      %reduce_sum3A_160 = arith.constant dense<0.000000e+00> : vector<1xf32>
      %reduce_sum3A_161 = vector.multi_reduction <add>, %reduce_sum3A_159, %reduce_sum3A_160 [1, 2] : vector<1x1x128xf32> to vector<1xf32>
      %reduce_sum3A_162 = vector.shape_cast %reduce_sum3A_161 : vector<1xf32> to vector<1x1x1xf32>
      %reduce_sum3A_163 = vector.extract %reduce_sum3A_162[0, 0, 0] : f32 from vector<1x1x1xf32>
      %get3A_164 = arith.constant 0 : index
      %get3A_165 = arith.index_cast %select_n3A_134 : i32 to index
      %get3A_166 = arith.constant 0 : index
      %get3A_167 = vector.load %arg3[%get3A_164, %get3A_165, %get3A_166] : memref<1x128x128xf32, #tpu.memory_space<vmem>>, vector<1x1x128xf32>
      %get3A_168 = vector.shape_cast %get3A_167 : vector<1x1x128xf32> to vector<1x128xf32>
      %eq3A_169 = vector.broadcast %select_n3A_149 : i32 to vector<1x128xi32>
      %eq3A_170 = arith.cmpi eq, %iota3A_7, %eq3A_169 : vector<1x128xi32>
      %convert_element_type3A_171 = arith.extui %eq3A_170 : vector<1x128xi1> to vector<1x128xi32>
      %convert_element_type3A_172 = arith.sitofp %convert_element_type3A_171 : vector<1x128xi32> to vector<1x128xf32>
      %mul3A_173 = arith.mulf %get3A_168, %convert_element_type3A_172 : vector<1x128xf32>
      %reduce_sum3A_174 = vector.shape_cast %mul3A_173 : vector<1x128xf32> to vector<1x1x128xf32>
      %reduce_sum3A_175 = arith.constant dense<0.000000e+00> : vector<1xf32>
      %reduce_sum3A_176 = vector.multi_reduction <add>, %reduce_sum3A_174, %reduce_sum3A_175 [1, 2] : vector<1x1x128xf32> to vector<1xf32>
      %reduce_sum3A_177 = vector.shape_cast %reduce_sum3A_176 : vector<1xf32> to vector<1x1x1xf32>
      %reduce_sum3A_178 = vector.extract %reduce_sum3A_177[0, 0, 0] : f32 from vector<1x1x1xf32>
      %get3A_179 = arith.constant 0 : index
      %get3A_180 = arith.index_cast %select_n3A_134 : i32 to index
      %get3A_181 = arith.constant 0 : index
      %get3A_182 = vector.load %arg4[%get3A_179, %get3A_180, %get3A_181] : memref<1x128x128xf32, #tpu.memory_space<vmem>>, vector<1x1x128xf32>
      %get3A_183 = vector.shape_cast %get3A_182 : vector<1x1x128xf32> to vector<1x128xf32>
      %eq3A_184 = vector.broadcast %select_n3A_149 : i32 to vector<1x128xi32>
      %eq3A_185 = arith.cmpi eq, %iota3A_7, %eq3A_184 : vector<1x128xi32>
      %convert_element_type3A_186 = arith.extui %eq3A_185 : vector<1x128xi1> to vector<1x128xi32>
      %convert_element_type3A_187 = arith.sitofp %convert_element_type3A_186 : vector<1x128xi32> to vector<1x128xf32>
      %mul3A_188 = arith.mulf %get3A_183, %convert_element_type3A_187 : vector<1x128xf32>
      %reduce_sum3A_189 = vector.shape_cast %mul3A_188 : vector<1x128xf32> to vector<1x1x128xf32>
      %reduce_sum3A_190 = arith.constant dense<0.000000e+00> : vector<1xf32>
      %reduce_sum3A_191 = vector.multi_reduction <add>, %reduce_sum3A_189, %reduce_sum3A_190 [1, 2] : vector<1x1x128xf32> to vector<1xf32>
      %reduce_sum3A_192 = vector.shape_cast %reduce_sum3A_191 : vector<1xf32> to vector<1x1x1xf32>
      %reduce_sum3A_193 = vector.extract %reduce_sum3A_192[0, 0, 0] : f32 from vector<1x1x1xf32>
      %get3A_194 = arith.constant 0 : index
      %get3A_195 = arith.index_cast %select_n3A_134 : i32 to index
      %get3A_196 = arith.constant 0 : index
      %get3A_197 = vector.load %arg5[%get3A_194, %get3A_195, %get3A_196] : memref<1x128x128xf32, #tpu.memory_space<vmem>>, vector<1x1x128xf32>
      %get3A_198 = vector.shape_cast %get3A_197 : vector<1x1x128xf32> to vector<1x128xf32>
      %eq3A_199 = vector.broadcast %select_n3A_149 : i32 to vector<1x128xi32>
      %eq3A_200 = arith.cmpi eq, %iota3A_7, %eq3A_199 : vector<1x128xi32>
      %convert_element_type3A_201 = arith.extui %eq3A_200 : vector<1x128xi1> to vector<1x128xi32>
      %convert_element_type3A_202 = arith.sitofp %convert_element_type3A_201 : vector<1x128xi32> to vector<1x128xf32>
      %mul3A_203 = arith.mulf %get3A_198, %convert_element_type3A_202 : vector<1x128xf32>
      %reduce_sum3A_204 = vector.shape_cast %mul3A_203 : vector<1x128xf32> to vector<1x1x128xf32>
      %reduce_sum3A_205 = arith.constant dense<0.000000e+00> : vector<1xf32>
      %reduce_sum3A_206 = vector.multi_reduction <add>, %reduce_sum3A_204, %reduce_sum3A_205 [1, 2] : vector<1x1x128xf32> to vector<1xf32>
      %reduce_sum3A_207 = vector.shape_cast %reduce_sum3A_206 : vector<1xf32> to vector<1x1x1xf32>
      %reduce_sum3A_208 = vector.extract %reduce_sum3A_207[0, 0, 0] : f32 from vector<1x1x1xf32>
      %get3A_209 = arith.constant 0 : index
      %get3A_210 = arith.index_cast %select_n3A_134 : i32 to index
      %get3A_211 = arith.constant 0 : index
      %get3A_212 = vector.load %arg6[%get3A_209, %get3A_210, %get3A_211] : memref<1x128x128xf32, #tpu.memory_space<vmem>>, vector<1x1x128xf32>
      %get3A_213 = vector.shape_cast %get3A_212 : vector<1x1x128xf32> to vector<1x128xf32>
      %eq3A_214 = vector.broadcast %select_n3A_149 : i32 to vector<1x128xi32>
      %eq3A_215 = arith.cmpi eq, %iota3A_7, %eq3A_214 : vector<1x128xi32>
      %convert_element_type3A_216 = arith.extui %eq3A_215 : vector<1x128xi1> to vector<1x128xi32>
      %convert_element_type3A_217 = arith.sitofp %convert_element_type3A_216 : vector<1x128xi32> to vector<1x128xf32>
      %mul3A_218 = arith.mulf %get3A_213, %convert_element_type3A_217 : vector<1x128xf32>
      %reduce_sum3A_219 = vector.shape_cast %mul3A_218 : vector<1x128xf32> to vector<1x1x128xf32>
      %reduce_sum3A_220 = arith.constant dense<0.000000e+00> : vector<1xf32>
      %reduce_sum3A_221 = vector.multi_reduction <add>, %reduce_sum3A_219, %reduce_sum3A_220 [1, 2] : vector<1x1x128xf32> to vector<1xf32>
      %reduce_sum3A_222 = vector.shape_cast %reduce_sum3A_221 : vector<1xf32> to vector<1x1x1xf32>
      %reduce_sum3A_223 = vector.extract %reduce_sum3A_222[0, 0, 0] : f32 from vector<1x1x1xf32>
      %get3A_224 = arith.constant 0 : index
      %get3A_225 = arith.index_cast %select_n3A_134 : i32 to index
      %get3A_226 = arith.constant 0 : index
      %get3A_227 = vector.load %arg7[%get3A_224, %get3A_225, %get3A_226] : memref<1x128x128xf32, #tpu.memory_space<vmem>>, vector<1x1x128xf32>
      %get3A_228 = vector.shape_cast %get3A_227 : vector<1x1x128xf32> to vector<1x128xf32>
      %eq3A_229 = vector.broadcast %select_n3A_149 : i32 to vector<1x128xi32>
      %eq3A_230 = arith.cmpi eq, %iota3A_7, %eq3A_229 : vector<1x128xi32>
      %convert_element_type3A_231 = arith.extui %eq3A_230 : vector<1x128xi1> to vector<1x128xi32>
      %convert_element_type3A_232 = arith.sitofp %convert_element_type3A_231 : vector<1x128xi32> to vector<1x128xf32>
      %mul3A_233 = arith.mulf %get3A_228, %convert_element_type3A_232 : vector<1x128xf32>
      %reduce_sum3A_234 = vector.shape_cast %mul3A_233 : vector<1x128xf32> to vector<1x1x128xf32>
      %reduce_sum3A_235 = arith.constant dense<0.000000e+00> : vector<1xf32>
      %reduce_sum3A_236 = vector.multi_reduction <add>, %reduce_sum3A_234, %reduce_sum3A_235 [1, 2] : vector<1x1x128xf32> to vector<1xf32>
      %reduce_sum3A_237 = vector.shape_cast %reduce_sum3A_236 : vector<1xf32> to vector<1x1x1xf32>
      %reduce_sum3A_238 = vector.extract %reduce_sum3A_237[0, 0, 0] : f32 from vector<1x1x1xf32>
      %get3A_239 = arith.index_cast %select_n3A_134 : i32 to index
      %get3A_240 = arith.constant 0 : index
      %get3A_241 = vector.load %arg15[%get3A_239, %get3A_240] : memref<128x128xf32, #tpu.memory_space<vmem>>, vector<1x128xf32>
      %eq3A_242 = vector.broadcast %select_n3A_149 : i32 to vector<1x128xi32>
      %eq3A_243 = arith.cmpi eq, %iota3A_7, %eq3A_242 : vector<1x128xi32>
      %convert_element_type3A_244 = arith.extui %eq3A_243 : vector<1x128xi1> to vector<1x128xi32>
      %convert_element_type3A_245 = arith.sitofp %convert_element_type3A_244 : vector<1x128xi32> to vector<1x128xf32>
      %mul3A_246 = arith.mulf %get3A_241, %convert_element_type3A_245 : vector<1x128xf32>
      %reduce_sum3A_247 = vector.shape_cast %mul3A_246 : vector<1x128xf32> to vector<1x1x128xf32>
      %reduce_sum3A_248 = arith.constant dense<0.000000e+00> : vector<1xf32>
      %reduce_sum3A_249 = vector.multi_reduction <add>, %reduce_sum3A_247, %reduce_sum3A_248 [1, 2] : vector<1x1x128xf32> to vector<1xf32>
      %reduce_sum3A_250 = vector.shape_cast %reduce_sum3A_249 : vector<1xf32> to vector<1x1x1xf32>
      %reduce_sum3A_251 = vector.extract %reduce_sum3A_250[0, 0, 0] : f32 from vector<1x1x1xf32>
      %get3A_252 = arith.constant 0 : index
      %get3A_253 = arith.constant 0 : index
      %get3A_254 = arith.constant 0 : index
      %get3A_255 = vector.load %arg8[%get3A_252, %get3A_253, %get3A_254] : memref<1x128x128xf32, #tpu.memory_space<vmem>>, vector<1x128x128xf32>
      %get3A_256 = vector.shape_cast %get3A_255 : vector<1x128x128xf32> to vector<128x128xf32>
      %get3A_257 = arith.constant 0 : index
      %get3A_258 = arith.constant 0 : index
      %get3A_259 = arith.constant 0 : index
      %get3A_260 = vector.load %arg9[%get3A_257, %get3A_258, %get3A_259] : memref<1x128x128xf32, #tpu.memory_space<vmem>>, vector<1x128x128xf32>
      %get3A_261 = vector.shape_cast %get3A_260 : vector<1x128x128xf32> to vector<128x128xf32>
      %get3A_262 = arith.constant 0 : index
      %get3A_263 = arith.constant 0 : index
      %get3A_264 = arith.constant 0 : index
      %get3A_265 = vector.load %arg10[%get3A_262, %get3A_263, %get3A_264] : memref<1x128x128xf32, #tpu.memory_space<vmem>>, vector<1x128x128xf32>
      %get3A_266 = vector.shape_cast %get3A_265 : vector<1x128x128xf32> to vector<128x128xf32>
      %mul3A_267 = arith.mulf %reduce_sum3A_163, %reduce_sum3A_163 : f32
      %mul3A_268 = arith.mulf %reduce_sum3A_178, %reduce_sum3A_178 : f32
      %add3A_269 = arith.addf %mul3A_267, %mul3A_268 : f32
      %mul3A_270 = arith.mulf %reduce_sum3A_193, %reduce_sum3A_193 : f32
      %add3A_271 = arith.addf %add3A_269, %mul3A_270 : f32
      %mul3A_272 = arith.mulf %get3A_256, %get3A_256 : vector<128x128xf32>
      %mul3A_273 = arith.mulf %get3A_261, %get3A_261 : vector<128x128xf32>
      %add3A_274 = arith.addf %mul3A_272, %mul3A_273 : vector<128x128xf32>
      %mul3A_275 = arith.mulf %get3A_266, %get3A_266 : vector<128x128xf32>
      %add3A_276 = arith.addf %add3A_274, %mul3A_275 : vector<128x128xf32>
      %get3A_277 = arith.constant 0 : index
      %get3A_278 = arith.constant 0 : index
      %get3A_279 = arith.constant 0 : index
      %get3A_280 = vector.load %arg11[%get3A_277, %get3A_278, %get3A_279] : memref<1x128x128xf32, #tpu.memory_space<vmem>>, vector<1x128x128xf32>
      %get3A_281 = vector.shape_cast %get3A_280 : vector<1x128x128xf32> to vector<128x128xf32>
      %mul3A_282 = vector.broadcast %reduce_sum3A_208 : f32 to vector<128x128xf32>
      %mul3A_283 = arith.mulf %mul3A_282, %get3A_281 : vector<128x128xf32>
      %get3A_284 = arith.constant 0 : index
      %get3A_285 = arith.constant 0 : index
      %get3A_286 = arith.constant 0 : index
      %get3A_287 = vector.load %arg12[%get3A_284, %get3A_285, %get3A_286] : memref<1x128x128xf32, #tpu.memory_space<vmem>>, vector<1x128x128xf32>
      %get3A_288 = vector.shape_cast %get3A_287 : vector<1x128x128xf32> to vector<128x128xf32>
      %mul3A_289 = vector.broadcast %reduce_sum3A_223 : f32 to vector<128x128xf32>
      %mul3A_290 = arith.mulf %mul3A_289, %get3A_288 : vector<128x128xf32>
      %add3A_291 = arith.addf %mul3A_283, %mul3A_290 : vector<128x128xf32>
      %get3A_292 = arith.constant 0 : index
      %get3A_293 = arith.constant 0 : index
      %get3A_294 = arith.constant 0 : index
      %get3A_295 = vector.load %arg13[%get3A_292, %get3A_293, %get3A_294] : memref<1x128x128xf32, #tpu.memory_space<vmem>>, vector<1x128x128xf32>
      %get3A_296 = vector.shape_cast %get3A_295 : vector<1x128x128xf32> to vector<128x128xf32>
      %mul3A_297 = vector.broadcast %reduce_sum3A_238 : f32 to vector<128x128xf32>
      %mul3A_298 = arith.mulf %mul3A_297, %get3A_296 : vector<128x128xf32>
      %add3A_299 = arith.addf %add3A_291, %mul3A_298 : vector<128x128xf32>
      %add3A_300 = vector.broadcast %add3A_271 : f32 to vector<128x128xf32>
      %add3A_301 = arith.addf %add3A_300, %add3A_276 : vector<128x128xf32>
      %mul3A_302 = arith.constant 2.000000e+00 : f32
      %mul3A_303 = vector.broadcast %mul3A_302 : f32 to vector<128x128xf32>
      %mul3A_304 = arith.mulf %mul3A_303, %add3A_299 : vector<128x128xf32>
      %sub3A_305 = arith.subf %add3A_301, %mul3A_304 : vector<128x128xf32>
      %lt3A_306 = vector.broadcast %get3A_3 : f32 to vector<128x128xf32>
      %lt3A_307 = arith.cmpf olt, %sub3A_305, %lt3A_306 : vector<128x128xf32>
      %get3A_308 = arith.constant 0 : index
      %get3A_309 = arith.constant 0 : index
      %get3A_310 = vector.load %arg16[%get3A_308, %get3A_309] : memref<128x128xf32, #tpu.memory_space<vmem>>, vector<128x128xf32>
      %gt3A_311 = arith.constant 0.000000e+00 : f32
      %gt3A_312 = vector.broadcast %gt3A_311 : f32 to vector<128x128xf32>
      %gt3A_313 = arith.cmpf ogt, %get3A_310, %gt3A_312 : vector<128x128xf32>
      %and3A_314 = arith.andi %lt3A_307, %gt3A_313 : vector<128x128xi1>
      %get3A_315 = arith.constant 0 : index
      %get3A_316 = arith.constant 0 : index
      %get3A_317 = vector.load %arg17[%get3A_315, %get3A_316] : memref<128x128xf32, #tpu.memory_space<vmem>>, vector<128x128xf32>
      %le3A = arith.constant 0.000000e+00 : f32
      %le3A_318 = vector.broadcast %le3A : f32 to vector<128x128xf32>
      %le3A_319 = arith.cmpf ole, %get3A_317, %le3A_318 : vector<128x128xf32>
      %and3A_320 = arith.andi %and3A_314, %le3A_319 : vector<128x128xi1>
      %gt3A_321 = arith.constant 0.000000e+00 : f32
      %gt3A_322 = arith.cmpf ogt, %reduce_sum3A_251, %gt3A_321 : f32
      %and3A_323 = vector.broadcast %gt3A_322 : i1 to vector<128x128xi1>
      %and3A_324 = arith.andi %and3A_320, %and3A_323 : vector<128x128xi1>
      %reduce_or3A = arith.constant 1.000000e+00 : f32
      %reduce_or3A_325 = arith.constant 0.000000e+00 : f32
      %reduce_or3A_326 = vector.broadcast %reduce_or3A : f32 to vector<128x128xf32>
      %reduce_or3A_327 = vector.broadcast %reduce_or3A_325 : f32 to vector<128x128xf32>
      %reduce_or3A_328 = arith.select %and3A_324, %reduce_or3A_326, %reduce_or3A_327 : vector<128x128xi1>, vector<128x128xf32>
      %reduce_or3A_329 = vector.shape_cast %reduce_or3A_328 : vector<128x128xf32> to vector<1x128x128xf32>
      %reduce_or3A_330 = arith.constant dense<0xFF800000> : vector<1xf32>
      %reduce_or3A_331 = vector.multi_reduction <maximumf>, %reduce_or3A_329, %reduce_or3A_330 [1, 2] : vector<1x128x128xf32> to vector<1xf32>
      %reduce_or3A_332 = vector.shape_cast %reduce_or3A_331 : vector<1xf32> to vector<1x1x1xf32>
      %reduce_or3A_333 = vector.extract %reduce_or3A_332[0, 0, 0] : f32 from vector<1x1x1xf32>
      %reduce_or3A_334 = arith.constant 0.000000e+00 : f32
      %reduce_or3A_335 = arith.cmpf ogt, %reduce_or3A_333, %reduce_or3A_334 : f32
      %jit3A_336 = arith.constant 16384 : i32
      %broadcast_in_dim3A_337 = vector.broadcast %jit3A_336 : i32 to vector<128x128xi32>
      %select_n3A_338 = arith.select %and3A_324, %add3A, %broadcast_in_dim3A_337 : vector<128x128xi1>, vector<128x128xi32>
      %reduce_min3A = vector.shape_cast %select_n3A_338 : vector<128x128xi32> to vector<1x128x128xi32>
      %reduce_min3A_339 = arith.constant dense<2147483647> : vector<1xi32>
      %reduce_min3A_340 = vector.multi_reduction <minsi>, %reduce_min3A, %reduce_min3A_339 [1, 2] : vector<1x128x128xi32> to vector<1xi32>
      %reduce_min3A_341 = vector.shape_cast %reduce_min3A_340 : vector<1xi32> to vector<1x1x1xi32>
      %reduce_min3A_342 = vector.extract %reduce_min3A_341[0, 0, 0] : i32 from vector<1x1x1xi32>
      %jit3A_343 = arith.constant 0 : i32
      %select_n3A_344 = arith.select %reduce_or3A_335, %reduce_min3A_342, %jit3A_343 : i32
      %jit3A_345 = arith.constant 128 : i32
      %div3A_346 = arith.divsi %select_n3A_344, %jit3A_345 : i32
      %sign3A_347 = arith.constant 0 : i32
      %sign3A_348 = arith.cmpi sgt, %select_n3A_344, %sign3A_347 : i32
      %sign3A_349 = arith.extui %sign3A_348 : i1 to i32
      %sign3A_350 = arith.constant 0 : i32
      %sign3A_351 = arith.cmpi slt, %select_n3A_344, %sign3A_350 : i32
      %sign3A_352 = arith.extui %sign3A_351 : i1 to i32
      %sign3A_353 = arith.subi %sign3A_349, %sign3A_352 : i32
      %sign3A_354 = arith.constant 0 : i32
      %sign3A_355 = arith.cmpi sgt, %jit3A_345, %sign3A_354 : i32
      %sign3A_356 = arith.extui %sign3A_355 : i1 to i32
      %sign3A_357 = arith.constant 0 : i32
      %sign3A_358 = arith.cmpi slt, %jit3A_345, %sign3A_357 : i32
      %sign3A_359 = arith.extui %sign3A_358 : i1 to i32
      %sign3A_360 = arith.subi %sign3A_356, %sign3A_359 : i32
      %ne3A_361 = arith.cmpi ne, %sign3A_353, %sign3A_360 : i32
      %rem3A_362 = arith.remsi %select_n3A_344, %jit3A_345 : i32
      %ne3A_363 = arith.constant 0 : i32
      %ne3A_364 = arith.cmpi ne, %rem3A_362, %ne3A_363 : i32
      %and3A_365 = arith.andi %ne3A_361, %ne3A_364 : i1
      %sub3A_366 = arith.constant 1 : i32
      %sub3A_367 = arith.subi %div3A_346, %sub3A_366 : i32
      %select_n3A_368 = arith.select %and3A_365, %sub3A_367, %div3A_346 : i32
      %jit3A_369 = arith.constant 128 : i32
      %eq3A_370 = arith.constant 0 : i32
      %eq3A_371 = arith.cmpi eq, %jit3A_369, %eq3A_370 : i32
      %jit3A_372 = arith.constant 1 : i32
      %select_n3A_373 = arith.select %eq3A_371, %jit3A_372, %jit3A_369 : i32
      %rem3A_374 = arith.remsi %select_n3A_344, %select_n3A_373 : i32
      %ne3A_375 = arith.constant 0 : i32
      %ne3A_376 = arith.cmpi ne, %rem3A_374, %ne3A_375 : i32
      %lt3A_377 = arith.constant 0 : i32
      %lt3A_378 = arith.cmpi slt, %rem3A_374, %lt3A_377 : i32
      %lt3A_379 = arith.constant 0 : i32
      %lt3A_380 = arith.cmpi slt, %select_n3A_373, %lt3A_379 : i32
      %ne3A_381 = arith.xori %lt3A_378, %lt3A_380 : i1
      %and3A_382 = arith.andi %ne3A_381, %ne3A_376 : i1
      %add3A_383 = arith.addi %rem3A_374, %select_n3A_373 : i32
      %select_n3A_384 = arith.select %and3A_382, %add3A_383, %rem3A_374 : i32
      %get3A_385 = arith.index_cast %select_n3A_368 : i32 to index
      %get3A_386 = arith.constant 0 : index
      %get3A_387 = vector.load %arg17[%get3A_385, %get3A_386] : memref<128x128xf32, #tpu.memory_space<vmem>>, vector<1x128xf32>
      %eq3A_388 = vector.broadcast %select_n3A_384 : i32 to vector<1x128xi32>
      %eq3A_389 = arith.cmpi eq, %iota3A_7, %eq3A_388 : vector<1x128xi32>
      %and3A_390 = vector.broadcast %reduce_or3A_335 : i1 to vector<1x128xi1>
      %and3A_391 = arith.andi %eq3A_389, %and3A_390 : vector<1x128xi1>
      %jit3A_392 = arith.constant 1.000000e+00 : f32
      %broadcast_in_dim3A_393 = vector.broadcast %jit3A_392 : f32 to vector<1x128xf32>
      %select_n3A_394 = arith.select %and3A_391, %broadcast_in_dim3A_393, %get3A_387 : vector<1x128xi1>, vector<1x128xf32>
      %swap3A_395 = arith.index_cast %select_n3A_368 : i32 to index
      %swap3A_396 = arith.constant 0 : index
      %swap3A_397 = vector.load %arg17[%swap3A_395, %swap3A_396] : memref<128x128xf32, #tpu.memory_space<vmem>>, vector<1x128xf32>
      tpu.vector_store %arg17[%swap3A_395, %swap3A_396], %select_n3A_394 {strides = array<i32>} : memref<128x128xf32, #tpu.memory_space<vmem>>, vector<1x128xf32>,
      %jit3A_398 = arith.constant 1.000000e+00 : f32
      %jit3A_399 = arith.constant 0.000000e+00 : f32
      %select_n3A_400 = arith.select %reduce_or3A_335, %jit3A_398, %jit3A_399 : f32
      %add3A_401 = arith.addf %scan3A_114, %select_n3A_400 : f32
      scf.yield %add3A_401 : f32
    }
    %scan3A_55 = arith.constant 16384 : i32
    %get3A_56 = arith.constant 0 : index
    %get3A_57 = arith.constant 0 : index
    %get3A_58 = vector.load %arg15[%get3A_56, %get3A_57] : memref<128x128xf32, #tpu.memory_space<vmem>>, vector<128x128xf32>
    %reduce_sum3A = vector.shape_cast %get3A_58 : vector<128x128xf32> to vector<1x128x128xf32>
    %reduce_sum3A_59 = arith.constant dense<0.000000e+00> : vector<1xf32>
    %reduce_sum3A_60 = vector.multi_reduction <add>, %reduce_sum3A, %reduce_sum3A_59 [1, 2] : vector<1x128x128xf32> to vector<1xf32>
    %reduce_sum3A_61 = vector.shape_cast %reduce_sum3A_60 : vector<1xf32> to vector<1x1x1xf32>
    %reduce_sum3A_62 = vector.extract %reduce_sum3A_61[0, 0, 0] : f32 from vector<1x1x1xf32>
    %sub3A = arith.subf %reduce_sum3A_62, %scan3A_54 : f32
    %get3A_63 = arith.constant 0 : index
    %get3A_64 = arith.constant 0 : index
    %get3A_65 = vector.load %arg16[%get3A_63, %get3A_64] : memref<128x128xf32, #tpu.memory_space<vmem>>, vector<128x128xf32>
    %reduce_sum3A_66 = vector.shape_cast %get3A_65 : vector<128x128xf32> to vector<1x128x128xf32>
    %reduce_sum3A_67 = arith.constant dense<0.000000e+00> : vector<1xf32>
    %reduce_sum3A_68 = vector.multi_reduction <add>, %reduce_sum3A_66, %reduce_sum3A_67 [1, 2] : vector<1x128x128xf32> to vector<1xf32>
    %reduce_sum3A_69 = vector.shape_cast %reduce_sum3A_68 : vector<1xf32> to vector<1x1x1xf32>
    %reduce_sum3A_70 = vector.extract %reduce_sum3A_69[0, 0, 0] : f32 from vector<1x1x1xf32>
    %sub3A_71 = arith.subf %reduce_sum3A_70, %scan3A_54 : f32
    %iota3A_72 = tpu.iota {dimensions = array<i32: 0>} : vector<8x128xi32>
    %iota3A_73 = tpu.iota {dimensions = array<i32: 1>} : vector<8x128xi32>
    %eq3A = arith.constant 0 : i32
    %eq3A_74 = vector.broadcast %eq3A : i32 to vector<8x128xi32>
    %eq3A_75 = arith.cmpi eq, %iota3A_72, %eq3A_74 : vector<8x128xi32>
    %eq3A_76 = arith.constant 0 : i32
    %eq3A_77 = vector.broadcast %eq3A_76 : i32 to vector<8x128xi32>
    %eq3A_78 = arith.cmpi eq, %iota3A_73, %eq3A_77 : vector<8x128xi32>
    %and3A = arith.andi %eq3A_75, %eq3A_78 : vector<8x128xi1>
    %jit3A_79 = arith.constant 0.000000e+00 : f32
    %broadcast_in_dim3A_80 = vector.broadcast %scan3A_54 : f32 to vector<8x128xf32>
    %broadcast_in_dim3A_81 = vector.broadcast %jit3A_79 : f32 to vector<8x128xf32>
    %select_n3A_82 = arith.select %and3A, %broadcast_in_dim3A_80, %broadcast_in_dim3A_81 : vector<8x128xi1>, vector<8x128xf32>
    %eq3A_83 = arith.constant 0 : i32
    %eq3A_84 = vector.broadcast %eq3A_83 : i32 to vector<8x128xi32>
    %eq3A_85 = arith.cmpi eq, %iota3A_72, %eq3A_84 : vector<8x128xi32>
    %eq3A_86 = arith.constant 1 : i32
    %eq3A_87 = vector.broadcast %eq3A_86 : i32 to vector<8x128xi32>
    %eq3A_88 = arith.cmpi eq, %iota3A_73, %eq3A_87 : vector<8x128xi32>
    %and3A_89 = arith.andi %eq3A_85, %eq3A_88 : vector<8x128xi1>
    %jit3A_90 = arith.constant 0.000000e+00 : f32
    %broadcast_in_dim3A_91 = vector.broadcast %sub3A : f32 to vector<8x128xf32>
    %broadcast_in_dim3A_92 = vector.broadcast %jit3A_90 : f32 to vector<8x128xf32>
    %select_n3A_93 = arith.select %and3A_89, %broadcast_in_dim3A_91, %broadcast_in_dim3A_92 : vector<8x128xi1>, vector<8x128xf32>
    %add3A_94 = arith.addf %select_n3A_82, %select_n3A_93 : vector<8x128xf32>
    %eq3A_95 = arith.constant 0 : i32
    %eq3A_96 = vector.broadcast %eq3A_95 : i32 to vector<8x128xi32>
    %eq3A_97 = arith.cmpi eq, %iota3A_72, %eq3A_96 : vector<8x128xi32>
    %eq3A_98 = arith.constant 2 : i32
    %eq3A_99 = vector.broadcast %eq3A_98 : i32 to vector<8x128xi32>
    %eq3A_100 = arith.cmpi eq, %iota3A_73, %eq3A_99 : vector<8x128xi32>
    %and3A_101 = arith.andi %eq3A_97, %eq3A_100 : vector<8x128xi1>
    %jit3A_102 = arith.constant 0.000000e+00 : f32
    %broadcast_in_dim3A_103 = vector.broadcast %sub3A_71 : f32 to vector<8x128xf32>
    %broadcast_in_dim3A_104 = vector.broadcast %jit3A_102 : f32 to vector<8x128xf32>
    %select_n3A_105 = arith.select %and3A_101, %broadcast_in_dim3A_103, %broadcast_in_dim3A_104 : vector<8x128xi1>, vector<8x128xf32>
    %add3A_106 = arith.addf %add3A_94, %select_n3A_105 : vector<8x128xf32>
    %swap3A_107 = arith.constant 0 : index
    %swap3A_108 = arith.constant 0 : index
    %swap3A_109 = arith.constant 0 : index
    %swap3A_110 = vector.load %arg14[%swap3A_107, %swap3A_108, %swap3A_109] : memref<1x8x128xf32, #tpu.memory_space<vmem>>, vector<1x8x128xf32>
    %swap3A_111 = vector.shape_cast %swap3A_110 : vector<1x8x128xf32> to vector<8x128xf32>
    %swap3A_112 = vector.shape_cast %add3A_106 : vector<8x128xf32> to vector<1x8x128xf32>
    tpu.vector_store %arg14[%swap3A_107, %swap3A_108, %swap3A_109], %swap3A_112 {strides = array<i32>} : memref<1x8x128xf32, #tpu.memory_space<vmem>>, vector<1x8x128xf32>,
    return
  }
  func.func @transform_0(%arg0: i32) -> (i32, i32, i32) {
    %c0_i32 = arith.constant 0 : i32
    %c0_i32_0 = arith.constant 0 : i32
    %c0_i32_1 = arith.constant 0 : i32
    return %arg0, %c0_i32, %c0_i32_0 : i32, i32, i32
  }
  func.func @transform_1(%arg0: i32) -> (i32, i32, i32) {
    %c0_i32 = arith.constant 0 : i32
    %c0_i32_0 = arith.constant 0 : i32
    %c0_i32_1 = arith.constant 0 : i32
    return %arg0, %c0_i32, %c0_i32_0 : i32, i32, i32
  }
  func.func @transform_2(%arg0: i32) -> (i32, i32, i32) {
    %c0_i32 = arith.constant 0 : i32
    %c0_i32_0 = arith.constant 0 : i32
    %c0_i32_1 = arith.constant 0 : i32
    return %arg0, %c0_i32, %c0_i32_0 : i32, i32, i32
  }
  func.func @transform_3(%arg0: i32) -> (i32, i32, i32) {
    %c0_i32 = arith.constant 0 : i32
    %c0_i32_0 = arith.constant 0 : i32
    %c0_i32_1 = arith.constant 0 : i32
    return %arg0, %c0_i32, %c0_i32_0 : i32, i32, i32
  }
  func.func @transform_4(%arg0: i32) -> (i32, i32, i32) {
    %c0_i32 = arith.constant 0 : i32
    %c0_i32_0 = arith.constant 0 : i32
    %c0_i32_1 = arith.constant 0 : i32
    return %arg0, %c0_i32, %c0_i32_0 : i32, i32, i32
  }
  func.func @transform_5(%arg0: i32) -> (i32, i32, i32) {
    %c0_i32 = arith.constant 0 : i32
    %c0_i32_0 = arith.constant 0 : i32
    %c0_i32_1 = arith.constant 0 : i32
    return %arg0, %c0_i32, %c0_i32_0 : i32, i32, i32
  }
  func.func @transform_6(%arg0: i32) -> (i32, i32, i32) {
    %c0_i32 = arith.constant 0 : i32
    %c0_i32_0 = arith.constant 0 : i32
    %c0_i32_1 = arith.constant 0 : i32
    return %arg0, %c0_i32, %c0_i32_0 : i32, i32, i32
  }
  func.func @transform_7(%arg0: i32) -> (i32, i32, i32) {
    %c0_i32 = arith.constant 0 : i32
    %c0_i32_0 = arith.constant 0 : i32
    %c0_i32_1 = arith.constant 0 : i32
    return %arg0, %c0_i32, %c0_i32_0 : i32, i32, i32
  }
  func.func @transform_8(%arg0: i32) -> (i32, i32, i32) {
    %c0_i32 = arith.constant 0 : i32
    %c0_i32_0 = arith.constant 0 : i32
    %c0_i32_1 = arith.constant 0 : i32
    return %arg0, %c0_i32, %c0_i32_0 : i32, i32, i32
  }
  func.func @transform_9(%arg0: i32) -> (i32, i32, i32) {
    %c0_i32 = arith.constant 0 : i32
    %c0_i32_0 = arith.constant 0 : i32
    %c0_i32_1 = arith.constant 0 : i32
    return %arg0, %c0_i32, %c0_i32_0 : i32, i32, i32
  }
  func.func @transform_10(%arg0: i32) -> (i32, i32, i32) {
    %c0_i32 = arith.constant 0 : i32
    %c0_i32_0 = arith.constant 0 : i32
    %c0_i32_1 = arith.constant 0 : i32
    return %arg0, %c0_i32, %c0_i32_0 : i32, i32, i32
  }
  func.func @transform_11(%arg0: i32) -> (i32, i32, i32) {
    %c0_i32 = arith.constant 0 : i32
    %c0_i32_0 = arith.constant 0 : i32
    %c0_i32_1 = arith.constant 0 : i32
    return %arg0, %c0_i32, %c0_i32_0 : i32, i32, i32
  }
  func.func @transform_12(%arg0: i32) -> (i32, i32, i32) {
    %c0_i32 = arith.constant 0 : i32
    %c0_i32_0 = arith.constant 0 : i32
    %c0_i32_1 = arith.constant 0 : i32
    return %arg0, %c0_i32, %c0_i32_0 : i32, i32, i32
  }
  func.func @transform_13(%arg0: i32) -> (i32, i32, i32) {
    %c0_i32 = arith.constant 0 : i32
    %c0_i32_0 = arith.constant 0 : i32
    %c0_i32_1 = arith.constant 0 : i32
    return %arg0, %c0_i32, %c0_i32_0 : i32, i32, i32
  }
}

</mosaic_0001>

<sc_bundles>
// kernel: gather_offload_async_start.1
scs
__scs_entry_jumppad:
0x0: {  	(pc) =	sbr.rel $0x88, $3  }
0x1: {  	(tag) =	ssettag $0x0;
	lr =	simm.s32 $0x1  }
0x2: {  	[smem:$0x3F9F] =	sst lr;
	_ =	strace $0xD0000000  }
0x3: {  	_ = 	snop  }
0x4: {  	_ = 	snop  }
0x5: {  	_ = 	snop  }
0x6: {  	_ = 	snop  }
0x7: {  	_ = 	snop  }
__scs_overlays_trampoline_lowered:
0x8: {  	[smem:$0x3FAE] =	sst s0  }
0x9: {  	[smem:$0x3FAF] =	sst s1  }
0xa: {  	[smem:$0x3FB0] =	sst s2  }
0xb: {  	[smem:$0x3FB1] =	sst s3  }
0xc: {  	[smem:$0x3FB2] =	sst s4  }
0xd: {  	[smem:$0x3FB3] =	sst s5  }
0xe: {  	[smem:$0x3FB4] =	sst s6  }
0xf: {  	[smem:$0x3FB5] =	sst s7  }
0x10: {  	[smem:$0x3FB6] =	sst s8  }
0x11: {  	[smem:$0x3FB7] =	sst s9;
	s0 =	simm.s32 @!p0 $0x0  }
0x12: {  	s1 =	sld [smem:$0x3F9D];
	s0 =	simm.s32 @p0 $0x1  }
0x13: {  	[smem:$0x3FB8] =	sst s0;
	s0 =	simm.s32 @!p1 $0x0  }
0x14: {  	s2 =	sld [smem:$0x3F9C];
	s0 =	simm.s32 @p1 $0x1  }
0x15: {  	[smem:$0x3FB9] =	sst s0;
	s0 =	simm.s32 @!p2 $0x0  }
0x16: {  	s3 =	sld [smem:$0x3FDB];
	s0 =	simm.s32 @p2 $0x1  }
0x17: {  	s4 =	simm.s32 $0x1BF5;
	[smem:$0x3FBB] =	sst s0  }
0x18: {  	s0 =	sld [smem:$0x3F9E];
	_ =	swait.ge [sflag:s4], $0x0  }
0x19: {  	s7 =	sld [smem:$0x3F9F]  }
0x1a: {  	s8 =	sadd.s32 $0xFFFFE003, lr  }
0x1b: {  	s9 =	sadd.s32 $0xFFFFFEF7, lr;
	s5 =	simm.s32 $0xFFFFFFFF;
	p2 =	slt.u32 s8, $0xFFFFF086  }
0x1c: {  	p1 =	slt.u32 s9, $0xF7A;
	s5 =	simm.s32 @!p2 $0x0  }
0x1d: {  	s5 =	simm.s32 @p1 $0x1;
	p0 =	seq.s32 s7, s2  }
0x1e: {  	s7 =	smul.u32 @!p0 $0xF7A, s2;
	p2 =	seq.s32 @!p0 s5, $0x0  }
0x1f: {  	s9 =	smul.u32 $0xF7A, s1;
	s8 =	simm.s32 @!p0 $0x1BF5;
	p2 =	por !p2, p0  }
0x20: {  	[sflag:s8] =	ssyncset.s32 @!p0 $0xFFFFF086;
	s6 =	sadd.s32 @!p0 s3, s7;
	s7 =	simm.s32 @!p0 $0x108  }
0x21: {  	s3 =	sadd.s32 s3, s9;
	s6 =	sadd.s32 @!p0 $0x88, s6;
	s7 =	simm.s32 @p2 $0x1082  }
0x22: {  	[simem:s7], [sflag:s8] =	dma.local @!p0 [hbm:s6], $0xF7A  }
0x23: {  	s9 =	sor.u32 $0xD0000000, s2;
	s6 =	simm.s32 $0x108;
	_ =	swait.ge @!p0 [sflag:s8], $0x0  }
0x24: {  	s3 =	sadd.s32 $0x88, s3;
	s6 =	simm.s32 @!p1 $0x1082;
	[sflag:s4] =	ssyncset.s32 $0xFFFFF086  }
0x25: {  	[simem:s6], [sflag:s4] =	dma.local [hbm:s3], $0xF7A  }
0x26: {  	[smem:$0x3F9F] =	sst s1;
	(tag) =	ssettag s2;
	_ =	strace s9  }
0x27: {  	s1 =	sld [smem:$0x3FAF]  }
0x28: {  	s2 =	sld [smem:$0x3FB0]  }
0x29: {  	s4 =	sld [smem:$0x3FB2]  }
0x2a: {  	p0 =	seq.s32 s5, $0x0;
	s5 =	sld [smem:$0x3FB3]  }
0x2b: {  	s6 =	sld [smem:$0x3FB4]  }
0x2c: {  	s7 =	sld [smem:$0x3FB5]  }
0x2d: {  	s3 =	simm.s32 $0x108;
	s8 =	sld [smem:$0x3FB6]  }
0x2e: {  	s3 =	simm.s32 @!p0 $0x1082;
	s9 =	sld [smem:$0x3FB7]  }
0x2f: {  	lr =	sadd.s32 s0, s3;
	s0 =	sld [smem:$0x3FAE]  }
0x30: {  	s3 =	sld [smem:$0x3FB1]  }
0x31: {  	[smem:$0x3FBA] =	sst s10  }
0x32: {  	s10 =	sld [smem:$0x3FB8];
	_ =	sdelay $0x3  }
0x33: {  	p0 =	seq.s32 s10, $0x1;
	s10 =	sld [smem:$0x3FBA];
	_ =	sdelay $0x3  }
0x34: {  	[smem:$0x3FBA] =	sst s10  }
0x35: {  	s10 =	sld [smem:$0x3FB9];
	_ =	sdelay $0x3  }
0x36: {  	p1 =	seq.s32 s10, $0x1;
	s10 =	sld [smem:$0x3FBA];
	_ =	sdelay $0x3  }
0x37: {  	[smem:$0x3FBA] =	sst s10  }
0x38: {  	s10 =	sld [smem:$0x3FBB]  }
0x39: {  	_ = 	snop;
	(pc) =	sbr.ind lr, $3  }
0x3a: {  	_ = 	snop  }
0x3b: {  	_ = 	snop  }
0x3c: {  	p2 =	seq.s32 s10, $0x1;
	s10 =	sld [smem:$0x3FBA]  }
0x3d: {  	_ =	shalt  }
0x3e: {  	_ =	shalt  }
0x3f: {  	_ =	shalt  }
0x40: {  	_ =	shalt  }
0x41: {  	_ =	shalt  }
0x42: {  	_ =	shalt  }
0x43: {  	_ =	shalt  }
0x44: {  	_ =	shalt  }
0x45: {  	_ =	shalt  }
0x46: {  	_ =	shalt  }
0x47: {  	_ =	shalt  }
0x48: {  	_ =	shalt  }
0x49: {  	_ =	shalt  }
0x4a: {  	_ =	shalt  }
0x4b: {  	_ =	shalt  }
0x4c: {  	_ =	shalt  }
0x4d: {  	_ =	shalt  }
0x4e: {  	_ =	shalt  }
0x4f: {  	_ =	shalt  }
0x50: {  	_ =	shalt  }
0x51: {  	_ =	shalt  }
0x52: {  	_ =	shalt  }
0x53: {  	_ =	shalt  }
0x54: {  	_ =	shalt  }
0x55: {  	_ =	shalt  }
0x56: {  	_ =	shalt  }
0x57: {  	_ =	shalt  }
0x58: {  	_ =	shalt  }
0x59: {  	_ =	shalt  }
0x5a: {  	_ =	shalt  }
0x5b: {  	_ =	shalt  }
0x5c: {  	_ =	shalt  }
0x5d: {  	_ =	shalt  }
0x5e: {  	_ =	shalt  }
0x5f: {  	_ =	shalt  }
0x60: {  	_ =	shalt  }
0x61: {  	_ =	shalt  }
0x62: {  	_ =	shalt  }
0x63: {  	_ =	shalt  }
0x64: {  	_ =	shalt  }
0x65: {  	_ =	shalt  }
0x66: {  	_ =	shalt  }
0x67: {  	_ =	shalt  }
0x68: {  	_ =	shalt  }
0x69: {  	_ =	shalt  }
0x6a: {  	_ =	shalt  }
0x6b: {  	_ =	shalt  }
0x6c: {  	_ =	shalt  }
0x6d: {  	_ =	shalt  }
0x6e: {  	_ =	shalt  }
0x6f: {  	_ =	shalt  }
0x70: {  	_ =	shalt  }
0x71: {  	_ =	shalt  }
0x72: {  	_ =	shalt  }
0x73: {  	_ =	shalt  }
0x74: {  	_ =	shalt  }
0x75: {  	_ =	shalt  }
0x76: {  	_ =	shalt  }
0x77: {  	_ =	shalt  }
0x78: {  	_ =	shalt  }
0x79: {  	_ =	shalt  }
0x7a: {  	_ =	shalt  }
0x7b: {  	_ =	shalt  }
0x7c: {  	_ =	shalt  }
0x7d: {  	_ =	shalt  }
0x7e: {  	_ =	shalt  }
0x7f: {  	_ =	shalt  }
0x80: {  	_ =	shalt  }
0x81: {  	_ =	shalt  }
0x82: {  	_ =	shalt  }
0x83: {  	_ =	shalt  }
0x84: {  	_ =	shalt  }
0x85: {  	_ =	shalt  }
0x86: {  	_ =	shalt  }
0x87: {  	_ =	shalt  }
.Lfunc_end0:
.L_simem_size_0:
called_computation.1_lowered:
.L_overlay_start_0:
0x88: {  	s2 =	sld [smem:$0x3FD9]  }
0x89: {  	s3 =	sld [smem:$0x3FFE];
	_ =	sdelay $0x1  }
0x8a: {  	s1 =	srdreg.scid  }
0x8b: {  	s0 =	sand.u32 $0x1, s1  }
0x8c: {  	s16 =	sshll.u32 s0, $0xA;
	s2 =	sadd.s32 s3, s2  }
0x8d: {  	s2 =	sadd.s32 s2, s16  }
0x8e: {  	[smem:$0x3FC6] =	sst s2  }
0x8f: {  	_ = 	snop  }
0x90: {  	(tm) =	ssettm $0x1  }
0x91: {  	s17 =	sld [smem:$0x3FFB];
	_ =	sdelay $0x3  }
0x92: {  	_ =	strace s17  }
0x93: {  	s2 =	sld [smem:$0x3FFC];
	_ =	sdelay $0x3  }
0x94: {  	_ =	strace s2  }
0x95: {  	s2 =	sld [smem:$0x3FFD];
	_ =	sdelay $0x3  }
0x96: {  	_ =	strace s2  }
0x97: {  	_ =	strace $0x8FFFFFFF  }
0x98: {  	s18 =	sld [smem:$0x3FDB];
	_ =	sdelay $0x1  }
0x99: {  	s19 =	simm.s32 $_scs_section_size  }
0x9a: {  	s4 =	simm.s32 $_size__tile_overlayer_lowered;
	s5 =	simm.s32 $_tile_overlayer_lowered  }
0x9b: {  	s22 =	simm.s32 $0x1BFF;
	s21 =	sshll.u32 s5, $0x1;
	s2 =	sadd.s32 s19, s18  }
0x9c: {  	s6 =	simm.s32 $0x0;
	s20 =	sshll.u32 s4, $0x1;
	s4 =	sadd.s32 s21, s2  }
0x9d: {  	[timem:s6], [sflag:s22] =	dma.local [hbm:s4], s20  }
0x9e: {  	_ =	swait.ge [sflag:s22], s20  }
0x9f: {  	s3 =	ssub.s32 $0x0, s20;
	[sflag:s22] =	ssyncset.done $0x0  }
0xa0: {  	[sflag:s22] =	ssyncadd.s32 s3;
	_ =	sdelay $0x1  }
0xa1: {  	s23 =	simm.s32 $0x1B8B  }
0xa2: {  	_ =	swait.ge [sflag:s23], $0x1  }
0xa3: {  	[sflag:s23] =	ssyncset.done $0x0  }
0xa4: {  	s25 =	simm.s32 $0x1B8E;
	s24 =	sld [smem:$0x3FFE];
	[sflag:s23] =	ssyncadd.s32 $0xFFFFFFFF  }
0xa5: {  	s26 =	simm.s32 $execute0_lowered;
	[smem:$0x3FD2] =	sst s25  }
0xa6: {  	s4 =	sshll.u32 s26, $0x1;
	_ =	strace $0x80000049;
	[dreg:$0x1] =	wrdreg $0xFFFFFFFF  }
0xa7: {  	s28 =	simm.s32 $_size_execute0_lowered;
	s2 =	sadd.s32 s2, s4;
	[dreg:$0x0] =	wrdreg $0x0  }
0xa8: {  	s4 =	sshll.u32 s28, $0x1;
	[dreg:$0x2] =	wrdreg s2  }
0xa9: {  	[dreg:$0x3] =	wrdreg s4  }
0xaa: {  	[dreg:$0x4] =	wrdreg $0xC0  }
0xab: {  	_ =	task [dreg:s6], $0x5FFFF  }
0xac: {  	[dreg:$0x1] =	wrdreg $0xFFFFFFFF  }
0xad: {  	[dreg:$0x0] =	wrdreg $0x60  }
0xae: {  	[dreg:$0x2] =	wrdreg s24  }
0xaf: {  	[dreg:$0x3] =	wrdreg $0xA  }
0xb0: {  	_ =	task.clear_ibuf [dreg:s6], $0x4FFFF;
	_ =	strace $0x90000049  }
0xb1: {  	s29 =	simm.s32 $0xA;
	_ =	strace $0x8000004B  }
0xb2: {  	_ =	swait.ge [sflag:s29], $0x1  }
0xb3: {  	[sflag:s29] =	ssyncadd.s32 $0xFFFFFFFF  }
0xb4: {  	_ =	strace $0x9000004B  }
0xb5: {  	_ =	sfence  }
0xb6: {  	s30 =	sld [smem:$0x0];
	_ =	sdelay $0x2  }
0xb7: {  	s31 =	sshll.u32 s1, $0xD;
	s1 =	sshrl.u32 s1, $0x2  }
0xb8: {  	s3 =	sand.u32 $0x4000, s31;
	s1 =	sadd.s32 s1, s30  }
0xb9: {  	s0 =	sor.u32 s3, s0;
	s1 =	sshll.u32 s1, $0x11  }
0xba: {  	s0 =	sor.u32 s1, s0  }
0xbb: {  	s0 =	sadd.s32 $0x8F2B, s0  }
0xbc: {  	[sflag:s0] =	ssyncadd.remote.s32 $0x1  }
0xbd: {  	_ =	sfence.sel $0xFFFF  }
0xbe: {  	[dreg:$0x0] =	wrdreg $0xFFFFFFFF;
	(pc) =	sbr.abs _section_cstart, $3  }
0xbf: {  	[dreg:$0x1] =	wrdreg $0xFFFFFFFF  }
0xc0: {  	_ =	task.clear_ibuf [dreg:s6], $0x2FFFF;
	_ =	strace $0x9FFFFFFF  }
0xc1: {  	(tm) =	ssettm $0x7FFFFFFF  }
tec
execute0_lowered:
.L_overlay_start_1:
0x0: {  	(tag) =	ssettag $0x1  }
0x1: {  	s0 =	srdreg.scid;
	s5 =	rddreg [dreg:$0x0]  }
0x2: {  	s1 =	stileid.u32;
	s6 =	simm.s32 $0x1;
	s9 =	simm.s32 $0x1  }
0x3: {  	s10 =	simm.s32 $0x3;
	s13 =	simm.s32 $0x0;
	s2 =	sshll.u32 s0, $0xA  }
0x4: {  	s12 =	simm.s32 $0x0;
	s3 =	sshll.u32 s1, $0xB;
	s2 =	sand.u32 $0x400, s2  }
0x5: {  	s0 =	rddreg [dreg:$0x1];
	_ =	strace $0x8000004A;
	s2 =	sor.u32 s3, s2  }
0x6: {  	s4 =	sadd.s32 $0xE000, s5;
	[sflag:s6] =	ssyncpa.u1 $0x0;
	s8 =	ssub.s32 $0x10000, s2  }
.Ltmp0:
0x7: {  	s3 =	sadd.s32 $0x2000, s5;
	s7 =	sand.u32 $0x7C00, s8;
	(pc) =	sbr.rel .LBB2_1-.Ltmp0, $4  }
0x8: {  	s5 =	sadd.s32 $0x14000, s5;
	s11 =	smov.u32 s2;
	p0 =	sne.s32 s7, $0x0  }
0x9: {  	s8 =	sshrl.u32 s8, $0xF;
	s7 =	simm.s32 $0x2;
	s9 =	simm.s32 @!p0 $0x0  }
0xa: {  	[sflag:s7] =	ssyncpa.u1 $0x0;
	p0 =	por $0x0, $0x0;
	s8 =	sadd.s32 s9, s8  }
0xb: {  	vm0 =	vmmov $0xffff;
	[sflag:s10] =	ssyncpa.u1 $0x0;
	s10 =	simm.s32 $0x0;
	s9 =	sadd.s32 $0x1, s8  }
.LBB2_4:
0xc: {  	v2 =	vand.u32 $0x1, v2;
	v3 =	vshrl.u32 v0, $0x2;
	v63 =	vshll.u32 v0, $0xF  }
0xd: {  	v2 =	vsel vm1, $0xFFFFFFFF, v2;
	v3 =	vand.u32 $0x3FFF, v3;
	v0 =	vand.u32 $0x8000, v63  }
0xe: {  	v3 =	vsel vm1, $0xFFFFFFFF, v3;
	v0 =	vsel vm1, $0xFFFF8000, v0;
	v4 =	vand.u32 $0xFFFF8000, v2  }
0xf: {  	v5 =	vand.u32 $0x7F, v3;
	v0 =	vadd.s32 v0, v4;
	v3 =	vshll.u32 v3, $0x1  }
0x10: {  	v2 =	vshll.u32 v2, $0x7;
	v3 =	vand.u32 $0xFFFFFF00, v3;
	v0 =	vor.u32 v5, v0  }
0x11: {  	v2 =	vand.u32 $0x80, v2;
	v0 =	vadd.s32 v3, v0  }
0x12: {  	v0 =	vor.u32 v2, v0;
	_ =	sdelay $0x1  }
0x13: {  	(ifvalue) =	ssetifvalue $0x7FFFFFFF;
	s14 =	sadd.s32 $0x10, s14  }
0x14: {  	[tilespmem:s14], [sflag:$0x1] =	stream.indirect_vreg.gather [hbm4b:s3+s10], $0x1, v1, vm0, $0x4038;
	[tilespmem:$0x1000] =	vst v63  }
0x15: {  	(ifvalue) =	ssetifvalue $0x7FFFFFFF;
	s14 =	sadd.s32 $0x10, s14  }
0x16: {  	[tilespmem:s14], [sflag:$0x1] =	stream.indirect_vreg.gather [hbm4b:s3+s10], $0x1, v0, vm0, $0x4038;
	[tilespmem:$0x1000] =	vst v63  }
0x17: {  	_ =	swait.ge [sflag:s6], $0x400  }
0x18: {  	s30 =	sshrl.u32 s13, $0x3;
	[sflag:s6] =	ssyncset.done $0x0  }
0x19: {  	s31 =	sand.u32 $0x7, s13;
	s14 =	sadd.s32 s5, s30;
	[sflag:s6] =	ssyncadd.s32 $0xFFFFFC00  }
0x1a: {  	[hbm4b:s14+s31] =	stream.linear.scatter [tilespmem:s15], [sflag:$0x3], $0x400, $0x38;
	[tilespmem:$0x1000] =	vst v63  }
.LBB2_5:
0x1b: {  	s15 =	sadd.s32 $0x8000, s11  }
0x1c: {  	p2 =	sgt.s32 s15, $0xFFFF  }
0x1d: {  	s15 =	smov.u32 @p2 s2;
	p2 =	sne.s32 s12, s9  }
.Ltmp1:
0x1e: {  	p1 =	slt.u32 s12, $0x2;
	(pc) =	sbr.rel @!p2 .LBB2_6-.Ltmp1, $4  }
0x1f: {  	s14 =	simm.s32 @!p1 $0x3  }
0x20: {  	s16 =	sadd.s32 $0x1, s12;
	_ =	swait.ge @!p1 [sflag:s14], $0x400  }
0x21: {  	s13 =	smov.u32 s11;
	p0 =	por !p0, !p0;
	[sflag:s14] =	ssyncset.done @!p1 $0x0  }
0x22: {  	s12 =	smov.u32 s16;
	s11 =	smov.u32 s15;
	[sflag:s14] =	ssyncadd.s32 @!p1 $0xFFFFFC00  }
.LBB2_1:
0x23: {  	p1 =	sge.u32 s12, s8  }
0x24: {  	s14 =	sxor.u32 @!p1 $0xFFFFFFFF, s12  }
0x25: {  	s31 =	sadd.s32 $0xFFFFFFFF, s12;
	s15 =	sshrl.u32 @!p1 s11, $0x3;
	s14 =	sshll.u32 @!p1 s14, $0xA  }
0x26: {  	s16 =	sand.u32 @!p1 $0x7, s11;
	s15 =	sadd.s32 @!p1 s4, s15;
	s14 =	sand.u32 @!p1 $0x400, s14  }
0x27: {  	[tilespmem:s14], [sflag:$0x2] =	stream.linear.gather @!p1 [hbm4b:s15+s16], $0x400, $0x38;
	[tilespmem:$0x1000] =	vst v63  }
0x28: {  	p1 =	sge.u32 s31, s8  }
.Ltmp2:
0x29: {  	_ = 	snop;
	(pc) =	sbr.rel @p1 .LBB2_5-.Ltmp2, $1  }
0x2a: {  	_ =	sdelay $0x3  }
0x2b: {  	s14 =	simm.s32 $0x1  }
0x2c: {  	_ =	swait.ge [sflag:s7], $0x400;
	s14 =	simm.s32 @!p0 $0x0  }
0x2d: {  	[sflag:s7] =	ssyncset.done $0x0;
	s14 =	sshll.u32 s14, $0xA  }
0x2e: {  	[sflag:s7] =	ssyncadd.s32 $0xFFFFFC00;
	(ifvalue) =	ssetifvalue $0x7FFFFFFF;
	v0 =	vld.msk [tilespmem:s14+$0x0 ss:$0x1], $0xffff;
	_ =	sdelay $0x1  }
0x2f: {  	s15 =	sadd.s32 $0x10, s14  }
0x30: {  	v3 =	vld.msk [tilespmem:s15+$0x0 ss:$0x1], $0xffff;
	_ =	sdelay $0x1  }
0x31: {  	vm1 =	veq.s32 v0, $0x80000000  }
0x32: {  	v1 =	vshrl.u32 v0, $0x1;
	v2 =	vshrl.u32 v0, $0x2;
	v0 =	vshll.u32 v0, $0xF  }
0x33: {  	v1 =	vand.u32 $0x1, v1;
	v2 =	vand.u32 $0x3FFF, v2;
	v0 =	vand.u32 $0x8000, v0  }
0x34: {  	v62 =	vshrl.u32 v3, $0x2;
	v1 =	vsel vm1, $0xFFFFFFFF, v1;
	v2 =	vsel vm1, $0xFFFFFFFF, v2  }
0x35: {  	v0 =	vsel vm1, $0xFFFF8000, v0;
	vm1 =	veq.s32 v3, $0x80000000;
	v4 =	vand.u32 $0xFFFF8000, v1  }
0x36: {  	v5 =	vand.u32 $0x7F, v2;
	v2 =	vshll.u32 v2, $0x1;
	v0 =	vadd.s32 v0, v4  }
0x37: {  	v1 =	vshll.u32 v1, $0x7;
	v2 =	vand.u32 $0xFFFFFF00, v2;
	v0 =	vor.u32 v5, v0  }
0x38: {  	v1 =	vand.u32 $0x80, v1;
	v0 =	vadd.s32 v2, v0;
	v2 =	vshrl.u32 v3, $0x1  }
0x39: {  	s17 =	sadd.s32 $0x10, s15;
	v3 =	vshll.u32 v3, $0xF;
	v1 =	vor.u32 v1, v0;
	v2 =	vand.u32 $0x1, v2  }
0x3a: {  	v4 =	vand.u32 $0x3FFF, v62;
	v0 =	vld.msk [tilespmem:s17+$0x0 ss:$0x1], $0xffff;
	v3 =	vand.u32 $0x8000, v3;
	v2 =	vsel vm1, $0xFFFFFFFF, v2  }
0x3b: {  	v4 =	vsel vm1, $0xFFFFFFFF, v4;
	v3 =	vsel vm1, $0xFFFF8000, v3;
	v63 =	vand.u32 $0xFFFF8000, v2  }
0x3c: {  	s31 =	sshll.u32 s12, $0xA;
	v6 =	vand.u32 $0x7F, v4;
	v4 =	vshll.u32 v4, $0x1;
	v3 =	vadd.s32 v3, v63  }
0x3d: {  	s14 =	sor.u32 $0x800, s14;
	s15 =	sand.u32 $0x400, s31;
	(ifvalue) =	ssetifvalue $0x7FFFFFFF;
	v4 =	vand.u32 $0xFFFFFF00, v4;
	v2 =	vshll.u32 v2, $0x7;
	v3 =	vor.u32 v6, v3  }
0x3e: {  	[tilespmem:s14], [sflag:$0x1] =	stream.indirect_vreg.gather [hbm4b:s3+s10], $0x1, v1, vm0, $0x4038;
	v1 =	vand.u32 $0x80, v2;
	v3 =	vadd.s32 v4, v3;
	[tilespmem:$0x1000] =	vst v63  }
0x3f: {  	s16 =	simm.s32 $0x20;
	s15 =	sor.u32 $0x800, s15;
	s17 =	sadd.s32 $0x10, s17;
	vm1 =	veq.s32 v0, $0x80000000;
	v2 =	vshrl.u32 v0, $0x1;
	v1 =	vor.u32 v1, v3  }
.LBB2_3:
0x40: {  	s16 =	sadd.s32 $0x10, s16;
	v2 =	vand.u32 $0x1, v2;
	v3 =	vshrl.u32 v0, $0x2;
	v4 =	vshll.u32 v0, $0xF;
	v0 =	vld.msk [tilespmem:s17+$0x0 ss:$0x1], $0xffff  }
0x41: {  	p1 =	slt.u32 s16, $0x3F0;
	v2 =	vsel vm1, $0xFFFFFFFF, v2;
	v3 =	vand.u32 $0x3FFF, v3;
	v4 =	vand.u32 $0x8000, v4  }
.Ltmp3:
0x42: {  	v3 =	vsel vm1, $0xFFFFFFFF, v3;
	v4 =	vsel vm1, $0xFFFF8000, v4;
	v5 =	vand.u32 $0xFFFF8000, v2;
	(pc) =	sbr.rel @p1 .LBB2_3-.Ltmp3, $4  }
0x43: {  	s14 =	sadd.s32 $0x10, s14;
	v6 =	vand.u32 $0x7F, v3;
	v4 =	vadd.s32 v4, v5;
	v3 =	vshll.u32 v3, $0x1;
	(ifvalue) =	ssetifvalue $0x7FFFFFFF  }
0x44: {  	v2 =	vshll.u32 v2, $0x7;
	v3 =	vand.u32 $0xFFFFFF00, v3;
	v4 =	vor.u32 v6, v4;
	[tilespmem:s14], [sflag:$0x1] =	stream.indirect_vreg.gather [hbm4b:s3+s10], $0x1, v1, vm0, $0x4038;
	[tilespmem:$0x1000] =	vst v63  }
0x45: {  	v1 =	vand.u32 $0x80, v2;
	v3 =	vadd.s32 v3, v4  }
0x46: {  	s17 =	sadd.s32 $0x10, s17;
	vm1 =	veq.s32 v0, $0x80000000;
	v2 =	vshrl.u32 v0, $0x1;
	v1 =	vor.u32 v1, v3  }
.Ltmp4:
0x47: {  	_ = 	snop;
	(pc) =	sbr.rel .LBB2_4-.Ltmp4, $1  }
0x48: {  	_ =	sdelay $0x3  }
.LBB2_6:
0x49: {  	_ =	sfence.sel $0x180000  }
0x4a: {  	s2 =	simm.s32 $0x2;
	[bflag:$0x0] =	sbarrier.arrive $0xFFFF  }
0x4b: {  	s30 =	simm.s32 $0x3;
	[sflag:s2] =	ssyncpa.u1 $0x1  }
0x4c: {  	s31 =	simm.s32 $0x1;
	[sflag:s30] =	ssyncpa.u1 $0x1  }
0x4d: {  	[sflag:s31] =	ssyncpa.u1 $0x1  }
0x4e: {  	p0 =	sne.s32 s1, $0x0;
	_ =	strace $0x9000004A  }
0x4f: {  	s0 =	sadd.s32 @!p0 $0x100000, s0;
	[bflag:$0x2] =	sbarrier.arrive $0xFFFF  }
0x50: {  	[sflag:s0] =	ssyncadd.tile.s32 @!p0 $0x1;
	_ =	shalt  }
.Lfunc_end2:
_tile_overlayer_lowered:
.L_overlay_start_2:
0x51: {  	(tag) =	ssettag $0x2  }
0x52: {  	s0 =	rddreg [dreg:$0x0];
	s2 =	stileid.u32  }
0x53: {  	s1 =	rddreg [dreg:$0x1];
	p0 =	sne.s32 s2, $0x0  }
0x54: {  	s3 =	rddreg [dreg:$0x2];
	[bflag:$0x3] =	sbarrier.arrive $0xFFFF;
	s2 =	simm.s32 @!p0 $0x1C01  }
0x55: {  	[timem:s3], [sflag:s2] =	dma.local @!p0 [hbm:s0], s1  }
0x56: {  	s0 =	simm.s32 @!p0 $0x1  }
0x57: {  	_ =	swait.ge @!p0 [sflag:s0], s1  }
0x58: {  	s1 =	ssub.s32 @!p0 $0x0, s1;
	[sflag:s0] =	ssyncset.done @!p0 $0x0  }
0x59: {  	[sflag:s0] =	ssyncadd.s32 @!p0 s1  }
0x5a: {  	[bflag:$0x3] =	sbarrier.arrive $0xFFFF  }
0x5b: {  	_ =	shalt  }

// kernel: gather_offload_async_start.2
scs
__scs_entry_jumppad:
0x0: {  	(pc) =	sbr.rel $0x88, $3  }
0x1: {  	(tag) =	ssettag $0x0;
	lr =	simm.s32 $0x1  }
0x2: {  	[smem:$0x3F9F] =	sst lr;
	_ =	strace $0xD0000000  }
0x3: {  	_ = 	snop  }
0x4: {  	_ = 	snop  }
0x5: {  	_ = 	snop  }
0x6: {  	_ = 	snop  }
0x7: {  	_ = 	snop  }
__scs_overlays_trampoline_lowered:
0x8: {  	[smem:$0x3FAE] =	sst s0  }
0x9: {  	[smem:$0x3FAF] =	sst s1  }
0xa: {  	[smem:$0x3FB0] =	sst s2  }
0xb: {  	[smem:$0x3FB1] =	sst s3  }
0xc: {  	[smem:$0x3FB2] =	sst s4  }
0xd: {  	[smem:$0x3FB3] =	sst s5  }
0xe: {  	[smem:$0x3FB4] =	sst s6  }
0xf: {  	[smem:$0x3FB5] =	sst s7  }
0x10: {  	[smem:$0x3FB6] =	sst s8  }
0x11: {  	[smem:$0x3FB7] =	sst s9;
	s0 =	simm.s32 @!p0 $0x0  }
0x12: {  	s1 =	sld [smem:$0x3F9D];
	s0 =	simm.s32 @p0 $0x1  }
0x13: {  	[smem:$0x3FB8] =	sst s0;
	s0 =	simm.s32 @!p1 $0x0  }
0x14: {  	s2 =	sld [smem:$0x3F9C];
	s0 =	simm.s32 @p1 $0x1  }
0x15: {  	[smem:$0x3FB9] =	sst s0;
	s0 =	simm.s32 @!p2 $0x0  }
0x16: {  	s3 =	sld [smem:$0x3FDB];
	s0 =	simm.s32 @p2 $0x1  }
0x17: {  	s4 =	simm.s32 $0x1BF5;
	[smem:$0x3FBB] =	sst s0  }
0x18: {  	s0 =	sld [smem:$0x3F9E];
	_ =	swait.ge [sflag:s4], $0x0  }
0x19: {  	s7 =	sld [smem:$0x3F9F]  }
0x1a: {  	s8 =	sadd.s32 $0xFFFFE003, lr  }
0x1b: {  	s9 =	sadd.s32 $0xFFFFFEF7, lr;
	s5 =	simm.s32 $0xFFFFFFFF;
	p2 =	slt.u32 s8, $0xFFFFF086  }
0x1c: {  	p1 =	slt.u32 s9, $0xF7A;
	s5 =	simm.s32 @!p2 $0x0  }
0x1d: {  	s5 =	simm.s32 @p1 $0x1;
	p0 =	seq.s32 s7, s2  }
0x1e: {  	s7 =	smul.u32 @!p0 $0xF7A, s2;
	p2 =	seq.s32 @!p0 s5, $0x0  }
0x1f: {  	s9 =	smul.u32 $0xF7A, s1;
	s8 =	simm.s32 @!p0 $0x1BF5;
	p2 =	por !p2, p0  }
0x20: {  	[sflag:s8] =	ssyncset.s32 @!p0 $0xFFFFF086;
	s6 =	sadd.s32 @!p0 s3, s7;
	s7 =	simm.s32 @!p0 $0x108  }
0x21: {  	s3 =	sadd.s32 s3, s9;
	s6 =	sadd.s32 @!p0 $0x88, s6;
	s7 =	simm.s32 @p2 $0x1082  }
0x22: {  	[simem:s7], [sflag:s8] =	dma.local @!p0 [hbm:s6], $0xF7A  }
0x23: {  	s9 =	sor.u32 $0xD0000000, s2;
	s6 =	simm.s32 $0x108;
	_ =	swait.ge @!p0 [sflag:s8], $0x0  }
0x24: {  	s3 =	sadd.s32 $0x88, s3;
	s6 =	simm.s32 @!p1 $0x1082;
	[sflag:s4] =	ssyncset.s32 $0xFFFFF086  }
0x25: {  	[simem:s6], [sflag:s4] =	dma.local [hbm:s3], $0xF7A  }
0x26: {  	[smem:$0x3F9F] =	sst s1;
	(tag) =	ssettag s2;
	_ =	strace s9  }
0x27: {  	s1 =	sld [smem:$0x3FAF]  }
0x28: {  	s2 =	sld [smem:$0x3FB0]  }
0x29: {  	s4 =	sld [smem:$0x3FB2]  }
0x2a: {  	p0 =	seq.s32 s5, $0x0;
	s5 =	sld [smem:$0x3FB3]  }
0x2b: {  	s6 =	sld [smem:$0x3FB4]  }
0x2c: {  	s7 =	sld [smem:$0x3FB5]  }
0x2d: {  	s3 =	simm.s32 $0x108;
	s8 =	sld [smem:$0x3FB6]  }
0x2e: {  	s3 =	simm.s32 @!p0 $0x1082;
	s9 =	sld [smem:$0x3FB7]  }
0x2f: {  	lr =	sadd.s32 s0, s3;
	s0 =	sld [smem:$0x3FAE]  }
0x30: {  	s3 =	sld [smem:$0x3FB1]  }
0x31: {  	[smem:$0x3FBA] =	sst s10  }
0x32: {  	s10 =	sld [smem:$0x3FB8];
	_ =	sdelay $0x3  }
0x33: {  	p0 =	seq.s32 s10, $0x1;
	s10 =	sld [smem:$0x3FBA];
	_ =	sdelay $0x3  }
0x34: {  	[smem:$0x3FBA] =	sst s10  }
0x35: {  	s10 =	sld [smem:$0x3FB9];
	_ =	sdelay $0x3  }
0x36: {  	p1 =	seq.s32 s10, $0x1;
	s10 =	sld [smem:$0x3FBA];
	_ =	sdelay $0x3  }
0x37: {  	[smem:$0x3FBA] =	sst s10  }
0x38: {  	s10 =	sld [smem:$0x3FBB]  }
0x39: {  	_ = 	snop;
	(pc) =	sbr.ind lr, $3  }
0x3a: {  	_ = 	snop  }
0x3b: {  	_ = 	snop  }
0x3c: {  	p2 =	seq.s32 s10, $0x1;
	s10 =	sld [smem:$0x3FBA]  }
0x3d: {  	_ =	shalt  }
0x3e: {  	_ =	shalt  }
0x3f: {  	_ =	shalt  }
0x40: {  	_ =	shalt  }
0x41: {  	_ =	shalt  }
0x42: {  	_ =	shalt  }
0x43: {  	_ =	shalt  }
0x44: {  	_ =	shalt  }
0x45: {  	_ =	shalt  }
0x46: {  	_ =	shalt  }
0x47: {  	_ =	shalt  }
0x48: {  	_ =	shalt  }
0x49: {  	_ =	shalt  }
0x4a: {  	_ =	shalt  }
0x4b: {  	_ =	shalt  }
0x4c: {  	_ =	shalt  }
0x4d: {  	_ =	shalt  }
0x4e: {  	_ =	shalt  }
0x4f: {  	_ =	shalt  }
0x50: {  	_ =	shalt  }
0x51: {  	_ =	shalt  }
0x52: {  	_ =	shalt  }
0x53: {  	_ =	shalt  }
0x54: {  	_ =	shalt  }
0x55: {  	_ =	shalt  }
0x56: {  	_ =	shalt  }
0x57: {  	_ =	shalt  }
0x58: {  	_ =	shalt  }
0x59: {  	_ =	shalt  }
0x5a: {  	_ =	shalt  }
0x5b: {  	_ =	shalt  }
0x5c: {  	_ =	shalt  }
0x5d: {  	_ =	shalt  }
0x5e: {  	_ =	shalt  }
0x5f: {  	_ =	shalt  }
0x60: {  	_ =	shalt  }
0x61: {  	_ =	shalt  }
0x62: {  	_ =	shalt  }
0x63: {  	_ =	shalt  }
0x64: {  	_ =	shalt  }
0x65: {  	_ =	shalt  }
0x66: {  	_ =	shalt  }
0x67: {  	_ =	shalt  }
0x68: {  	_ =	shalt  }
0x69: {  	_ =	shalt  }
0x6a: {  	_ =	shalt  }
0x6b: {  	_ =	shalt  }
0x6c: {  	_ =	shalt  }
0x6d: {  	_ =	shalt  }
0x6e: {  	_ =	shalt  }
0x6f: {  	_ =	shalt  }
0x70: {  	_ =	shalt  }
0x71: {  	_ =	shalt  }
0x72: {  	_ =	shalt  }
0x73: {  	_ =	shalt  }
0x74: {  	_ =	shalt  }
0x75: {  	_ =	shalt  }
0x76: {  	_ =	shalt  }
0x77: {  	_ =	shalt  }
0x78: {  	_ =	shalt  }
0x79: {  	_ =	shalt  }
0x7a: {  	_ =	shalt  }
0x7b: {  	_ =	shalt  }
0x7c: {  	_ =	shalt  }
0x7d: {  	_ =	shalt  }
0x7e: {  	_ =	shalt  }
0x7f: {  	_ =	shalt  }
0x80: {  	_ =	shalt  }
0x81: {  	_ =	shalt  }
0x82: {  	_ =	shalt  }
0x83: {  	_ =	shalt  }
0x84: {  	_ =	shalt  }
0x85: {  	_ =	shalt  }
0x86: {  	_ =	shalt  }
0x87: {  	_ =	shalt  }
.Lfunc_end0:
.L_simem_size_0:
called_computation.2_lowered:
.L_overlay_start_0:
0x88: {  	s2 =	sld [smem:$0x3FD9]  }
0x89: {  	s3 =	sld [smem:$0x3FFE];
	_ =	sdelay $0x1  }
0x8a: {  	s1 =	srdreg.scid  }
0x8b: {  	s0 =	sand.u32 $0x1, s1  }
0x8c: {  	s16 =	sshll.u32 s0, $0xA;
	s2 =	sadd.s32 s3, s2  }
0x8d: {  	s2 =	sadd.s32 s2, s16  }
0x8e: {  	[smem:$0x3FC6] =	sst s2  }
0x8f: {  	_ = 	snop  }
0x90: {  	(tm) =	ssettm $0x1  }
0x91: {  	s17 =	sld [smem:$0x3FFB];
	_ =	sdelay $0x3  }
0x92: {  	_ =	strace s17  }
0x93: {  	s2 =	sld [smem:$0x3FFC];
	_ =	sdelay $0x3  }
0x94: {  	_ =	strace s2  }
0x95: {  	s2 =	sld [smem:$0x3FFD];
	_ =	sdelay $0x3  }
0x96: {  	_ =	strace s2  }
0x97: {  	_ =	strace $0x8FFFFFFF  }
0x98: {  	s18 =	sld [smem:$0x3FDB];
	_ =	sdelay $0x1  }
0x99: {  	s19 =	simm.s32 $_scs_section_size  }
0x9a: {  	s4 =	simm.s32 $_size__tile_overlayer_lowered;
	s5 =	simm.s32 $_tile_overlayer_lowered  }
0x9b: {  	s22 =	simm.s32 $0x1BFF;
	s21 =	sshll.u32 s5, $0x1;
	s2 =	sadd.s32 s19, s18  }
0x9c: {  	s6 =	simm.s32 $0x0;
	s20 =	sshll.u32 s4, $0x1;
	s4 =	sadd.s32 s21, s2  }
0x9d: {  	[timem:s6], [sflag:s22] =	dma.local [hbm:s4], s20  }
0x9e: {  	_ =	swait.ge [sflag:s22], s20  }
0x9f: {  	s3 =	ssub.s32 $0x0, s20;
	[sflag:s22] =	ssyncset.done $0x0  }
0xa0: {  	[sflag:s22] =	ssyncadd.s32 s3;
	_ =	sdelay $0x1  }
0xa1: {  	s23 =	simm.s32 $0x1B8B  }
0xa2: {  	_ =	swait.ge [sflag:s23], $0x1  }
0xa3: {  	[sflag:s23] =	ssyncset.done $0x0  }
0xa4: {  	s25 =	simm.s32 $0x1B8E;
	s24 =	sld [smem:$0x3FFE];
	[sflag:s23] =	ssyncadd.s32 $0xFFFFFFFF  }
0xa5: {  	s26 =	simm.s32 $execute0_lowered;
	[smem:$0x3FD2] =	sst s25  }
0xa6: {  	s4 =	sshll.u32 s26, $0x1;
	_ =	strace $0x80000046;
	[dreg:$0x1] =	wrdreg $0xFFFFFFFF  }
0xa7: {  	s28 =	simm.s32 $_size_execute0_lowered;
	s2 =	sadd.s32 s2, s4;
	[dreg:$0x0] =	wrdreg $0x0  }
0xa8: {  	s4 =	sshll.u32 s28, $0x1;
	[dreg:$0x2] =	wrdreg s2  }
0xa9: {  	[dreg:$0x3] =	wrdreg s4  }
0xaa: {  	[dreg:$0x4] =	wrdreg $0xC0  }
0xab: {  	_ =	task [dreg:s6], $0x5FFFF  }
0xac: {  	[dreg:$0x1] =	wrdreg $0xFFFFFFFF  }
0xad: {  	[dreg:$0x0] =	wrdreg $0x60  }
0xae: {  	[dreg:$0x2] =	wrdreg s24  }
0xaf: {  	[dreg:$0x3] =	wrdreg $0x9  }
0xb0: {  	_ =	task.clear_ibuf [dreg:s6], $0x4FFFF;
	_ =	strace $0x90000046  }
0xb1: {  	s29 =	simm.s32 $0x9;
	_ =	strace $0x80000048  }
0xb2: {  	_ =	swait.ge [sflag:s29], $0x1  }
0xb3: {  	[sflag:s29] =	ssyncadd.s32 $0xFFFFFFFF  }
0xb4: {  	_ =	strace $0x90000048  }
0xb5: {  	_ =	sfence  }
0xb6: {  	s30 =	sld [smem:$0x0];
	_ =	sdelay $0x2  }
0xb7: {  	s31 =	sshll.u32 s1, $0xD;
	s1 =	sshrl.u32 s1, $0x2  }
0xb8: {  	s3 =	sand.u32 $0x4000, s31;
	s1 =	sadd.s32 s1, s30  }
0xb9: {  	s0 =	sor.u32 s3, s0;
	s1 =	sshll.u32 s1, $0x11  }
0xba: {  	s0 =	sor.u32 s1, s0  }
0xbb: {  	s0 =	sadd.s32 $0x8F2B, s0  }
0xbc: {  	[sflag:s0] =	ssyncadd.remote.s32 $0x1  }
0xbd: {  	_ =	sfence.sel $0xFFFF  }
0xbe: {  	[dreg:$0x0] =	wrdreg $0xFFFFFFFF;
	(pc) =	sbr.abs _section_cstart, $3  }
0xbf: {  	[dreg:$0x1] =	wrdreg $0xFFFFFFFF  }
0xc0: {  	_ =	task.clear_ibuf [dreg:s6], $0x2FFFF;
	_ =	strace $0x9FFFFFFF  }
0xc1: {  	(tm) =	ssettm $0x7FFFFFFF  }
tec
execute0_lowered:
.L_overlay_start_1:
0x0: {  	(tag) =	ssettag $0x1  }
0x1: {  	s1 =	srdreg.scid  }
0x2: {  	s0 =	stileid.u32;
	s2 =	rddreg [dreg:$0x0];
	s6 =	simm.s32 $0x1  }
0x3: {  	s9 =	simm.s32 $0x1;
	s10 =	simm.s32 $0x3;
	s1 =	sshll.u32 s1, $0xA  }
0x4: {  	s13 =	simm.s32 $0x0;
	s3 =	sshll.u32 s0, $0xB;
	s4 =	sand.u32 $0x400, s1  }
0x5: {  	s12 =	simm.s32 $0x0;
	s5 =	sadd.s32 $0x14000, s2;
	s3 =	sor.u32 s3, s4  }
0x6: {  	s1 =	rddreg [dreg:$0x1];
	_ =	strace $0x80000047;
	s8 =	ssub.s32 $0x10000, s3  }
.Ltmp0:
0x7: {  	s4 =	sadd.s32 $0xE000, s2;
	s7 =	sand.u32 $0x7C00, s8;
	(pc) =	sbr.rel .LBB2_1-.Ltmp0, $4  }
0x8: {  	[sflag:s6] =	ssyncpa.u1 $0x0;
	s11 =	smov.u32 s3;
	p0 =	sne.s32 s7, $0x0  }
0x9: {  	s8 =	sshrl.u32 s8, $0xF;
	s7 =	simm.s32 $0x2;
	s9 =	simm.s32 @!p0 $0x0  }
0xa: {  	[sflag:s7] =	ssyncpa.u1 $0x0;
	p0 =	por $0x0, $0x0;
	s8 =	sadd.s32 s9, s8  }
0xb: {  	vm0 =	vmmov $0xffff;
	[sflag:s10] =	ssyncpa.u1 $0x0;
	s10 =	simm.s32 $0x0;
	s9 =	sadd.s32 $0x1, s8  }
.LBB2_4:
0xc: {  	v2 =	vand.u32 $0x1, v2;
	v3 =	vshrl.u32 v0, $0x2;
	v63 =	vshll.u32 v0, $0xF  }
0xd: {  	v2 =	vsel vm1, $0xFFFFFFFF, v2;
	v3 =	vand.u32 $0x3FFF, v3;
	v0 =	vand.u32 $0x8000, v63  }
0xe: {  	v3 =	vsel vm1, $0xFFFFFFFF, v3;
	v0 =	vsel vm1, $0xFFFF8000, v0;
	v4 =	vand.u32 $0xFFFF8000, v2  }
0xf: {  	v5 =	vand.u32 $0x7F, v3;
	v0 =	vadd.s32 v0, v4;
	v3 =	vshll.u32 v3, $0x1  }
0x10: {  	v2 =	vshll.u32 v2, $0x7;
	v3 =	vand.u32 $0xFFFFFF00, v3;
	v0 =	vor.u32 v5, v0  }
0x11: {  	v2 =	vand.u32 $0x80, v2;
	v0 =	vadd.s32 v3, v0  }
0x12: {  	v0 =	vor.u32 v2, v0;
	_ =	sdelay $0x1  }
0x13: {  	(ifvalue) =	ssetifvalue $0x7FFFFFFF;
	s14 =	sadd.s32 $0x10, s14  }
0x14: {  	[tilespmem:s14], [sflag:$0x1] =	stream.indirect_vreg.gather [hbm4b:s2+s10], $0x1, v1, vm0, $0x4038;
	[tilespmem:$0x1000] =	vst v63  }
0x15: {  	(ifvalue) =	ssetifvalue $0x7FFFFFFF;
	s14 =	sadd.s32 $0x10, s14  }
0x16: {  	[tilespmem:s14], [sflag:$0x1] =	stream.indirect_vreg.gather [hbm4b:s2+s10], $0x1, v0, vm0, $0x4038;
	[tilespmem:$0x1000] =	vst v63  }
0x17: {  	_ =	swait.ge [sflag:s6], $0x400  }
0x18: {  	s30 =	sshrl.u32 s13, $0x3;
	[sflag:s6] =	ssyncset.done $0x0  }
0x19: {  	s31 =	sand.u32 $0x7, s13;
	s14 =	sadd.s32 s5, s30;
	[sflag:s6] =	ssyncadd.s32 $0xFFFFFC00  }
0x1a: {  	[hbm4b:s14+s31] =	stream.linear.scatter [tilespmem:s15], [sflag:$0x3], $0x400, $0x38;
	[tilespmem:$0x1000] =	vst v63  }
.LBB2_5:
0x1b: {  	s15 =	sadd.s32 $0x8000, s11  }
0x1c: {  	p2 =	sgt.s32 s15, $0xFFFF  }
0x1d: {  	s15 =	smov.u32 @p2 s3;
	p2 =	sne.s32 s12, s9  }
.Ltmp1:
0x1e: {  	p1 =	slt.u32 s12, $0x2;
	(pc) =	sbr.rel @!p2 .LBB2_6-.Ltmp1, $4  }
0x1f: {  	s14 =	simm.s32 @!p1 $0x3  }
0x20: {  	s16 =	sadd.s32 $0x1, s12;
	_ =	swait.ge @!p1 [sflag:s14], $0x400  }
0x21: {  	s13 =	smov.u32 s11;
	p0 =	por !p0, !p0;
	[sflag:s14] =	ssyncset.done @!p1 $0x0  }
0x22: {  	s12 =	smov.u32 s16;
	s11 =	smov.u32 s15;
	[sflag:s14] =	ssyncadd.s32 @!p1 $0xFFFFFC00  }
.LBB2_1:
0x23: {  	p1 =	sge.u32 s12, s8  }
0x24: {  	s14 =	sxor.u32 @!p1 $0xFFFFFFFF, s12  }
0x25: {  	s31 =	sadd.s32 $0xFFFFFFFF, s12;
	s15 =	sshrl.u32 @!p1 s11, $0x3;
	s14 =	sshll.u32 @!p1 s14, $0xA  }
0x26: {  	s16 =	sand.u32 @!p1 $0x7, s11;
	s15 =	sadd.s32 @!p1 s4, s15;
	s14 =	sand.u32 @!p1 $0x400, s14  }
0x27: {  	[tilespmem:s14], [sflag:$0x2] =	stream.linear.gather @!p1 [hbm4b:s15+s16], $0x400, $0x38;
	[tilespmem:$0x1000] =	vst v63  }
0x28: {  	p1 =	sge.u32 s31, s8  }
.Ltmp2:
0x29: {  	_ = 	snop;
	(pc) =	sbr.rel @p1 .LBB2_5-.Ltmp2, $1  }
0x2a: {  	_ =	sdelay $0x3  }
0x2b: {  	s14 =	simm.s32 $0x1  }
0x2c: {  	_ =	swait.ge [sflag:s7], $0x400;
	s14 =	simm.s32 @!p0 $0x0  }
0x2d: {  	[sflag:s7] =	ssyncset.done $0x0;
	s14 =	sshll.u32 s14, $0xA  }
0x2e: {  	[sflag:s7] =	ssyncadd.s32 $0xFFFFFC00;
	(ifvalue) =	ssetifvalue $0x7FFFFFFF;
	v0 =	vld.msk [tilespmem:s14+$0x0 ss:$0x1], $0xffff;
	_ =	sdelay $0x1  }
0x2f: {  	s15 =	sadd.s32 $0x10, s14  }
0x30: {  	v3 =	vld.msk [tilespmem:s15+$0x0 ss:$0x1], $0xffff;
	_ =	sdelay $0x1  }
0x31: {  	vm1 =	veq.s32 v0, $0x80000000  }
0x32: {  	v1 =	vshrl.u32 v0, $0x1;
	v2 =	vshrl.u32 v0, $0x2;
	v0 =	vshll.u32 v0, $0xF  }
0x33: {  	v1 =	vand.u32 $0x1, v1;
	v2 =	vand.u32 $0x3FFF, v2;
	v0 =	vand.u32 $0x8000, v0  }
0x34: {  	v62 =	vshrl.u32 v3, $0x2;
	v1 =	vsel vm1, $0xFFFFFFFF, v1;
	v2 =	vsel vm1, $0xFFFFFFFF, v2  }
0x35: {  	v0 =	vsel vm1, $0xFFFF8000, v0;
	vm1 =	veq.s32 v3, $0x80000000;
	v4 =	vand.u32 $0xFFFF8000, v1  }
0x36: {  	v5 =	vand.u32 $0x7F, v2;
	v2 =	vshll.u32 v2, $0x1;
	v0 =	vadd.s32 v0, v4  }
0x37: {  	v1 =	vshll.u32 v1, $0x7;
	v2 =	vand.u32 $0xFFFFFF00, v2;
	v0 =	vor.u32 v5, v0  }
0x38: {  	v1 =	vand.u32 $0x80, v1;
	v0 =	vadd.s32 v2, v0;
	v2 =	vshrl.u32 v3, $0x1  }
0x39: {  	s17 =	sadd.s32 $0x10, s15;
	v3 =	vshll.u32 v3, $0xF;
	v1 =	vor.u32 v1, v0;
	v2 =	vand.u32 $0x1, v2  }
0x3a: {  	v4 =	vand.u32 $0x3FFF, v62;
	v0 =	vld.msk [tilespmem:s17+$0x0 ss:$0x1], $0xffff;
	v3 =	vand.u32 $0x8000, v3;
	v2 =	vsel vm1, $0xFFFFFFFF, v2  }
0x3b: {  	v4 =	vsel vm1, $0xFFFFFFFF, v4;
	v3 =	vsel vm1, $0xFFFF8000, v3;
	v63 =	vand.u32 $0xFFFF8000, v2  }
0x3c: {  	s31 =	sshll.u32 s12, $0xA;
	v6 =	vand.u32 $0x7F, v4;
	v4 =	vshll.u32 v4, $0x1;
	v3 =	vadd.s32 v3, v63  }
0x3d: {  	s14 =	sor.u32 $0x800, s14;
	s15 =	sand.u32 $0x400, s31;
	(ifvalue) =	ssetifvalue $0x7FFFFFFF;
	v4 =	vand.u32 $0xFFFFFF00, v4;
	v2 =	vshll.u32 v2, $0x7;
	v3 =	vor.u32 v6, v3  }
0x3e: {  	[tilespmem:s14], [sflag:$0x1] =	stream.indirect_vreg.gather [hbm4b:s2+s10], $0x1, v1, vm0, $0x4038;
	v1 =	vand.u32 $0x80, v2;
	v3 =	vadd.s32 v4, v3;
	[tilespmem:$0x1000] =	vst v63  }
0x3f: {  	s16 =	simm.s32 $0x20;
	s15 =	sor.u32 $0x800, s15;
	s17 =	sadd.s32 $0x10, s17;
	vm1 =	veq.s32 v0, $0x80000000;
	v2 =	vshrl.u32 v0, $0x1;
	v1 =	vor.u32 v1, v3  }
.LBB2_3:
0x40: {  	s16 =	sadd.s32 $0x10, s16;
	v2 =	vand.u32 $0x1, v2;
	v3 =	vshrl.u32 v0, $0x2;
	v4 =	vshll.u32 v0, $0xF;
	v0 =	vld.msk [tilespmem:s17+$0x0 ss:$0x1], $0xffff  }
0x41: {  	p1 =	slt.u32 s16, $0x3F0;
	v2 =	vsel vm1, $0xFFFFFFFF, v2;
	v3 =	vand.u32 $0x3FFF, v3;
	v4 =	vand.u32 $0x8000, v4  }
.Ltmp3:
0x42: {  	v3 =	vsel vm1, $0xFFFFFFFF, v3;
	v4 =	vsel vm1, $0xFFFF8000, v4;
	v5 =	vand.u32 $0xFFFF8000, v2;
	(pc) =	sbr.rel @p1 .LBB2_3-.Ltmp3, $4  }
0x43: {  	s14 =	sadd.s32 $0x10, s14;
	v6 =	vand.u32 $0x7F, v3;
	v4 =	vadd.s32 v4, v5;
	v3 =	vshll.u32 v3, $0x1;
	(ifvalue) =	ssetifvalue $0x7FFFFFFF  }
0x44: {  	v2 =	vshll.u32 v2, $0x7;
	v3 =	vand.u32 $0xFFFFFF00, v3;
	v4 =	vor.u32 v6, v4;
	[tilespmem:s14], [sflag:$0x1] =	stream.indirect_vreg.gather [hbm4b:s2+s10], $0x1, v1, vm0, $0x4038;
	[tilespmem:$0x1000] =	vst v63  }
0x45: {  	v1 =	vand.u32 $0x80, v2;
	v3 =	vadd.s32 v3, v4  }
0x46: {  	s17 =	sadd.s32 $0x10, s17;
	vm1 =	veq.s32 v0, $0x80000000;
	v2 =	vshrl.u32 v0, $0x1;
	v1 =	vor.u32 v1, v3  }
.Ltmp4:
0x47: {  	_ = 	snop;
	(pc) =	sbr.rel .LBB2_4-.Ltmp4, $1  }
0x48: {  	_ =	sdelay $0x3  }
.LBB2_6:
0x49: {  	_ =	sfence.sel $0x180000  }
0x4a: {  	s2 =	simm.s32 $0x2;
	[bflag:$0x0] =	sbarrier.arrive $0xFFFF  }
0x4b: {  	s30 =	simm.s32 $0x3;
	[sflag:s2] =	ssyncpa.u1 $0x1  }
0x4c: {  	s31 =	simm.s32 $0x1;
	[sflag:s30] =	ssyncpa.u1 $0x1  }
0x4d: {  	[sflag:s31] =	ssyncpa.u1 $0x1  }
0x4e: {  	p0 =	sne.s32 s0, $0x0;
	_ =	strace $0x90000047  }
0x4f: {  	s0 =	sadd.s32 @!p0 $0x100000, s1;
	[bflag:$0x2] =	sbarrier.arrive $0xFFFF  }
0x50: {  	[sflag:s0] =	ssyncadd.tile.s32 @!p0 $0x1;
	_ =	shalt  }
.Lfunc_end2:
_tile_overlayer_lowered:
.L_overlay_start_2:
0x51: {  	(tag) =	ssettag $0x2  }
0x52: {  	s0 =	rddreg [dreg:$0x0];
	s2 =	stileid.u32  }
0x53: {  	s1 =	rddreg [dreg:$0x1];
	p0 =	sne.s32 s2, $0x0  }
0x54: {  	s3 =	rddreg [dreg:$0x2];
	[bflag:$0x3] =	sbarrier.arrive $0xFFFF;
	s2 =	simm.s32 @!p0 $0x1C01  }
0x55: {  	[timem:s3], [sflag:s2] =	dma.local @!p0 [hbm:s0], s1  }
0x56: {  	s0 =	simm.s32 @!p0 $0x1  }
0x57: {  	_ =	swait.ge @!p0 [sflag:s0], s1  }
0x58: {  	s1 =	ssub.s32 @!p0 $0x0, s1;
	[sflag:s0] =	ssyncset.done @!p0 $0x0  }
0x59: {  	[sflag:s0] =	ssyncadd.s32 @!p0 s1  }
0x5a: {  	[bflag:$0x3] =	sbarrier.arrive $0xFFFF  }
0x5b: {  	_ =	shalt  }

// kernel: gather_offload_async_start.3
scs
__scs_entry_jumppad:
0x0: {  	(pc) =	sbr.rel $0x88, $3  }
0x1: {  	(tag) =	ssettag $0x0;
	lr =	simm.s32 $0x1  }
0x2: {  	[smem:$0x3F9F] =	sst lr;
	_ =	strace $0xD0000000  }
0x3: {  	_ = 	snop  }
0x4: {  	_ = 	snop  }
0x5: {  	_ = 	snop  }
0x6: {  	_ = 	snop  }
0x7: {  	_ = 	snop  }
__scs_overlays_trampoline_lowered:
0x8: {  	[smem:$0x3FAE] =	sst s0  }
0x9: {  	[smem:$0x3FAF] =	sst s1  }
0xa: {  	[smem:$0x3FB0] =	sst s2  }
0xb: {  	[smem:$0x3FB1] =	sst s3  }
0xc: {  	[smem:$0x3FB2] =	sst s4  }
0xd: {  	[smem:$0x3FB3] =	sst s5  }
0xe: {  	[smem:$0x3FB4] =	sst s6  }
0xf: {  	[smem:$0x3FB5] =	sst s7  }
0x10: {  	[smem:$0x3FB6] =	sst s8  }
0x11: {  	[smem:$0x3FB7] =	sst s9;
	s0 =	simm.s32 @!p0 $0x0  }
0x12: {  	s1 =	sld [smem:$0x3F9D];
	s0 =	simm.s32 @p0 $0x1  }
0x13: {  	[smem:$0x3FB8] =	sst s0;
	s0 =	simm.s32 @!p1 $0x0  }
0x14: {  	s2 =	sld [smem:$0x3F9C];
	s0 =	simm.s32 @p1 $0x1  }
0x15: {  	[smem:$0x3FB9] =	sst s0;
	s0 =	simm.s32 @!p2 $0x0  }
0x16: {  	s3 =	sld [smem:$0x3FDB];
	s0 =	simm.s32 @p2 $0x1  }
0x17: {  	s4 =	simm.s32 $0x1BF5;
	[smem:$0x3FBB] =	sst s0  }
0x18: {  	s0 =	sld [smem:$0x3F9E];
	_ =	swait.ge [sflag:s4], $0x0  }
0x19: {  	s7 =	sld [smem:$0x3F9F]  }
0x1a: {  	s8 =	sadd.s32 $0xFFFFE003, lr  }
0x1b: {  	s9 =	sadd.s32 $0xFFFFFEF7, lr;
	s5 =	simm.s32 $0xFFFFFFFF;
	p2 =	slt.u32 s8, $0xFFFFF086  }
0x1c: {  	p1 =	slt.u32 s9, $0xF7A;
	s5 =	simm.s32 @!p2 $0x0  }
0x1d: {  	s5 =	simm.s32 @p1 $0x1;
	p0 =	seq.s32 s7, s2  }
0x1e: {  	s7 =	smul.u32 @!p0 $0xF7A, s2;
	p2 =	seq.s32 @!p0 s5, $0x0  }
0x1f: {  	s9 =	smul.u32 $0xF7A, s1;
	s8 =	simm.s32 @!p0 $0x1BF5;
	p2 =	por !p2, p0  }
0x20: {  	[sflag:s8] =	ssyncset.s32 @!p0 $0xFFFFF086;
	s6 =	sadd.s32 @!p0 s3, s7;
	s7 =	simm.s32 @!p0 $0x108  }
0x21: {  	s3 =	sadd.s32 s3, s9;
	s6 =	sadd.s32 @!p0 $0x88, s6;
	s7 =	simm.s32 @p2 $0x1082  }
0x22: {  	[simem:s7], [sflag:s8] =	dma.local @!p0 [hbm:s6], $0xF7A  }
0x23: {  	s9 =	sor.u32 $0xD0000000, s2;
	s6 =	simm.s32 $0x108;
	_ =	swait.ge @!p0 [sflag:s8], $0x0  }
0x24: {  	s3 =	sadd.s32 $0x88, s3;
	s6 =	simm.s32 @!p1 $0x1082;
	[sflag:s4] =	ssyncset.s32 $0xFFFFF086  }
0x25: {  	[simem:s6], [sflag:s4] =	dma.local [hbm:s3], $0xF7A  }
0x26: {  	[smem:$0x3F9F] =	sst s1;
	(tag) =	ssettag s2;
	_ =	strace s9  }
0x27: {  	s1 =	sld [smem:$0x3FAF]  }
0x28: {  	s2 =	sld [smem:$0x3FB0]  }
0x29: {  	s4 =	sld [smem:$0x3FB2]  }
0x2a: {  	p0 =	seq.s32 s5, $0x0;
	s5 =	sld [smem:$0x3FB3]  }
0x2b: {  	s6 =	sld [smem:$0x3FB4]  }
0x2c: {  	s7 =	sld [smem:$0x3FB5]  }
0x2d: {  	s3 =	simm.s32 $0x108;
	s8 =	sld [smem:$0x3FB6]  }
0x2e: {  	s3 =	simm.s32 @!p0 $0x1082;
	s9 =	sld [smem:$0x3FB7]  }
0x2f: {  	lr =	sadd.s32 s0, s3;
	s0 =	sld [smem:$0x3FAE]  }
0x30: {  	s3 =	sld [smem:$0x3FB1]  }
0x31: {  	[smem:$0x3FBA] =	sst s10  }
0x32: {  	s10 =	sld [smem:$0x3FB8];
	_ =	sdelay $0x3  }
0x33: {  	p0 =	seq.s32 s10, $0x1;
	s10 =	sld [smem:$0x3FBA];
	_ =	sdelay $0x3  }
0x34: {  	[smem:$0x3FBA] =	sst s10  }
0x35: {  	s10 =	sld [smem:$0x3FB9];
	_ =	sdelay $0x3  }
0x36: {  	p1 =	seq.s32 s10, $0x1;
	s10 =	sld [smem:$0x3FBA];
	_ =	sdelay $0x3  }
0x37: {  	[smem:$0x3FBA] =	sst s10  }
0x38: {  	s10 =	sld [smem:$0x3FBB]  }
0x39: {  	_ = 	snop;
	(pc) =	sbr.ind lr, $3  }
0x3a: {  	_ = 	snop  }
0x3b: {  	_ = 	snop  }
0x3c: {  	p2 =	seq.s32 s10, $0x1;
	s10 =	sld [smem:$0x3FBA]  }
0x3d: {  	_ =	shalt  }
0x3e: {  	_ =	shalt  }
0x3f: {  	_ =	shalt  }
0x40: {  	_ =	shalt  }
0x41: {  	_ =	shalt  }
0x42: {  	_ =	shalt  }
0x43: {  	_ =	shalt  }
0x44: {  	_ =	shalt  }
0x45: {  	_ =	shalt  }
0x46: {  	_ =	shalt  }
0x47: {  	_ =	shalt  }
0x48: {  	_ =	shalt  }
0x49: {  	_ =	shalt  }
0x4a: {  	_ =	shalt  }
0x4b: {  	_ =	shalt  }
0x4c: {  	_ =	shalt  }
0x4d: {  	_ =	shalt  }
0x4e: {  	_ =	shalt  }
0x4f: {  	_ =	shalt  }
0x50: {  	_ =	shalt  }
0x51: {  	_ =	shalt  }
0x52: {  	_ =	shalt  }
0x53: {  	_ =	shalt  }
0x54: {  	_ =	shalt  }
0x55: {  	_ =	shalt  }
0x56: {  	_ =	shalt  }
0x57: {  	_ =	shalt  }
0x58: {  	_ =	shalt  }
0x59: {  	_ =	shalt  }
0x5a: {  	_ =	shalt  }
0x5b: {  	_ =	shalt  }
0x5c: {  	_ =	shalt  }
0x5d: {  	_ =	shalt  }
0x5e: {  	_ =	shalt  }
0x5f: {  	_ =	shalt  }
0x60: {  	_ =	shalt  }
0x61: {  	_ =	shalt  }
0x62: {  	_ =	shalt  }
0x63: {  	_ =	shalt  }
0x64: {  	_ =	shalt  }
0x65: {  	_ =	shalt  }
0x66: {  	_ =	shalt  }
0x67: {  	_ =	shalt  }
0x68: {  	_ =	shalt  }
0x69: {  	_ =	shalt  }
0x6a: {  	_ =	shalt  }
0x6b: {  	_ =	shalt  }
0x6c: {  	_ =	shalt  }
0x6d: {  	_ =	shalt  }
0x6e: {  	_ =	shalt  }
0x6f: {  	_ =	shalt  }
0x70: {  	_ =	shalt  }
0x71: {  	_ =	shalt  }
0x72: {  	_ =	shalt  }
0x73: {  	_ =	shalt  }
0x74: {  	_ =	shalt  }
0x75: {  	_ =	shalt  }
0x76: {  	_ =	shalt  }
0x77: {  	_ =	shalt  }
0x78: {  	_ =	shalt  }
0x79: {  	_ =	shalt  }
0x7a: {  	_ =	shalt  }
0x7b: {  	_ =	shalt  }
0x7c: {  	_ =	shalt  }
0x7d: {  	_ =	shalt  }
0x7e: {  	_ =	shalt  }
0x7f: {  	_ =	shalt  }
0x80: {  	_ =	shalt  }
0x81: {  	_ =	shalt  }
0x82: {  	_ =	shalt  }
0x83: {  	_ =	shalt  }
0x84: {  	_ =	shalt  }
0x85: {  	_ =	shalt  }
0x86: {  	_ =	shalt  }
0x87: {  	_ =	shalt  }
.Lfunc_end0:
.L_simem_size_0:
called_computation.3_lowered:
.L_overlay_start_0:
0x88: {  	s2 =	sld [smem:$0x3FD9]  }
0x89: {  	s3 =	sld [smem:$0x3FFE];
	_ =	sdelay $0x1  }
0x8a: {  	s1 =	srdreg.scid  }
0x8b: {  	s0 =	sand.u32 $0x1, s1  }
0x8c: {  	s17 =	sshll.u32 s0, $0xA;
	s2 =	sadd.s32 s3, s2  }
0x8d: {  	s2 =	sadd.s32 s2, s17  }
0x8e: {  	[smem:$0x3FC6] =	sst s2  }
0x8f: {  	_ = 	snop  }
0x90: {  	(tm) =	ssettm $0x1  }
0x91: {  	s18 =	sld [smem:$0x3FFB];
	_ =	sdelay $0x3  }
0x92: {  	_ =	strace s18  }
0x93: {  	s2 =	sld [smem:$0x3FFC];
	_ =	sdelay $0x3  }
0x94: {  	_ =	strace s2  }
0x95: {  	s2 =	sld [smem:$0x3FFD];
	_ =	sdelay $0x3  }
0x96: {  	_ =	strace s2  }
0x97: {  	_ =	strace $0x8FFFFFFF  }
0x98: {  	s19 =	sld [smem:$0x3FDB];
	_ =	sdelay $0x1  }
0x99: {  	s20 =	simm.s32 $_scs_section_size  }
0x9a: {  	s4 =	simm.s32 $_size__tile_overlayer_lowered;
	s5 =	simm.s32 $_tile_overlayer_lowered  }
0x9b: {  	s6 =	simm.s32 $0x1BFF;
	s21 =	sshll.u32 s5, $0x1;
	s3 =	sadd.s32 s20, s19  }
0x9c: {  	s22 =	simm.s32 $0x0;
	s4 =	sshll.u32 s4, $0x1;
	s5 =	sadd.s32 s21, s3  }
0x9d: {  	[timem:s22], [sflag:s6] =	dma.local [hbm:s5], s4  }
0x9e: {  	_ =	swait.ge [sflag:s6], s4  }
0x9f: {  	s4 =	ssub.s32 $0x0, s4;
	[sflag:s6] =	ssyncset.done $0x0  }
0xa0: {  	[sflag:s6] =	ssyncadd.s32 s4;
	_ =	sdelay $0x1  }
0xa1: {  	s23 =	simm.s32 $0x1B8B  }
0xa2: {  	_ =	swait.ge [sflag:s23], $0x1  }
0xa3: {  	[sflag:s23] =	ssyncset.done $0x0  }
0xa4: {  	[sflag:s23] =	ssyncadd.s32 $0xFFFFFFFF  }
0xa5: {  	s4 =	sld [smem:$0x0]  }
0xa6: {  	s5 =	sand.u32 $0xFFFFFFFE, s1  }
0xa7: {  	p0 =	sne.s32 s1, s5  }
0xa8: {  	s5 =	sshll.u32 @p0 s5, $0xE  }
0xa9: {  	s5 =	sadd.s32 @p0 $0x11B8D, s5;
	s6 =	sshll.u32 @p0 s4, $0x11  }
0xaa: {  	s5 =	sor.u32 @p0 s6, s5  }
0xab: {  	[sflag:s5] =	ssyncadd.remote.s32 @p0 $0x1;
	_ =	sdelay $0x1  }
0xac: {  	s5 =	simm.s32 @p0 $0x1B8D  }
0xad: {  	_ =	swait.eq @p0 [sflag:s5], $0x1  }
0xae: {  	[sflag:s5] =	ssyncadd.s32 @p0 $0xFFFFFFFF  }
0xaf: {  	s6 =	sshll.u32 @!p0 s1, $0xE  }
0xb0: {  	s6 =	sor.u32 @!p0 $0x4000, s6;
	s5 =	simm.s32 @!p0 $0x1B8D  }
0xb1: {  	s4 =	sshll.u32 @!p0 s4, $0x11;
	s6 =	sadd.s32 @!p0 $0x11B8D, s6;
	_ =	swait.eq @!p0 [sflag:s5], $0x1  }
0xb2: {  	s4 =	sor.u32 @!p0 s4, s6;
	[sflag:s5] =	ssyncadd.s32 @!p0 $0xFFFFFFFF  }
0xb3: {  	s25 =	simm.s32 $0x1B8E;
	s24 =	sld [smem:$0x3FFE];
	[sflag:s4] =	ssyncadd.remote.s32 @!p0 $0x1  }
0xb4: {  	s26 =	simm.s32 $execute0_lowered;
	[smem:$0x3FD2] =	sst s25  }
0xb5: {  	s5 =	sshll.u32 s26, $0x1;
	_ =	strace $0x80000055;
	[dreg:$0x1] =	wrdreg $0xFFFFFFFF  }
0xb6: {  	s28 =	simm.s32 $_size_execute0_lowered;
	s3 =	sadd.s32 s3, s5;
	[dreg:$0x0] =	wrdreg $0x0  }
0xb7: {  	s5 =	sshll.u32 s28, $0x1;
	[dreg:$0x2] =	wrdreg s3  }
0xb8: {  	[dreg:$0x3] =	wrdreg s5  }
0xb9: {  	[dreg:$0x4] =	wrdreg $0xC0  }
0xba: {  	_ =	task [dreg:s22], $0x5FFFF  }
0xbb: {  	[dreg:$0x1] =	wrdreg $0xFFFFFFFF  }
0xbc: {  	[dreg:$0x0] =	wrdreg $0x60  }
0xbd: {  	[dreg:$0x2] =	wrdreg s24  }
0xbe: {  	[dreg:$0x3] =	wrdreg $0x9  }
0xbf: {  	_ =	task.clear_ibuf [dreg:s22], $0x4FFFF;
	_ =	strace $0x90000055  }
0xc0: {  	s29 =	simm.s32 $0x9;
	_ =	strace $0x80000057  }
0xc1: {  	_ =	swait.ge [sflag:s29], $0x1  }
0xc2: {  	[sflag:s29] =	ssyncadd.s32 $0xFFFFFFFF  }
0xc3: {  	_ =	strace $0x90000057  }
0xc4: {  	_ =	sfence  }
0xc5: {  	s30 =	sld [smem:$0x0];
	_ =	sdelay $0x2  }
0xc6: {  	s31 =	sshll.u32 s1, $0xD;
	s1 =	sshrl.u32 s1, $0x2  }
0xc7: {  	s4 =	sand.u32 $0x4000, s31;
	s1 =	sadd.s32 s1, s30  }
0xc8: {  	s0 =	sor.u32 s4, s0;
	s1 =	sshll.u32 s1, $0x11  }
0xc9: {  	s0 =	sor.u32 s1, s0  }
0xca: {  	s0 =	sadd.s32 $0x8F2B, s0  }
0xcb: {  	[sflag:s0] =	ssyncadd.remote.s32 $0x1  }
0xcc: {  	_ =	sfence.sel $0xFFFF  }
0xcd: {  	[dreg:$0x0] =	wrdreg $0xFFFFFFFF;
	(pc) =	sbr.abs _section_cstart, $3  }
0xce: {  	[dreg:$0x1] =	wrdreg $0xFFFFFFFF  }
0xcf: {  	_ =	task.clear_ibuf [dreg:s22], $0x2FFFF;
	_ =	strace $0x9FFFFFFF  }
0xd0: {  	(tm) =	ssettm $0x7FFFFFFF  }
0xd1: {  	_ =	shalt  }
tec
execute0_lowered:
.L_overlay_start_1:
0x0: {  	(tag) =	ssettag $0x1  }
0x1: {  	s0 =	srdreg.scid;
	s5 =	rddreg [dreg:$0x0]  }
0x2: {  	s1 =	stileid.u32;
	s6 =	simm.s32 $0x1;
	s9 =	simm.s32 $0x1  }
0x3: {  	s10 =	simm.s32 $0x3;
	s13 =	simm.s32 $0x0;
	s2 =	sshll.u32 s0, $0xA  }
0x4: {  	s12 =	simm.s32 $0x0;
	s3 =	sshll.u32 s1, $0xB;
	s2 =	sand.u32 $0x400, s2  }
0x5: {  	s0 =	rddreg [dreg:$0x1];
	_ =	strace $0x80000056;
	s2 =	sor.u32 s3, s2  }
0x6: {  	s4 =	sadd.s32 $0x12000, s5;
	[sflag:s6] =	ssyncpa.u1 $0x0;
	s8 =	ssub.s32 $0x10000, s2  }
.Ltmp0:
0x7: {  	s3 =	sadd.s32 $0xA000, s5;
	s7 =	sand.u32 $0x7C00, s8;
	(pc) =	sbr.rel .LBB2_1-.Ltmp0, $4  }
0x8: {  	s5 =	sadd.s32 $0x18000, s5;
	s11 =	smov.u32 s2;
	p0 =	sne.s32 s7, $0x0  }
0x9: {  	s8 =	sshrl.u32 s8, $0xF;
	s7 =	simm.s32 $0x2;
	s9 =	simm.s32 @!p0 $0x0  }
0xa: {  	[sflag:s7] =	ssyncpa.u1 $0x0;
	p0 =	por $0x0, $0x0;
	s8 =	sadd.s32 s9, s8  }
0xb: {  	vm0 =	vmmov $0xffff;
	[sflag:s10] =	ssyncpa.u1 $0x0;
	s10 =	simm.s32 $0x0;
	s9 =	sadd.s32 $0x1, s8  }
.LBB2_4:
0xc: {  	v2 =	vand.u32 $0x1, v2;
	v3 =	vshrl.u32 v0, $0x2;
	v63 =	vshll.u32 v0, $0xF  }
0xd: {  	v2 =	vsel vm1, $0xFFFFFFFF, v2;
	v3 =	vand.u32 $0x3FFF, v3;
	v0 =	vand.u32 $0x8000, v63  }
0xe: {  	v3 =	vsel vm1, $0xFFFFFFFF, v3;
	v0 =	vsel vm1, $0xFFFF8000, v0;
	v4 =	vand.u32 $0xFFFF8000, v2  }
0xf: {  	v5 =	vand.u32 $0x7F, v3;
	v0 =	vadd.s32 v0, v4;
	v3 =	vshll.u32 v3, $0x1  }
0x10: {  	v2 =	vshll.u32 v2, $0x7;
	v3 =	vand.u32 $0xFFFFFF00, v3;
	v0 =	vor.u32 v5, v0  }
0x11: {  	v2 =	vand.u32 $0x80, v2;
	v0 =	vadd.s32 v3, v0  }
0x12: {  	v0 =	vor.u32 v2, v0;
	_ =	sdelay $0x1  }
0x13: {  	(ifvalue) =	ssetifvalue $0x7FFFFFFF;
	s14 =	sadd.s32 $0x10, s14  }
0x14: {  	[tilespmem:s14], [sflag:$0x1] =	stream.indirect_vreg.gather [hbm4b:s3+s10], $0x1, v1, vm0, $0x4038;
	[tilespmem:$0x1000] =	vst v63  }
0x15: {  	(ifvalue) =	ssetifvalue $0x7FFFFFFF;
	s14 =	sadd.s32 $0x10, s14  }
0x16: {  	[tilespmem:s14], [sflag:$0x1] =	stream.indirect_vreg.gather [hbm4b:s3+s10], $0x1, v0, vm0, $0x4038;
	[tilespmem:$0x1000] =	vst v63  }
0x17: {  	_ =	swait.ge [sflag:s6], $0x400  }
0x18: {  	s30 =	sshrl.u32 s13, $0x3;
	[sflag:s6] =	ssyncset.done $0x0  }
0x19: {  	s31 =	sand.u32 $0x7, s13;
	s14 =	sadd.s32 s5, s30;
	[sflag:s6] =	ssyncadd.s32 $0xFFFFFC00  }
0x1a: {  	[hbm4b:s14+s31] =	stream.linear.scatter [tilespmem:s15], [sflag:$0x3], $0x400, $0x38;
	[tilespmem:$0x1000] =	vst v63  }
.LBB2_5:
0x1b: {  	s15 =	sadd.s32 $0x8000, s11  }
0x1c: {  	p2 =	sgt.s32 s15, $0xFFFF  }
0x1d: {  	s15 =	smov.u32 @p2 s2;
	p2 =	sne.s32 s12, s9  }
.Ltmp1:
0x1e: {  	p1 =	slt.u32 s12, $0x2;
	(pc) =	sbr.rel @!p2 .LBB2_6-.Ltmp1, $4  }
0x1f: {  	s14 =	simm.s32 @!p1 $0x3  }
0x20: {  	s16 =	sadd.s32 $0x1, s12;
	_ =	swait.ge @!p1 [sflag:s14], $0x400  }
0x21: {  	s13 =	smov.u32 s11;
	p0 =	por !p0, !p0;
	[sflag:s14] =	ssyncset.done @!p1 $0x0  }
0x22: {  	s12 =	smov.u32 s16;
	s11 =	smov.u32 s15;
	[sflag:s14] =	ssyncadd.s32 @!p1 $0xFFFFFC00  }
.LBB2_1:
0x23: {  	p1 =	sge.u32 s12, s8  }
0x24: {  	s14 =	sxor.u32 @!p1 $0xFFFFFFFF, s12  }
0x25: {  	s31 =	sadd.s32 $0xFFFFFFFF, s12;
	s15 =	sshrl.u32 @!p1 s11, $0x3;
	s14 =	sshll.u32 @!p1 s14, $0xA  }
0x26: {  	s16 =	sand.u32 @!p1 $0x7, s11;
	s15 =	sadd.s32 @!p1 s4, s15;
	s14 =	sand.u32 @!p1 $0x400, s14  }
0x27: {  	[tilespmem:s14], [sflag:$0x2] =	stream.linear.gather @!p1 [hbm4b:s15+s16], $0x400, $0x38;
	[tilespmem:$0x1000] =	vst v63  }
0x28: {  	p1 =	sge.u32 s31, s8  }
.Ltmp2:
0x29: {  	_ = 	snop;
	(pc) =	sbr.rel @p1 .LBB2_5-.Ltmp2, $1  }
0x2a: {  	_ =	sdelay $0x3  }
0x2b: {  	s14 =	simm.s32 $0x1  }
0x2c: {  	_ =	swait.ge [sflag:s7], $0x400;
	s14 =	simm.s32 @!p0 $0x0  }
0x2d: {  	[sflag:s7] =	ssyncset.done $0x0;
	s14 =	sshll.u32 s14, $0xA  }
0x2e: {  	[sflag:s7] =	ssyncadd.s32 $0xFFFFFC00;
	(ifvalue) =	ssetifvalue $0x7FFFFFFF;
	v0 =	vld.msk [tilespmem:s14+$0x0 ss:$0x1], $0xffff;
	_ =	sdelay $0x1  }
0x2f: {  	s15 =	sadd.s32 $0x10, s14  }
0x30: {  	v3 =	vld.msk [tilespmem:s15+$0x0 ss:$0x1], $0xffff;
	_ =	sdelay $0x1  }
0x31: {  	vm1 =	veq.s32 v0, $0x80000000  }
0x32: {  	v1 =	vshrl.u32 v0, $0x1;
	v2 =	vshrl.u32 v0, $0x2;
	v0 =	vshll.u32 v0, $0xF  }
0x33: {  	v1 =	vand.u32 $0x1, v1;
	v2 =	vand.u32 $0x3FFF, v2;
	v0 =	vand.u32 $0x8000, v0  }
0x34: {  	v62 =	vshrl.u32 v3, $0x2;
	v1 =	vsel vm1, $0xFFFFFFFF, v1;
	v2 =	vsel vm1, $0xFFFFFFFF, v2  }
0x35: {  	v0 =	vsel vm1, $0xFFFF8000, v0;
	vm1 =	veq.s32 v3, $0x80000000;
	v4 =	vand.u32 $0xFFFF8000, v1  }
0x36: {  	v5 =	vand.u32 $0x7F, v2;
	v2 =	vshll.u32 v2, $0x1;
	v0 =	vadd.s32 v0, v4  }
0x37: {  	v1 =	vshll.u32 v1, $0x7;
	v2 =	vand.u32 $0xFFFFFF00, v2;
	v0 =	vor.u32 v5, v0  }
0x38: {  	v1 =	vand.u32 $0x80, v1;
	v0 =	vadd.s32 v2, v0;
	v2 =	vshrl.u32 v3, $0x1  }
0x39: {  	s17 =	sadd.s32 $0x10, s15;
	v3 =	vshll.u32 v3, $0xF;
	v1 =	vor.u32 v1, v0;
	v2 =	vand.u32 $0x1, v2  }
0x3a: {  	v4 =	vand.u32 $0x3FFF, v62;
	v0 =	vld.msk [tilespmem:s17+$0x0 ss:$0x1], $0xffff;
	v3 =	vand.u32 $0x8000, v3;
	v2 =	vsel vm1, $0xFFFFFFFF, v2  }
0x3b: {  	v4 =	vsel vm1, $0xFFFFFFFF, v4;
	v3 =	vsel vm1, $0xFFFF8000, v3;
	v63 =	vand.u32 $0xFFFF8000, v2  }
0x3c: {  	s31 =	sshll.u32 s12, $0xA;
	v6 =	vand.u32 $0x7F, v4;
	v4 =	vshll.u32 v4, $0x1;
	v3 =	vadd.s32 v3, v63  }
0x3d: {  	s14 =	sor.u32 $0x800, s14;
	s15 =	sand.u32 $0x400, s31;
	(ifvalue) =	ssetifvalue $0x7FFFFFFF;
	v4 =	vand.u32 $0xFFFFFF00, v4;
	v2 =	vshll.u32 v2, $0x7;
	v3 =	vor.u32 v6, v3  }
0x3e: {  	[tilespmem:s14], [sflag:$0x1] =	stream.indirect_vreg.gather [hbm4b:s3+s10], $0x1, v1, vm0, $0x4038;
	v1 =	vand.u32 $0x80, v2;
	v3 =	vadd.s32 v4, v3;
	[tilespmem:$0x1000] =	vst v63  }
0x3f: {  	s16 =	simm.s32 $0x20;
	s15 =	sor.u32 $0x800, s15;
	s17 =	sadd.s32 $0x10, s17;
	vm1 =	veq.s32 v0, $0x80000000;
	v2 =	vshrl.u32 v0, $0x1;
	v1 =	vor.u32 v1, v3  }
.LBB2_3:
0x40: {  	s16 =	sadd.s32 $0x10, s16;
	v2 =	vand.u32 $0x1, v2;
	v3 =	vshrl.u32 v0, $0x2;
	v4 =	vshll.u32 v0, $0xF;
	v0 =	vld.msk [tilespmem:s17+$0x0 ss:$0x1], $0xffff  }
0x41: {  	p1 =	slt.u32 s16, $0x3F0;
	v2 =	vsel vm1, $0xFFFFFFFF, v2;
	v3 =	vand.u32 $0x3FFF, v3;
	v4 =	vand.u32 $0x8000, v4  }
.Ltmp3:
0x42: {  	v3 =	vsel vm1, $0xFFFFFFFF, v3;
	v4 =	vsel vm1, $0xFFFF8000, v4;
	v5 =	vand.u32 $0xFFFF8000, v2;
	(pc) =	sbr.rel @p1 .LBB2_3-.Ltmp3, $4  }
0x43: {  	s14 =	sadd.s32 $0x10, s14;
	v6 =	vand.u32 $0x7F, v3;
	v4 =	vadd.s32 v4, v5;
	v3 =	vshll.u32 v3, $0x1;
	(ifvalue) =	ssetifvalue $0x7FFFFFFF  }
0x44: {  	v2 =	vshll.u32 v2, $0x7;
	v3 =	vand.u32 $0xFFFFFF00, v3;
	v4 =	vor.u32 v6, v4;
	[tilespmem:s14], [sflag:$0x1] =	stream.indirect_vreg.gather [hbm4b:s3+s10], $0x1, v1, vm0, $0x4038;
	[tilespmem:$0x1000] =	vst v63  }
0x45: {  	v1 =	vand.u32 $0x80, v2;
	v3 =	vadd.s32 v3, v4  }
0x46: {  	s17 =	sadd.s32 $0x10, s17;
	vm1 =	veq.s32 v0, $0x80000000;
	v2 =	vshrl.u32 v0, $0x1;
	v1 =	vor.u32 v1, v3  }
.Ltmp4:
0x47: {  	_ = 	snop;
	(pc) =	sbr.rel .LBB2_4-.Ltmp4, $1  }
0x48: {  	_ =	sdelay $0x3  }
.LBB2_6:
0x49: {  	_ =	sfence.sel $0x180000  }
0x4a: {  	s2 =	simm.s32 $0x2;
	[bflag:$0x0] =	sbarrier.arrive $0xFFFF  }
0x4b: {  	s30 =	simm.s32 $0x3;
	[sflag:s2] =	ssyncpa.u1 $0x1  }
0x4c: {  	s31 =	simm.s32 $0x1;
	[sflag:s30] =	ssyncpa.u1 $0x1  }
0x4d: {  	[sflag:s31] =	ssyncpa.u1 $0x1  }
0x4e: {  	p0 =	sne.s32 s1, $0x0;
	_ =	strace $0x90000056  }
0x4f: {  	s0 =	sadd.s32 @!p0 $0x100000, s0;
	[bflag:$0x2] =	sbarrier.arrive $0xFFFF  }
0x50: {  	[sflag:s0] =	ssyncadd.tile.s32 @!p0 $0x1;
	_ =	shalt  }
.Lfunc_end2:
_tile_overlayer_lowered:
.L_overlay_start_2:
0x51: {  	(tag) =	ssettag $0x2  }
0x52: {  	s0 =	rddreg [dreg:$0x0];
	s2 =	stileid.u32  }
0x53: {  	s1 =	rddreg [dreg:$0x1];
	p0 =	sne.s32 s2, $0x0  }
0x54: {  	s3 =	rddreg [dreg:$0x2];
	[bflag:$0x3] =	sbarrier.arrive $0xFFFF;
	s2 =	simm.s32 @!p0 $0x1C01  }
0x55: {  	[timem:s3], [sflag:s2] =	dma.local @!p0 [hbm:s0], s1  }
0x56: {  	s0 =	simm.s32 @!p0 $0x1  }
0x57: {  	_ =	swait.ge @!p0 [sflag:s0], s1  }
0x58: {  	s1 =	ssub.s32 @!p0 $0x0, s1;
	[sflag:s0] =	ssyncset.done @!p0 $0x0  }
0x59: {  	[sflag:s0] =	ssyncadd.s32 @!p0 s1  }
0x5a: {  	[bflag:$0x3] =	sbarrier.arrive $0xFFFF  }
0x5b: {  	_ =	shalt  }

// kernel: gather_offload_async_start.4
scs
__scs_entry_jumppad:
0x0: {  	(pc) =	sbr.rel $0x88, $3  }
0x1: {  	(tag) =	ssettag $0x0;
	lr =	simm.s32 $0x1  }
0x2: {  	[smem:$0x3F9F] =	sst lr;
	_ =	strace $0xD0000000  }
0x3: {  	_ = 	snop  }
0x4: {  	_ = 	snop  }
0x5: {  	_ = 	snop  }
0x6: {  	_ = 	snop  }
0x7: {  	_ = 	snop  }
__scs_overlays_trampoline_lowered:
0x8: {  	[smem:$0x3FAE] =	sst s0  }
0x9: {  	[smem:$0x3FAF] =	sst s1  }
0xa: {  	[smem:$0x3FB0] =	sst s2  }
0xb: {  	[smem:$0x3FB1] =	sst s3  }
0xc: {  	[smem:$0x3FB2] =	sst s4  }
0xd: {  	[smem:$0x3FB3] =	sst s5  }
0xe: {  	[smem:$0x3FB4] =	sst s6  }
0xf: {  	[smem:$0x3FB5] =	sst s7  }
0x10: {  	[smem:$0x3FB6] =	sst s8  }
0x11: {  	[smem:$0x3FB7] =	sst s9;
	s0 =	simm.s32 @!p0 $0x0  }
0x12: {  	s1 =	sld [smem:$0x3F9D];
	s0 =	simm.s32 @p0 $0x1  }
0x13: {  	[smem:$0x3FB8] =	sst s0;
	s0 =	simm.s32 @!p1 $0x0  }
0x14: {  	s2 =	sld [smem:$0x3F9C];
	s0 =	simm.s32 @p1 $0x1  }
0x15: {  	[smem:$0x3FB9] =	sst s0;
	s0 =	simm.s32 @!p2 $0x0  }
0x16: {  	s3 =	sld [smem:$0x3FDB];
	s0 =	simm.s32 @p2 $0x1  }
0x17: {  	s4 =	simm.s32 $0x1BF5;
	[smem:$0x3FBB] =	sst s0  }
0x18: {  	s0 =	sld [smem:$0x3F9E];
	_ =	swait.ge [sflag:s4], $0x0  }
0x19: {  	s7 =	sld [smem:$0x3F9F]  }
0x1a: {  	s8 =	sadd.s32 $0xFFFFE003, lr  }
0x1b: {  	s9 =	sadd.s32 $0xFFFFFEF7, lr;
	s5 =	simm.s32 $0xFFFFFFFF;
	p2 =	slt.u32 s8, $0xFFFFF086  }
0x1c: {  	p1 =	slt.u32 s9, $0xF7A;
	s5 =	simm.s32 @!p2 $0x0  }
0x1d: {  	s5 =	simm.s32 @p1 $0x1;
	p0 =	seq.s32 s7, s2  }
0x1e: {  	s7 =	smul.u32 @!p0 $0xF7A, s2;
	p2 =	seq.s32 @!p0 s5, $0x0  }
0x1f: {  	s9 =	smul.u32 $0xF7A, s1;
	s8 =	simm.s32 @!p0 $0x1BF5;
	p2 =	por !p2, p0  }
0x20: {  	[sflag:s8] =	ssyncset.s32 @!p0 $0xFFFFF086;
	s6 =	sadd.s32 @!p0 s3, s7;
	s7 =	simm.s32 @!p0 $0x108  }
0x21: {  	s3 =	sadd.s32 s3, s9;
	s6 =	sadd.s32 @!p0 $0x88, s6;
	s7 =	simm.s32 @p2 $0x1082  }
0x22: {  	[simem:s7], [sflag:s8] =	dma.local @!p0 [hbm:s6], $0xF7A  }
0x23: {  	s9 =	sor.u32 $0xD0000000, s2;
	s6 =	simm.s32 $0x108;
	_ =	swait.ge @!p0 [sflag:s8], $0x0  }
0x24: {  	s3 =	sadd.s32 $0x88, s3;
	s6 =	simm.s32 @!p1 $0x1082;
	[sflag:s4] =	ssyncset.s32 $0xFFFFF086  }
0x25: {  	[simem:s6], [sflag:s4] =	dma.local [hbm:s3], $0xF7A  }
0x26: {  	[smem:$0x3F9F] =	sst s1;
	(tag) =	ssettag s2;
	_ =	strace s9  }
0x27: {  	s1 =	sld [smem:$0x3FAF]  }
0x28: {  	s2 =	sld [smem:$0x3FB0]  }
0x29: {  	s4 =	sld [smem:$0x3FB2]  }
0x2a: {  	p0 =	seq.s32 s5, $0x0;
	s5 =	sld [smem:$0x3FB3]  }
0x2b: {  	s6 =	sld [smem:$0x3FB4]  }
0x2c: {  	s7 =	sld [smem:$0x3FB5]  }
0x2d: {  	s3 =	simm.s32 $0x108;
	s8 =	sld [smem:$0x3FB6]  }
0x2e: {  	s3 =	simm.s32 @!p0 $0x1082;
	s9 =	sld [smem:$0x3FB7]  }
0x2f: {  	lr =	sadd.s32 s0, s3;
	s0 =	sld [smem:$0x3FAE]  }
0x30: {  	s3 =	sld [smem:$0x3FB1]  }
0x31: {  	[smem:$0x3FBA] =	sst s10  }
0x32: {  	s10 =	sld [smem:$0x3FB8];
	_ =	sdelay $0x3  }
0x33: {  	p0 =	seq.s32 s10, $0x1;
	s10 =	sld [smem:$0x3FBA];
	_ =	sdelay $0x3  }
0x34: {  	[smem:$0x3FBA] =	sst s10  }
0x35: {  	s10 =	sld [smem:$0x3FB9];
	_ =	sdelay $0x3  }
0x36: {  	p1 =	seq.s32 s10, $0x1;
	s10 =	sld [smem:$0x3FBA];
	_ =	sdelay $0x3  }
0x37: {  	[smem:$0x3FBA] =	sst s10  }
0x38: {  	s10 =	sld [smem:$0x3FBB]  }
0x39: {  	_ = 	snop;
	(pc) =	sbr.ind lr, $3  }
0x3a: {  	_ = 	snop  }
0x3b: {  	_ = 	snop  }
0x3c: {  	p2 =	seq.s32 s10, $0x1;
	s10 =	sld [smem:$0x3FBA]  }
0x3d: {  	_ =	shalt  }
0x3e: {  	_ =	shalt  }
0x3f: {  	_ =	shalt  }
0x40: {  	_ =	shalt  }
0x41: {  	_ =	shalt  }
0x42: {  	_ =	shalt  }
0x43: {  	_ =	shalt  }
0x44: {  	_ =	shalt  }
0x45: {  	_ =	shalt  }
0x46: {  	_ =	shalt  }
0x47: {  	_ =	shalt  }
0x48: {  	_ =	shalt  }
0x49: {  	_ =	shalt  }
0x4a: {  	_ =	shalt  }
0x4b: {  	_ =	shalt  }
0x4c: {  	_ =	shalt  }
0x4d: {  	_ =	shalt  }
0x4e: {  	_ =	shalt  }
0x4f: {  	_ =	shalt  }
0x50: {  	_ =	shalt  }
0x51: {  	_ =	shalt  }
0x52: {  	_ =	shalt  }
0x53: {  	_ =	shalt  }
0x54: {  	_ =	shalt  }
0x55: {  	_ =	shalt  }
0x56: {  	_ =	shalt  }
0x57: {  	_ =	shalt  }
0x58: {  	_ =	shalt  }
0x59: {  	_ =	shalt  }
0x5a: {  	_ =	shalt  }
0x5b: {  	_ =	shalt  }
0x5c: {  	_ =	shalt  }
0x5d: {  	_ =	shalt  }
0x5e: {  	_ =	shalt  }
0x5f: {  	_ =	shalt  }
0x60: {  	_ =	shalt  }
0x61: {  	_ =	shalt  }
0x62: {  	_ =	shalt  }
0x63: {  	_ =	shalt  }
0x64: {  	_ =	shalt  }
0x65: {  	_ =	shalt  }
0x66: {  	_ =	shalt  }
0x67: {  	_ =	shalt  }
0x68: {  	_ =	shalt  }
0x69: {  	_ =	shalt  }
0x6a: {  	_ =	shalt  }
0x6b: {  	_ =	shalt  }
0x6c: {  	_ =	shalt  }
0x6d: {  	_ =	shalt  }
0x6e: {  	_ =	shalt  }
0x6f: {  	_ =	shalt  }
0x70: {  	_ =	shalt  }
0x71: {  	_ =	shalt  }
0x72: {  	_ =	shalt  }
0x73: {  	_ =	shalt  }
0x74: {  	_ =	shalt  }
0x75: {  	_ =	shalt  }
0x76: {  	_ =	shalt  }
0x77: {  	_ =	shalt  }
0x78: {  	_ =	shalt  }
0x79: {  	_ =	shalt  }
0x7a: {  	_ =	shalt  }
0x7b: {  	_ =	shalt  }
0x7c: {  	_ =	shalt  }
0x7d: {  	_ =	shalt  }
0x7e: {  	_ =	shalt  }
0x7f: {  	_ =	shalt  }
0x80: {  	_ =	shalt  }
0x81: {  	_ =	shalt  }
0x82: {  	_ =	shalt  }
0x83: {  	_ =	shalt  }
0x84: {  	_ =	shalt  }
0x85: {  	_ =	shalt  }
0x86: {  	_ =	shalt  }
0x87: {  	_ =	shalt  }
.Lfunc_end0:
.L_simem_size_0:
called_computation.4_lowered:
.L_overlay_start_0:
0x88: {  	s2 =	sld [smem:$0x3FD9]  }
0x89: {  	s3 =	sld [smem:$0x3FFE];
	_ =	sdelay $0x1  }
0x8a: {  	s1 =	srdreg.scid  }
0x8b: {  	s0 =	sand.u32 $0x1, s1  }
0x8c: {  	s16 =	sshll.u32 s0, $0xA;
	s2 =	sadd.s32 s3, s2  }
0x8d: {  	s2 =	sadd.s32 s2, s16  }
0x8e: {  	[smem:$0x3FC6] =	sst s2  }
0x8f: {  	_ = 	snop  }
0x90: {  	(tm) =	ssettm $0x1  }
0x91: {  	s17 =	sld [smem:$0x3FFB];
	_ =	sdelay $0x3  }
0x92: {  	_ =	strace s17  }
0x93: {  	s2 =	sld [smem:$0x3FFC];
	_ =	sdelay $0x3  }
0x94: {  	_ =	strace s2  }
0x95: {  	s2 =	sld [smem:$0x3FFD];
	_ =	sdelay $0x3  }
0x96: {  	_ =	strace s2  }
0x97: {  	_ =	strace $0x8FFFFFFF  }
0x98: {  	s18 =	sld [smem:$0x3FDB];
	_ =	sdelay $0x1  }
0x99: {  	s19 =	simm.s32 $_scs_section_size  }
0x9a: {  	s4 =	simm.s32 $_size__tile_overlayer_lowered;
	s5 =	simm.s32 $_tile_overlayer_lowered  }
0x9b: {  	s22 =	simm.s32 $0x1BFF;
	s21 =	sshll.u32 s5, $0x1;
	s2 =	sadd.s32 s19, s18  }
0x9c: {  	s6 =	simm.s32 $0x0;
	s20 =	sshll.u32 s4, $0x1;
	s4 =	sadd.s32 s21, s2  }
0x9d: {  	[timem:s6], [sflag:s22] =	dma.local [hbm:s4], s20  }
0x9e: {  	_ =	swait.ge [sflag:s22], s20  }
0x9f: {  	s3 =	ssub.s32 $0x0, s20;
	[sflag:s22] =	ssyncset.done $0x0  }
0xa0: {  	[sflag:s22] =	ssyncadd.s32 s3;
	_ =	sdelay $0x1  }
0xa1: {  	s23 =	simm.s32 $0x1B8B  }
0xa2: {  	_ =	swait.ge [sflag:s23], $0x1  }
0xa3: {  	[sflag:s23] =	ssyncset.done $0x0  }
0xa4: {  	s25 =	simm.s32 $0x1B8E;
	s24 =	sld [smem:$0x3FFE];
	[sflag:s23] =	ssyncadd.s32 $0xFFFFFFFF  }
0xa5: {  	s26 =	simm.s32 $execute0_lowered;
	[smem:$0x3FD2] =	sst s25  }
0xa6: {  	s4 =	sshll.u32 s26, $0x1;
	_ =	strace $0x80000052;
	[dreg:$0x1] =	wrdreg $0xFFFFFFFF  }
0xa7: {  	s28 =	simm.s32 $_size_execute0_lowered;
	s2 =	sadd.s32 s2, s4;
	[dreg:$0x0] =	wrdreg $0x0  }
0xa8: {  	s4 =	sshll.u32 s28, $0x1;
	[dreg:$0x2] =	wrdreg s2  }
0xa9: {  	[dreg:$0x3] =	wrdreg s4  }
0xaa: {  	[dreg:$0x4] =	wrdreg $0xC0  }
0xab: {  	_ =	task [dreg:s6], $0x5FFFF  }
0xac: {  	[dreg:$0x1] =	wrdreg $0xFFFFFFFF  }
0xad: {  	[dreg:$0x0] =	wrdreg $0x60  }
0xae: {  	[dreg:$0x2] =	wrdreg s24  }
0xaf: {  	[dreg:$0x3] =	wrdreg $0xA  }
0xb0: {  	_ =	task.clear_ibuf [dreg:s6], $0x4FFFF;
	_ =	strace $0x90000052  }
0xb1: {  	s29 =	simm.s32 $0xA;
	_ =	strace $0x80000054  }
0xb2: {  	_ =	swait.ge [sflag:s29], $0x1  }
0xb3: {  	[sflag:s29] =	ssyncadd.s32 $0xFFFFFFFF  }
0xb4: {  	_ =	strace $0x90000054  }
0xb5: {  	_ =	sfence  }
0xb6: {  	s30 =	sld [smem:$0x0];
	_ =	sdelay $0x2  }
0xb7: {  	s31 =	sshll.u32 s1, $0xD;
	s1 =	sshrl.u32 s1, $0x2  }
0xb8: {  	s3 =	sand.u32 $0x4000, s31;
	s1 =	sadd.s32 s1, s30  }
0xb9: {  	s0 =	sor.u32 s3, s0;
	s1 =	sshll.u32 s1, $0x11  }
0xba: {  	s0 =	sor.u32 s1, s0  }
0xbb: {  	s0 =	sadd.s32 $0x8F2B, s0  }
0xbc: {  	[sflag:s0] =	ssyncadd.remote.s32 $0x1  }
0xbd: {  	_ =	sfence.sel $0xFFFF  }
0xbe: {  	[dreg:$0x0] =	wrdreg $0xFFFFFFFF;
	(pc) =	sbr.abs _section_cstart, $3  }
0xbf: {  	[dreg:$0x1] =	wrdreg $0xFFFFFFFF  }
0xc0: {  	_ =	task.clear_ibuf [dreg:s6], $0x2FFFF;
	_ =	strace $0x9FFFFFFF  }
0xc1: {  	(tm) =	ssettm $0x7FFFFFFF  }
tec
execute0_lowered:
.L_overlay_start_1:
0x0: {  	(tag) =	ssettag $0x1  }
0x1: {  	s0 =	srdreg.scid;
	s5 =	rddreg [dreg:$0x0]  }
0x2: {  	s1 =	stileid.u32;
	s6 =	simm.s32 $0x1;
	s9 =	simm.s32 $0x1  }
0x3: {  	s10 =	simm.s32 $0x3;
	s13 =	simm.s32 $0x0;
	s2 =	sshll.u32 s0, $0xA  }
0x4: {  	s12 =	simm.s32 $0x0;
	s3 =	sshll.u32 s1, $0xB;
	s2 =	sand.u32 $0x400, s2  }
0x5: {  	s0 =	rddreg [dreg:$0x1];
	_ =	strace $0x80000053;
	s2 =	sor.u32 s3, s2  }
0x6: {  	s4 =	sadd.s32 $0x12000, s5;
	[sflag:s6] =	ssyncpa.u1 $0x0;
	s8 =	ssub.s32 $0x10000, s2  }
.Ltmp0:
0x7: {  	s3 =	sadd.s32 $0x8000, s5;
	s7 =	sand.u32 $0x7C00, s8;
	(pc) =	sbr.rel .LBB2_1-.Ltmp0, $4  }
0x8: {  	s5 =	sadd.s32 $0x14000, s5;
	s11 =	smov.u32 s2;
	p0 =	sne.s32 s7, $0x0  }
0x9: {  	s8 =	sshrl.u32 s8, $0xF;
	s7 =	simm.s32 $0x2;
	s9 =	simm.s32 @!p0 $0x0  }
0xa: {  	[sflag:s7] =	ssyncpa.u1 $0x0;
	p0 =	por $0x0, $0x0;
	s8 =	sadd.s32 s9, s8  }
0xb: {  	vm0 =	vmmov $0xffff;
	[sflag:s10] =	ssyncpa.u1 $0x0;
	s10 =	simm.s32 $0x0;
	s9 =	sadd.s32 $0x1, s8  }
.LBB2_4:
0xc: {  	v2 =	vand.u32 $0x1, v2;
	v3 =	vshrl.u32 v0, $0x2;
	v63 =	vshll.u32 v0, $0xF  }
0xd: {  	v2 =	vsel vm1, $0xFFFFFFFF, v2;
	v3 =	vand.u32 $0x3FFF, v3;
	v0 =	vand.u32 $0x8000, v63  }
0xe: {  	v3 =	vsel vm1, $0xFFFFFFFF, v3;
	v0 =	vsel vm1, $0xFFFF8000, v0;
	v4 =	vand.u32 $0xFFFF8000, v2  }
0xf: {  	v5 =	vand.u32 $0x7F, v3;
	v0 =	vadd.s32 v0, v4;
	v3 =	vshll.u32 v3, $0x1  }
0x10: {  	v2 =	vshll.u32 v2, $0x7;
	v3 =	vand.u32 $0xFFFFFF00, v3;
	v0 =	vor.u32 v5, v0  }
0x11: {  	v2 =	vand.u32 $0x80, v2;
	v0 =	vadd.s32 v3, v0  }
0x12: {  	v0 =	vor.u32 v2, v0;
	_ =	sdelay $0x1  }
0x13: {  	(ifvalue) =	ssetifvalue $0x7FFFFFFF;
	s14 =	sadd.s32 $0x10, s14  }
0x14: {  	[tilespmem:s14], [sflag:$0x1] =	stream.indirect_vreg.gather [hbm4b:s3+s10], $0x1, v1, vm0, $0x4038;
	[tilespmem:$0x1000] =	vst v63  }
0x15: {  	(ifvalue) =	ssetifvalue $0x7FFFFFFF;
	s14 =	sadd.s32 $0x10, s14  }
0x16: {  	[tilespmem:s14], [sflag:$0x1] =	stream.indirect_vreg.gather [hbm4b:s3+s10], $0x1, v0, vm0, $0x4038;
	[tilespmem:$0x1000] =	vst v63  }
0x17: {  	_ =	swait.ge [sflag:s6], $0x400  }
0x18: {  	s30 =	sshrl.u32 s13, $0x3;
	[sflag:s6] =	ssyncset.done $0x0  }
0x19: {  	s31 =	sand.u32 $0x7, s13;
	s14 =	sadd.s32 s5, s30;
	[sflag:s6] =	ssyncadd.s32 $0xFFFFFC00  }
0x1a: {  	[hbm4b:s14+s31] =	stream.linear.scatter [tilespmem:s15], [sflag:$0x3], $0x400, $0x38;
	[tilespmem:$0x1000] =	vst v63  }
.LBB2_5:
0x1b: {  	s15 =	sadd.s32 $0x8000, s11  }
0x1c: {  	p2 =	sgt.s32 s15, $0xFFFF  }
0x1d: {  	s15 =	smov.u32 @p2 s2;
	p2 =	sne.s32 s12, s9  }
.Ltmp1:
0x1e: {  	p1 =	slt.u32 s12, $0x2;
	(pc) =	sbr.rel @!p2 .LBB2_6-.Ltmp1, $4  }
0x1f: {  	s14 =	simm.s32 @!p1 $0x3  }
0x20: {  	s16 =	sadd.s32 $0x1, s12;
	_ =	swait.ge @!p1 [sflag:s14], $0x400  }
0x21: {  	s13 =	smov.u32 s11;
	p0 =	por !p0, !p0;
	[sflag:s14] =	ssyncset.done @!p1 $0x0  }
0x22: {  	s12 =	smov.u32 s16;
	s11 =	smov.u32 s15;
	[sflag:s14] =	ssyncadd.s32 @!p1 $0xFFFFFC00  }
.LBB2_1:
0x23: {  	p1 =	sge.u32 s12, s8  }
0x24: {  	s14 =	sxor.u32 @!p1 $0xFFFFFFFF, s12  }
0x25: {  	s31 =	sadd.s32 $0xFFFFFFFF, s12;
	s15 =	sshrl.u32 @!p1 s11, $0x3;
	s14 =	sshll.u32 @!p1 s14, $0xA  }
0x26: {  	s16 =	sand.u32 @!p1 $0x7, s11;
	s15 =	sadd.s32 @!p1 s4, s15;
	s14 =	sand.u32 @!p1 $0x400, s14  }
0x27: {  	[tilespmem:s14], [sflag:$0x2] =	stream.linear.gather @!p1 [hbm4b:s15+s16], $0x400, $0x38;
	[tilespmem:$0x1000] =	vst v63  }
0x28: {  	p1 =	sge.u32 s31, s8  }
.Ltmp2:
0x29: {  	_ = 	snop;
	(pc) =	sbr.rel @p1 .LBB2_5-.Ltmp2, $1  }
0x2a: {  	_ =	sdelay $0x3  }
0x2b: {  	s14 =	simm.s32 $0x1  }
0x2c: {  	_ =	swait.ge [sflag:s7], $0x400;
	s14 =	simm.s32 @!p0 $0x0  }
0x2d: {  	[sflag:s7] =	ssyncset.done $0x0;
	s14 =	sshll.u32 s14, $0xA  }
0x2e: {  	[sflag:s7] =	ssyncadd.s32 $0xFFFFFC00;
	(ifvalue) =	ssetifvalue $0x7FFFFFFF;
	v0 =	vld.msk [tilespmem:s14+$0x0 ss:$0x1], $0xffff;
	_ =	sdelay $0x1  }
0x2f: {  	s15 =	sadd.s32 $0x10, s14  }
0x30: {  	v3 =	vld.msk [tilespmem:s15+$0x0 ss:$0x1], $0xffff;
	_ =	sdelay $0x1  }
0x31: {  	vm1 =	veq.s32 v0, $0x80000000  }
0x32: {  	v1 =	vshrl.u32 v0, $0x1;
	v2 =	vshrl.u32 v0, $0x2;
	v0 =	vshll.u32 v0, $0xF  }
0x33: {  	v1 =	vand.u32 $0x1, v1;
	v2 =	vand.u32 $0x3FFF, v2;
	v0 =	vand.u32 $0x8000, v0  }
0x34: {  	v62 =	vshrl.u32 v3, $0x2;
	v1 =	vsel vm1, $0xFFFFFFFF, v1;
	v2 =	vsel vm1, $0xFFFFFFFF, v2  }
0x35: {  	v0 =	vsel vm1, $0xFFFF8000, v0;
	vm1 =	veq.s32 v3, $0x80000000;
	v4 =	vand.u32 $0xFFFF8000, v1  }
0x36: {  	v5 =	vand.u32 $0x7F, v2;
	v2 =	vshll.u32 v2, $0x1;
	v0 =	vadd.s32 v0, v4  }
0x37: {  	v1 =	vshll.u32 v1, $0x7;
	v2 =	vand.u32 $0xFFFFFF00, v2;
	v0 =	vor.u32 v5, v0  }
0x38: {  	v1 =	vand.u32 $0x80, v1;
	v0 =	vadd.s32 v2, v0;
	v2 =	vshrl.u32 v3, $0x1  }
0x39: {  	s17 =	sadd.s32 $0x10, s15;
	v3 =	vshll.u32 v3, $0xF;
	v1 =	vor.u32 v1, v0;
	v2 =	vand.u32 $0x1, v2  }
0x3a: {  	v4 =	vand.u32 $0x3FFF, v62;
	v0 =	vld.msk [tilespmem:s17+$0x0 ss:$0x1], $0xffff;
	v3 =	vand.u32 $0x8000, v3;
	v2 =	vsel vm1, $0xFFFFFFFF, v2  }
0x3b: {  	v4 =	vsel vm1, $0xFFFFFFFF, v4;
	v3 =	vsel vm1, $0xFFFF8000, v3;
	v63 =	vand.u32 $0xFFFF8000, v2  }
0x3c: {  	s31 =	sshll.u32 s12, $0xA;
	v6 =	vand.u32 $0x7F, v4;
	v4 =	vshll.u32 v4, $0x1;
	v3 =	vadd.s32 v3, v63  }
0x3d: {  	s14 =	sor.u32 $0x800, s14;
	s15 =	sand.u32 $0x400, s31;
	(ifvalue) =	ssetifvalue $0x7FFFFFFF;
	v4 =	vand.u32 $0xFFFFFF00, v4;
	v2 =	vshll.u32 v2, $0x7;
	v3 =	vor.u32 v6, v3  }
0x3e: {  	[tilespmem:s14], [sflag:$0x1] =	stream.indirect_vreg.gather [hbm4b:s3+s10], $0x1, v1, vm0, $0x4038;
	v1 =	vand.u32 $0x80, v2;
	v3 =	vadd.s32 v4, v3;
	[tilespmem:$0x1000] =	vst v63  }
0x3f: {  	s16 =	simm.s32 $0x20;
	s15 =	sor.u32 $0x800, s15;
	s17 =	sadd.s32 $0x10, s17;
	vm1 =	veq.s32 v0, $0x80000000;
	v2 =	vshrl.u32 v0, $0x1;
	v1 =	vor.u32 v1, v3  }
.LBB2_3:
0x40: {  	s16 =	sadd.s32 $0x10, s16;
	v2 =	vand.u32 $0x1, v2;
	v3 =	vshrl.u32 v0, $0x2;
	v4 =	vshll.u32 v0, $0xF;
	v0 =	vld.msk [tilespmem:s17+$0x0 ss:$0x1], $0xffff  }
0x41: {  	p1 =	slt.u32 s16, $0x3F0;
	v2 =	vsel vm1, $0xFFFFFFFF, v2;
	v3 =	vand.u32 $0x3FFF, v3;
	v4 =	vand.u32 $0x8000, v4  }
.Ltmp3:
0x42: {  	v3 =	vsel vm1, $0xFFFFFFFF, v3;
	v4 =	vsel vm1, $0xFFFF8000, v4;
	v5 =	vand.u32 $0xFFFF8000, v2;
	(pc) =	sbr.rel @p1 .LBB2_3-.Ltmp3, $4  }
0x43: {  	s14 =	sadd.s32 $0x10, s14;
	v6 =	vand.u32 $0x7F, v3;
	v4 =	vadd.s32 v4, v5;
	v3 =	vshll.u32 v3, $0x1;
	(ifvalue) =	ssetifvalue $0x7FFFFFFF  }
0x44: {  	v2 =	vshll.u32 v2, $0x7;
	v3 =	vand.u32 $0xFFFFFF00, v3;
	v4 =	vor.u32 v6, v4;
	[tilespmem:s14], [sflag:$0x1] =	stream.indirect_vreg.gather [hbm4b:s3+s10], $0x1, v1, vm0, $0x4038;
	[tilespmem:$0x1000] =	vst v63  }
0x45: {  	v1 =	vand.u32 $0x80, v2;
	v3 =	vadd.s32 v3, v4  }
0x46: {  	s17 =	sadd.s32 $0x10, s17;
	vm1 =	veq.s32 v0, $0x80000000;
	v2 =	vshrl.u32 v0, $0x1;
	v1 =	vor.u32 v1, v3  }
.Ltmp4:
0x47: {  	_ = 	snop;
	(pc) =	sbr.rel .LBB2_4-.Ltmp4, $1  }
0x48: {  	_ =	sdelay $0x3  }
.LBB2_6:
0x49: {  	_ =	sfence.sel $0x180000  }
0x4a: {  	s2 =	simm.s32 $0x2;
	[bflag:$0x0] =	sbarrier.arrive $0xFFFF  }
0x4b: {  	s30 =	simm.s32 $0x3;
	[sflag:s2] =	ssyncpa.u1 $0x1  }
0x4c: {  	s31 =	simm.s32 $0x1;
	[sflag:s30] =	ssyncpa.u1 $0x1  }
0x4d: {  	[sflag:s31] =	ssyncpa.u1 $0x1  }
0x4e: {  	p0 =	sne.s32 s1, $0x0;
	_ =	strace $0x90000053  }
0x4f: {  	s0 =	sadd.s32 @!p0 $0x100000, s0;
	[bflag:$0x2] =	sbarrier.arrive $0xFFFF  }
0x50: {  	[sflag:s0] =	ssyncadd.tile.s32 @!p0 $0x1;
	_ =	shalt  }
.Lfunc_end2:
_tile_overlayer_lowered:
.L_overlay_start_2:
0x51: {  	(tag) =	ssettag $0x2  }
0x52: {  	s0 =	rddreg [dreg:$0x0];
	s2 =	stileid.u32  }
0x53: {  	s1 =	rddreg [dreg:$0x1];
	p0 =	sne.s32 s2, $0x0  }
0x54: {  	s3 =	rddreg [dreg:$0x2];
	[bflag:$0x3] =	sbarrier.arrive $0xFFFF;
	s2 =	simm.s32 @!p0 $0x1C01  }
0x55: {  	[timem:s3], [sflag:s2] =	dma.local @!p0 [hbm:s0], s1  }
0x56: {  	s0 =	simm.s32 @!p0 $0x1  }
0x57: {  	_ =	swait.ge @!p0 [sflag:s0], s1  }
0x58: {  	s1 =	ssub.s32 @!p0 $0x0, s1;
	[sflag:s0] =	ssyncset.done @!p0 $0x0  }
0x59: {  	[sflag:s0] =	ssyncadd.s32 @!p0 s1  }
0x5a: {  	[bflag:$0x3] =	sbarrier.arrive $0xFFFF  }
0x5b: {  	_ =	shalt  }

// kernel: gather_offload_async_start.5
scs
__scs_entry_jumppad:
0x0: {  	(pc) =	sbr.rel $0x88, $3  }
0x1: {  	(tag) =	ssettag $0x0;
	lr =	simm.s32 $0x1  }
0x2: {  	[smem:$0x3F9F] =	sst lr;
	_ =	strace $0xD0000000  }
0x3: {  	_ = 	snop  }
0x4: {  	_ = 	snop  }
0x5: {  	_ = 	snop  }
0x6: {  	_ = 	snop  }
0x7: {  	_ = 	snop  }
__scs_overlays_trampoline_lowered:
0x8: {  	[smem:$0x3FAE] =	sst s0  }
0x9: {  	[smem:$0x3FAF] =	sst s1  }
0xa: {  	[smem:$0x3FB0] =	sst s2  }
0xb: {  	[smem:$0x3FB1] =	sst s3  }
0xc: {  	[smem:$0x3FB2] =	sst s4  }
0xd: {  	[smem:$0x3FB3] =	sst s5  }
0xe: {  	[smem:$0x3FB4] =	sst s6  }
0xf: {  	[smem:$0x3FB5] =	sst s7  }
0x10: {  	[smem:$0x3FB6] =	sst s8  }
0x11: {  	[smem:$0x3FB7] =	sst s9;
	s0 =	simm.s32 @!p0 $0x0  }
0x12: {  	s1 =	sld [smem:$0x3F9D];
	s0 =	simm.s32 @p0 $0x1  }
0x13: {  	[smem:$0x3FB8] =	sst s0;
	s0 =	simm.s32 @!p1 $0x0  }
0x14: {  	s2 =	sld [smem:$0x3F9C];
	s0 =	simm.s32 @p1 $0x1  }
0x15: {  	[smem:$0x3FB9] =	sst s0;
	s0 =	simm.s32 @!p2 $0x0  }
0x16: {  	s3 =	sld [smem:$0x3FDB];
	s0 =	simm.s32 @p2 $0x1  }
0x17: {  	s4 =	simm.s32 $0x1BF5;
	[smem:$0x3FBB] =	sst s0  }
0x18: {  	s0 =	sld [smem:$0x3F9E];
	_ =	swait.ge [sflag:s4], $0x0  }
0x19: {  	s7 =	sld [smem:$0x3F9F]  }
0x1a: {  	s8 =	sadd.s32 $0xFFFFE003, lr  }
0x1b: {  	s9 =	sadd.s32 $0xFFFFFEF7, lr;
	s5 =	simm.s32 $0xFFFFFFFF;
	p2 =	slt.u32 s8, $0xFFFFF086  }
0x1c: {  	p1 =	slt.u32 s9, $0xF7A;
	s5 =	simm.s32 @!p2 $0x0  }
0x1d: {  	s5 =	simm.s32 @p1 $0x1;
	p0 =	seq.s32 s7, s2  }
0x1e: {  	s7 =	smul.u32 @!p0 $0xF7A, s2;
	p2 =	seq.s32 @!p0 s5, $0x0  }
0x1f: {  	s9 =	smul.u32 $0xF7A, s1;
	s8 =	simm.s32 @!p0 $0x1BF5;
	p2 =	por !p2, p0  }
0x20: {  	[sflag:s8] =	ssyncset.s32 @!p0 $0xFFFFF086;
	s6 =	sadd.s32 @!p0 s3, s7;
	s7 =	simm.s32 @!p0 $0x108  }
0x21: {  	s3 =	sadd.s32 s3, s9;
	s6 =	sadd.s32 @!p0 $0x88, s6;
	s7 =	simm.s32 @p2 $0x1082  }
0x22: {  	[simem:s7], [sflag:s8] =	dma.local @!p0 [hbm:s6], $0xF7A  }
0x23: {  	s9 =	sor.u32 $0xD0000000, s2;
	s6 =	simm.s32 $0x108;
	_ =	swait.ge @!p0 [sflag:s8], $0x0  }
0x24: {  	s3 =	sadd.s32 $0x88, s3;
	s6 =	simm.s32 @!p1 $0x1082;
	[sflag:s4] =	ssyncset.s32 $0xFFFFF086  }
0x25: {  	[simem:s6], [sflag:s4] =	dma.local [hbm:s3], $0xF7A  }
0x26: {  	[smem:$0x3F9F] =	sst s1;
	(tag) =	ssettag s2;
	_ =	strace s9  }
0x27: {  	s1 =	sld [smem:$0x3FAF]  }
0x28: {  	s2 =	sld [smem:$0x3FB0]  }
0x29: {  	s4 =	sld [smem:$0x3FB2]  }
0x2a: {  	p0 =	seq.s32 s5, $0x0;
	s5 =	sld [smem:$0x3FB3]  }
0x2b: {  	s6 =	sld [smem:$0x3FB4]  }
0x2c: {  	s7 =	sld [smem:$0x3FB5]  }
0x2d: {  	s3 =	simm.s32 $0x108;
	s8 =	sld [smem:$0x3FB6]  }
0x2e: {  	s3 =	simm.s32 @!p0 $0x1082;
	s9 =	sld [smem:$0x3FB7]  }
0x2f: {  	lr =	sadd.s32 s0, s3;
	s0 =	sld [smem:$0x3FAE]  }
0x30: {  	s3 =	sld [smem:$0x3FB1]  }
0x31: {  	[smem:$0x3FBA] =	sst s10  }
0x32: {  	s10 =	sld [smem:$0x3FB8];
	_ =	sdelay $0x3  }
0x33: {  	p0 =	seq.s32 s10, $0x1;
	s10 =	sld [smem:$0x3FBA];
	_ =	sdelay $0x3  }
0x34: {  	[smem:$0x3FBA] =	sst s10  }
0x35: {  	s10 =	sld [smem:$0x3FB9];
	_ =	sdelay $0x3  }
0x36: {  	p1 =	seq.s32 s10, $0x1;
	s10 =	sld [smem:$0x3FBA];
	_ =	sdelay $0x3  }
0x37: {  	[smem:$0x3FBA] =	sst s10  }
0x38: {  	s10 =	sld [smem:$0x3FBB]  }
0x39: {  	_ = 	snop;
	(pc) =	sbr.ind lr, $3  }
0x3a: {  	_ = 	snop  }
0x3b: {  	_ = 	snop  }
0x3c: {  	p2 =	seq.s32 s10, $0x1;
	s10 =	sld [smem:$0x3FBA]  }
0x3d: {  	_ =	shalt  }
0x3e: {  	_ =	shalt  }
0x3f: {  	_ =	shalt  }
0x40: {  	_ =	shalt  }
0x41: {  	_ =	shalt  }
0x42: {  	_ =	shalt  }
0x43: {  	_ =	shalt  }
0x44: {  	_ =	shalt  }
0x45: {  	_ =	shalt  }
0x46: {  	_ =	shalt  }
0x47: {  	_ =	shalt  }
0x48: {  	_ =	shalt  }
0x49: {  	_ =	shalt  }
0x4a: {  	_ =	shalt  }
0x4b: {  	_ =	shalt  }
0x4c: {  	_ =	shalt  }
0x4d: {  	_ =	shalt  }
0x4e: {  	_ =	shalt  }
0x4f: {  	_ =	shalt  }
0x50: {  	_ =	shalt  }
0x51: {  	_ =	shalt  }
0x52: {  	_ =	shalt  }
0x53: {  	_ =	shalt  }
0x54: {  	_ =	shalt  }
0x55: {  	_ =	shalt  }
0x56: {  	_ =	shalt  }
0x57: {  	_ =	shalt  }
0x58: {  	_ =	shalt  }
0x59: {  	_ =	shalt  }
0x5a: {  	_ =	shalt  }
0x5b: {  	_ =	shalt  }
0x5c: {  	_ =	shalt  }
0x5d: {  	_ =	shalt  }
0x5e: {  	_ =	shalt  }
0x5f: {  	_ =	shalt  }
0x60: {  	_ =	shalt  }
0x61: {  	_ =	shalt  }
0x62: {  	_ =	shalt  }
0x63: {  	_ =	shalt  }
0x64: {  	_ =	shalt  }
0x65: {  	_ =	shalt  }
0x66: {  	_ =	shalt  }
0x67: {  	_ =	shalt  }
0x68: {  	_ =	shalt  }
0x69: {  	_ =	shalt  }
0x6a: {  	_ =	shalt  }
0x6b: {  	_ =	shalt  }
0x6c: {  	_ =	shalt  }
0x6d: {  	_ =	shalt  }
0x6e: {  	_ =	shalt  }
0x6f: {  	_ =	shalt  }
0x70: {  	_ =	shalt  }
0x71: {  	_ =	shalt  }
0x72: {  	_ =	shalt  }
0x73: {  	_ =	shalt  }
0x74: {  	_ =	shalt  }
0x75: {  	_ =	shalt  }
0x76: {  	_ =	shalt  }
0x77: {  	_ =	shalt  }
0x78: {  	_ =	shalt  }
0x79: {  	_ =	shalt  }
0x7a: {  	_ =	shalt  }
0x7b: {  	_ =	shalt  }
0x7c: {  	_ =	shalt  }
0x7d: {  	_ =	shalt  }
0x7e: {  	_ =	shalt  }
0x7f: {  	_ =	shalt  }
0x80: {  	_ =	shalt  }
0x81: {  	_ =	shalt  }
0x82: {  	_ =	shalt  }
0x83: {  	_ =	shalt  }
0x84: {  	_ =	shalt  }
0x85: {  	_ =	shalt  }
0x86: {  	_ =	shalt  }
0x87: {  	_ =	shalt  }
.Lfunc_end0:
.L_simem_size_0:
called_computation.5_lowered:
.L_overlay_start_0:
0x88: {  	s2 =	sld [smem:$0x3FD9]  }
0x89: {  	s3 =	sld [smem:$0x3FFE];
	_ =	sdelay $0x1  }
0x8a: {  	s1 =	srdreg.scid  }
0x8b: {  	s0 =	sand.u32 $0x1, s1  }
0x8c: {  	s16 =	sshll.u32 s0, $0xA;
	s2 =	sadd.s32 s3, s2  }
0x8d: {  	s2 =	sadd.s32 s2, s16  }
0x8e: {  	[smem:$0x3FC6] =	sst s2  }
0x8f: {  	_ = 	snop  }
0x90: {  	(tm) =	ssettm $0x1  }
0x91: {  	s17 =	sld [smem:$0x3FFB];
	_ =	sdelay $0x3  }
0x92: {  	_ =	strace s17  }
0x93: {  	s2 =	sld [smem:$0x3FFC];
	_ =	sdelay $0x3  }
0x94: {  	_ =	strace s2  }
0x95: {  	s2 =	sld [smem:$0x3FFD];
	_ =	sdelay $0x3  }
0x96: {  	_ =	strace s2  }
0x97: {  	_ =	strace $0x8FFFFFFF  }
0x98: {  	s18 =	sld [smem:$0x3FDB];
	_ =	sdelay $0x1  }
0x99: {  	s19 =	simm.s32 $_scs_section_size  }
0x9a: {  	s4 =	simm.s32 $_size__tile_overlayer_lowered;
	s5 =	simm.s32 $_tile_overlayer_lowered  }
0x9b: {  	s22 =	simm.s32 $0x1BFF;
	s21 =	sshll.u32 s5, $0x1;
	s2 =	sadd.s32 s19, s18  }
0x9c: {  	s6 =	simm.s32 $0x0;
	s20 =	sshll.u32 s4, $0x1;
	s4 =	sadd.s32 s21, s2  }
0x9d: {  	[timem:s6], [sflag:s22] =	dma.local [hbm:s4], s20  }
0x9e: {  	_ =	swait.ge [sflag:s22], s20  }
0x9f: {  	s3 =	ssub.s32 $0x0, s20;
	[sflag:s22] =	ssyncset.done $0x0  }
0xa0: {  	[sflag:s22] =	ssyncadd.s32 s3;
	_ =	sdelay $0x1  }
0xa1: {  	s23 =	simm.s32 $0x1B8B  }
0xa2: {  	_ =	swait.ge [sflag:s23], $0x1  }
0xa3: {  	[sflag:s23] =	ssyncset.done $0x0  }
0xa4: {  	s25 =	simm.s32 $0x1B8E;
	s24 =	sld [smem:$0x3FFE];
	[sflag:s23] =	ssyncadd.s32 $0xFFFFFFFF  }
0xa5: {  	s26 =	simm.s32 $execute0_lowered;
	[smem:$0x3FD2] =	sst s25  }
0xa6: {  	s4 =	sshll.u32 s26, $0x1;
	_ =	strace $0x8000004F;
	[dreg:$0x1] =	wrdreg $0xFFFFFFFF  }
0xa7: {  	s28 =	simm.s32 $_size_execute0_lowered;
	s2 =	sadd.s32 s2, s4;
	[dreg:$0x0] =	wrdreg $0x0  }
0xa8: {  	s4 =	sshll.u32 s28, $0x1;
	[dreg:$0x2] =	wrdreg s2  }
0xa9: {  	[dreg:$0x3] =	wrdreg s4  }
0xaa: {  	[dreg:$0x4] =	wrdreg $0xC0  }
0xab: {  	_ =	task [dreg:s6], $0x5FFFF  }
0xac: {  	[dreg:$0x1] =	wrdreg $0xFFFFFFFF  }
0xad: {  	[dreg:$0x0] =	wrdreg $0x60  }
0xae: {  	[dreg:$0x2] =	wrdreg s24  }
0xaf: {  	[dreg:$0x3] =	wrdreg $0x9  }
0xb0: {  	_ =	task.clear_ibuf [dreg:s6], $0x4FFFF;
	_ =	strace $0x9000004F  }
0xb1: {  	s29 =	simm.s32 $0x9;
	_ =	strace $0x80000051  }
0xb2: {  	_ =	swait.ge [sflag:s29], $0x1  }
0xb3: {  	[sflag:s29] =	ssyncadd.s32 $0xFFFFFFFF  }
0xb4: {  	_ =	strace $0x90000051  }
0xb5: {  	_ =	sfence  }
0xb6: {  	s30 =	sld [smem:$0x0];
	_ =	sdelay $0x2  }
0xb7: {  	s31 =	sshll.u32 s1, $0xD;
	s1 =	sshrl.u32 s1, $0x2  }
0xb8: {  	s3 =	sand.u32 $0x4000, s31;
	s1 =	sadd.s32 s1, s30  }
0xb9: {  	s0 =	sor.u32 s3, s0;
	s1 =	sshll.u32 s1, $0x11  }
0xba: {  	s0 =	sor.u32 s1, s0  }
0xbb: {  	s0 =	sadd.s32 $0x8F2B, s0  }
0xbc: {  	[sflag:s0] =	ssyncadd.remote.s32 $0x1  }
0xbd: {  	_ =	sfence.sel $0xFFFF  }
0xbe: {  	[dreg:$0x0] =	wrdreg $0xFFFFFFFF;
	(pc) =	sbr.abs _section_cstart, $3  }
0xbf: {  	[dreg:$0x1] =	wrdreg $0xFFFFFFFF  }
0xc0: {  	_ =	task.clear_ibuf [dreg:s6], $0x2FFFF;
	_ =	strace $0x9FFFFFFF  }
0xc1: {  	(tm) =	ssettm $0x7FFFFFFF  }
tec
execute0_lowered:
.L_overlay_start_1:
0x0: {  	(tag) =	ssettag $0x1  }
0x1: {  	s0 =	srdreg.scid;
	s5 =	rddreg [dreg:$0x0]  }
0x2: {  	s1 =	stileid.u32;
	s6 =	simm.s32 $0x1;
	s9 =	simm.s32 $0x1  }
0x3: {  	s10 =	simm.s32 $0x3;
	s13 =	simm.s32 $0x0;
	s2 =	sshll.u32 s0, $0xA  }
0x4: {  	s12 =	simm.s32 $0x0;
	s3 =	sshll.u32 s1, $0xB;
	s2 =	sand.u32 $0x400, s2  }
0x5: {  	s0 =	rddreg [dreg:$0x1];
	_ =	strace $0x80000050;
	s2 =	sor.u32 s3, s2  }
0x6: {  	s4 =	sadd.s32 $0x12000, s5;
	[sflag:s6] =	ssyncpa.u1 $0x0;
	s8 =	ssub.s32 $0x10000, s2  }
.Ltmp0:
0x7: {  	s3 =	sadd.s32 $0x6000, s5;
	s7 =	sand.u32 $0x7C00, s8;
	(pc) =	sbr.rel .LBB2_1-.Ltmp0, $4  }
0x8: {  	s5 =	sadd.s32 $0x14000, s5;
	s11 =	smov.u32 s2;
	p0 =	sne.s32 s7, $0x0  }
0x9: {  	s8 =	sshrl.u32 s8, $0xF;
	s7 =	simm.s32 $0x2;
	s9 =	simm.s32 @!p0 $0x0  }
0xa: {  	[sflag:s7] =	ssyncpa.u1 $0x0;
	p0 =	por $0x0, $0x0;
	s8 =	sadd.s32 s9, s8  }
0xb: {  	vm0 =	vmmov $0xffff;
	[sflag:s10] =	ssyncpa.u1 $0x0;
	s10 =	simm.s32 $0x0;
	s9 =	sadd.s32 $0x1, s8  }
.LBB2_4:
0xc: {  	v2 =	vand.u32 $0x1, v2;
	v3 =	vshrl.u32 v0, $0x2;
	v63 =	vshll.u32 v0, $0xF  }
0xd: {  	v2 =	vsel vm1, $0xFFFFFFFF, v2;
	v3 =	vand.u32 $0x3FFF, v3;
	v0 =	vand.u32 $0x8000, v63  }
0xe: {  	v3 =	vsel vm1, $0xFFFFFFFF, v3;
	v0 =	vsel vm1, $0xFFFF8000, v0;
	v4 =	vand.u32 $0xFFFF8000, v2  }
0xf: {  	v5 =	vand.u32 $0x7F, v3;
	v0 =	vadd.s32 v0, v4;
	v3 =	vshll.u32 v3, $0x1  }
0x10: {  	v2 =	vshll.u32 v2, $0x7;
	v3 =	vand.u32 $0xFFFFFF00, v3;
	v0 =	vor.u32 v5, v0  }
0x11: {  	v2 =	vand.u32 $0x80, v2;
	v0 =	vadd.s32 v3, v0  }
0x12: {  	v0 =	vor.u32 v2, v0;
	_ =	sdelay $0x1  }
0x13: {  	(ifvalue) =	ssetifvalue $0x7FFFFFFF;
	s14 =	sadd.s32 $0x10, s14  }
0x14: {  	[tilespmem:s14], [sflag:$0x1] =	stream.indirect_vreg.gather [hbm4b:s3+s10], $0x1, v1, vm0, $0x4038;
	[tilespmem:$0x1000] =	vst v63  }
0x15: {  	(ifvalue) =	ssetifvalue $0x7FFFFFFF;
	s14 =	sadd.s32 $0x10, s14  }
0x16: {  	[tilespmem:s14], [sflag:$0x1] =	stream.indirect_vreg.gather [hbm4b:s3+s10], $0x1, v0, vm0, $0x4038;
	[tilespmem:$0x1000] =	vst v63  }
0x17: {  	_ =	swait.ge [sflag:s6], $0x400  }
0x18: {  	s30 =	sshrl.u32 s13, $0x3;
	[sflag:s6] =	ssyncset.done $0x0  }
0x19: {  	s31 =	sand.u32 $0x7, s13;
	s14 =	sadd.s32 s5, s30;
	[sflag:s6] =	ssyncadd.s32 $0xFFFFFC00  }
0x1a: {  	[hbm4b:s14+s31] =	stream.linear.scatter [tilespmem:s15], [sflag:$0x3], $0x400, $0x38;
	[tilespmem:$0x1000] =	vst v63  }
.LBB2_5:
0x1b: {  	s15 =	sadd.s32 $0x8000, s11  }
0x1c: {  	p2 =	sgt.s32 s15, $0xFFFF  }
0x1d: {  	s15 =	smov.u32 @p2 s2;
	p2 =	sne.s32 s12, s9  }
.Ltmp1:
0x1e: {  	p1 =	slt.u32 s12, $0x2;
	(pc) =	sbr.rel @!p2 .LBB2_6-.Ltmp1, $4  }
0x1f: {  	s14 =	simm.s32 @!p1 $0x3  }
0x20: {  	s16 =	sadd.s32 $0x1, s12;
	_ =	swait.ge @!p1 [sflag:s14], $0x400  }
0x21: {  	s13 =	smov.u32 s11;
	p0 =	por !p0, !p0;
	[sflag:s14] =	ssyncset.done @!p1 $0x0  }
0x22: {  	s12 =	smov.u32 s16;
	s11 =	smov.u32 s15;
	[sflag:s14] =	ssyncadd.s32 @!p1 $0xFFFFFC00  }
.LBB2_1:
0x23: {  	p1 =	sge.u32 s12, s8  }
0x24: {  	s14 =	sxor.u32 @!p1 $0xFFFFFFFF, s12  }
0x25: {  	s31 =	sadd.s32 $0xFFFFFFFF, s12;
	s15 =	sshrl.u32 @!p1 s11, $0x3;
	s14 =	sshll.u32 @!p1 s14, $0xA  }
0x26: {  	s16 =	sand.u32 @!p1 $0x7, s11;
	s15 =	sadd.s32 @!p1 s4, s15;
	s14 =	sand.u32 @!p1 $0x400, s14  }
0x27: {  	[tilespmem:s14], [sflag:$0x2] =	stream.linear.gather @!p1 [hbm4b:s15+s16], $0x400, $0x38;
	[tilespmem:$0x1000] =	vst v63  }
0x28: {  	p1 =	sge.u32 s31, s8  }
.Ltmp2:
0x29: {  	_ = 	snop;
	(pc) =	sbr.rel @p1 .LBB2_5-.Ltmp2, $1  }
0x2a: {  	_ =	sdelay $0x3  }
0x2b: {  	s14 =	simm.s32 $0x1  }
0x2c: {  	_ =	swait.ge [sflag:s7], $0x400;
	s14 =	simm.s32 @!p0 $0x0  }
0x2d: {  	[sflag:s7] =	ssyncset.done $0x0;
	s14 =	sshll.u32 s14, $0xA  }
0x2e: {  	[sflag:s7] =	ssyncadd.s32 $0xFFFFFC00;
	(ifvalue) =	ssetifvalue $0x7FFFFFFF;
	v0 =	vld.msk [tilespmem:s14+$0x0 ss:$0x1], $0xffff;
	_ =	sdelay $0x1  }
0x2f: {  	s15 =	sadd.s32 $0x10, s14  }
0x30: {  	v3 =	vld.msk [tilespmem:s15+$0x0 ss:$0x1], $0xffff;
	_ =	sdelay $0x1  }
0x31: {  	vm1 =	veq.s32 v0, $0x80000000  }
0x32: {  	v1 =	vshrl.u32 v0, $0x1;
	v2 =	vshrl.u32 v0, $0x2;
	v0 =	vshll.u32 v0, $0xF  }
0x33: {  	v1 =	vand.u32 $0x1, v1;
	v2 =	vand.u32 $0x3FFF, v2;
	v0 =	vand.u32 $0x8000, v0  }
0x34: {  	v62 =	vshrl.u32 v3, $0x2;
	v1 =	vsel vm1, $0xFFFFFFFF, v1;
	v2 =	vsel vm1, $0xFFFFFFFF, v2  }
0x35: {  	v0 =	vsel vm1, $0xFFFF8000, v0;
	vm1 =	veq.s32 v3, $0x80000000;
	v4 =	vand.u32 $0xFFFF8000, v1  }
0x36: {  	v5 =	vand.u32 $0x7F, v2;
	v2 =	vshll.u32 v2, $0x1;
	v0 =	vadd.s32 v0, v4  }
0x37: {  	v1 =	vshll.u32 v1, $0x7;
	v2 =	vand.u32 $0xFFFFFF00, v2;
	v0 =	vor.u32 v5, v0  }
0x38: {  	v1 =	vand.u32 $0x80, v1;
	v0 =	vadd.s32 v2, v0;
	v2 =	vshrl.u32 v3, $0x1  }
0x39: {  	s17 =	sadd.s32 $0x10, s15;
	v3 =	vshll.u32 v3, $0xF;
	v1 =	vor.u32 v1, v0;
	v2 =	vand.u32 $0x1, v2  }
0x3a: {  	v4 =	vand.u32 $0x3FFF, v62;
	v0 =	vld.msk [tilespmem:s17+$0x0 ss:$0x1], $0xffff;
	v3 =	vand.u32 $0x8000, v3;
	v2 =	vsel vm1, $0xFFFFFFFF, v2  }
0x3b: {  	v4 =	vsel vm1, $0xFFFFFFFF, v4;
	v3 =	vsel vm1, $0xFFFF8000, v3;
	v63 =	vand.u32 $0xFFFF8000, v2  }
0x3c: {  	s31 =	sshll.u32 s12, $0xA;
	v6 =	vand.u32 $0x7F, v4;
	v4 =	vshll.u32 v4, $0x1;
	v3 =	vadd.s32 v3, v63  }
0x3d: {  	s14 =	sor.u32 $0x800, s14;
	s15 =	sand.u32 $0x400, s31;
	(ifvalue) =	ssetifvalue $0x7FFFFFFF;
	v4 =	vand.u32 $0xFFFFFF00, v4;
	v2 =	vshll.u32 v2, $0x7;
	v3 =	vor.u32 v6, v3  }
0x3e: {  	[tilespmem:s14], [sflag:$0x1] =	stream.indirect_vreg.gather [hbm4b:s3+s10], $0x1, v1, vm0, $0x4038;
	v1 =	vand.u32 $0x80, v2;
	v3 =	vadd.s32 v4, v3;
	[tilespmem:$0x1000] =	vst v63  }
0x3f: {  	s16 =	simm.s32 $0x20;
	s15 =	sor.u32 $0x800, s15;
	s17 =	sadd.s32 $0x10, s17;
	vm1 =	veq.s32 v0, $0x80000000;
	v2 =	vshrl.u32 v0, $0x1;
	v1 =	vor.u32 v1, v3  }
.LBB2_3:
0x40: {  	s16 =	sadd.s32 $0x10, s16;
	v2 =	vand.u32 $0x1, v2;
	v3 =	vshrl.u32 v0, $0x2;
	v4 =	vshll.u32 v0, $0xF;
	v0 =	vld.msk [tilespmem:s17+$0x0 ss:$0x1], $0xffff  }
0x41: {  	p1 =	slt.u32 s16, $0x3F0;
	v2 =	vsel vm1, $0xFFFFFFFF, v2;
	v3 =	vand.u32 $0x3FFF, v3;
	v4 =	vand.u32 $0x8000, v4  }
.Ltmp3:
0x42: {  	v3 =	vsel vm1, $0xFFFFFFFF, v3;
	v4 =	vsel vm1, $0xFFFF8000, v4;
	v5 =	vand.u32 $0xFFFF8000, v2;
	(pc) =	sbr.rel @p1 .LBB2_3-.Ltmp3, $4  }
0x43: {  	s14 =	sadd.s32 $0x10, s14;
	v6 =	vand.u32 $0x7F, v3;
	v4 =	vadd.s32 v4, v5;
	v3 =	vshll.u32 v3, $0x1;
	(ifvalue) =	ssetifvalue $0x7FFFFFFF  }
0x44: {  	v2 =	vshll.u32 v2, $0x7;
	v3 =	vand.u32 $0xFFFFFF00, v3;
	v4 =	vor.u32 v6, v4;
	[tilespmem:s14], [sflag:$0x1] =	stream.indirect_vreg.gather [hbm4b:s3+s10], $0x1, v1, vm0, $0x4038;
	[tilespmem:$0x1000] =	vst v63  }
0x45: {  	v1 =	vand.u32 $0x80, v2;
	v3 =	vadd.s32 v3, v4  }
0x46: {  	s17 =	sadd.s32 $0x10, s17;
	vm1 =	veq.s32 v0, $0x80000000;
	v2 =	vshrl.u32 v0, $0x1;
	v1 =	vor.u32 v1, v3  }
.Ltmp4:
0x47: {  	_ = 	snop;
	(pc) =	sbr.rel .LBB2_4-.Ltmp4, $1  }
0x48: {  	_ =	sdelay $0x3  }
.LBB2_6:
0x49: {  	_ =	sfence.sel $0x180000  }
0x4a: {  	s2 =	simm.s32 $0x2;
	[bflag:$0x0] =	sbarrier.arrive $0xFFFF  }
0x4b: {  	s30 =	simm.s32 $0x3;
	[sflag:s2] =	ssyncpa.u1 $0x1  }
0x4c: {  	s31 =	simm.s32 $0x1;
	[sflag:s30] =	ssyncpa.u1 $0x1  }
0x4d: {  	[sflag:s31] =	ssyncpa.u1 $0x1  }
0x4e: {  	p0 =	sne.s32 s1, $0x0;
	_ =	strace $0x90000050  }
0x4f: {  	s0 =	sadd.s32 @!p0 $0x100000, s0;
	[bflag:$0x2] =	sbarrier.arrive $0xFFFF  }
0x50: {  	[sflag:s0] =	ssyncadd.tile.s32 @!p0 $0x1;
	_ =	shalt  }
.Lfunc_end2:
_tile_overlayer_lowered:
.L_overlay_start_2:
0x51: {  	(tag) =	ssettag $0x2  }
0x52: {  	s0 =	rddreg [dreg:$0x0];
	s2 =	stileid.u32  }
0x53: {  	s1 =	rddreg [dreg:$0x1];
	p0 =	sne.s32 s2, $0x0  }
0x54: {  	s3 =	rddreg [dreg:$0x2];
	[bflag:$0x3] =	sbarrier.arrive $0xFFFF;
	s2 =	simm.s32 @!p0 $0x1C01  }
0x55: {  	[timem:s3], [sflag:s2] =	dma.local @!p0 [hbm:s0], s1  }
0x56: {  	s0 =	simm.s32 @!p0 $0x1  }
0x57: {  	_ =	swait.ge @!p0 [sflag:s0], s1  }
0x58: {  	s1 =	ssub.s32 @!p0 $0x0, s1;
	[sflag:s0] =	ssyncset.done @!p0 $0x0  }
0x59: {  	[sflag:s0] =	ssyncadd.s32 @!p0 s1  }
0x5a: {  	[bflag:$0x3] =	sbarrier.arrive $0xFFFF  }
0x5b: {  	_ =	shalt  }

// kernel: gather_offload_async_start
scs
__scs_entry_jumppad:
0x0: {  	(pc) =	sbr.rel $0x88, $3  }
0x1: {  	(tag) =	ssettag $0x0;
	lr =	simm.s32 $0x1  }
0x2: {  	[smem:$0x3F9F] =	sst lr;
	_ =	strace $0xD0000000  }
0x3: {  	_ = 	snop  }
0x4: {  	_ = 	snop  }
0x5: {  	_ = 	snop  }
0x6: {  	_ = 	snop  }
0x7: {  	_ = 	snop  }
__scs_overlays_trampoline_lowered:
0x8: {  	[smem:$0x3FAE] =	sst s0  }
0x9: {  	[smem:$0x3FAF] =	sst s1  }
0xa: {  	[smem:$0x3FB0] =	sst s2  }
0xb: {  	[smem:$0x3FB1] =	sst s3  }
0xc: {  	[smem:$0x3FB2] =	sst s4  }
0xd: {  	[smem:$0x3FB3] =	sst s5  }
0xe: {  	[smem:$0x3FB4] =	sst s6  }
0xf: {  	[smem:$0x3FB5] =	sst s7  }
0x10: {  	[smem:$0x3FB6] =	sst s8  }
0x11: {  	[smem:$0x3FB7] =	sst s9;
	s0 =	simm.s32 @!p0 $0x0  }
0x12: {  	s1 =	sld [smem:$0x3F9D];
	s0 =	simm.s32 @p0 $0x1  }
0x13: {  	[smem:$0x3FB8] =	sst s0;
	s0 =	simm.s32 @!p1 $0x0  }
0x14: {  	s2 =	sld [smem:$0x3F9C];
	s0 =	simm.s32 @p1 $0x1  }
0x15: {  	[smem:$0x3FB9] =	sst s0;
	s0 =	simm.s32 @!p2 $0x0  }
0x16: {  	s3 =	sld [smem:$0x3FDB];
	s0 =	simm.s32 @p2 $0x1  }
0x17: {  	s4 =	simm.s32 $0x1BF5;
	[smem:$0x3FBB] =	sst s0  }
0x18: {  	s0 =	sld [smem:$0x3F9E];
	_ =	swait.ge [sflag:s4], $0x0  }
0x19: {  	s7 =	sld [smem:$0x3F9F]  }
0x1a: {  	s8 =	sadd.s32 $0xFFFFE003, lr  }
0x1b: {  	s9 =	sadd.s32 $0xFFFFFEF7, lr;
	s5 =	simm.s32 $0xFFFFFFFF;
	p2 =	slt.u32 s8, $0xFFFFF086  }
0x1c: {  	p1 =	slt.u32 s9, $0xF7A;
	s5 =	simm.s32 @!p2 $0x0  }
0x1d: {  	s5 =	simm.s32 @p1 $0x1;
	p0 =	seq.s32 s7, s2  }
0x1e: {  	s7 =	smul.u32 @!p0 $0xF7A, s2;
	p2 =	seq.s32 @!p0 s5, $0x0  }
0x1f: {  	s9 =	smul.u32 $0xF7A, s1;
	s8 =	simm.s32 @!p0 $0x1BF5;
	p2 =	por !p2, p0  }
0x20: {  	[sflag:s8] =	ssyncset.s32 @!p0 $0xFFFFF086;
	s6 =	sadd.s32 @!p0 s3, s7;
	s7 =	simm.s32 @!p0 $0x108  }
0x21: {  	s3 =	sadd.s32 s3, s9;
	s6 =	sadd.s32 @!p0 $0x88, s6;
	s7 =	simm.s32 @p2 $0x1082  }
0x22: {  	[simem:s7], [sflag:s8] =	dma.local @!p0 [hbm:s6], $0xF7A  }
0x23: {  	s9 =	sor.u32 $0xD0000000, s2;
	s6 =	simm.s32 $0x108;
	_ =	swait.ge @!p0 [sflag:s8], $0x0  }
0x24: {  	s3 =	sadd.s32 $0x88, s3;
	s6 =	simm.s32 @!p1 $0x1082;
	[sflag:s4] =	ssyncset.s32 $0xFFFFF086  }
0x25: {  	[simem:s6], [sflag:s4] =	dma.local [hbm:s3], $0xF7A  }
0x26: {  	[smem:$0x3F9F] =	sst s1;
	(tag) =	ssettag s2;
	_ =	strace s9  }
0x27: {  	s1 =	sld [smem:$0x3FAF]  }
0x28: {  	s2 =	sld [smem:$0x3FB0]  }
0x29: {  	s4 =	sld [smem:$0x3FB2]  }
0x2a: {  	p0 =	seq.s32 s5, $0x0;
	s5 =	sld [smem:$0x3FB3]  }
0x2b: {  	s6 =	sld [smem:$0x3FB4]  }
0x2c: {  	s7 =	sld [smem:$0x3FB5]  }
0x2d: {  	s3 =	simm.s32 $0x108;
	s8 =	sld [smem:$0x3FB6]  }
0x2e: {  	s3 =	simm.s32 @!p0 $0x1082;
	s9 =	sld [smem:$0x3FB7]  }
0x2f: {  	lr =	sadd.s32 s0, s3;
	s0 =	sld [smem:$0x3FAE]  }
0x30: {  	s3 =	sld [smem:$0x3FB1]  }
0x31: {  	[smem:$0x3FBA] =	sst s10  }
0x32: {  	s10 =	sld [smem:$0x3FB8];
	_ =	sdelay $0x3  }
0x33: {  	p0 =	seq.s32 s10, $0x1;
	s10 =	sld [smem:$0x3FBA];
	_ =	sdelay $0x3  }
0x34: {  	[smem:$0x3FBA] =	sst s10  }
0x35: {  	s10 =	sld [smem:$0x3FB9];
	_ =	sdelay $0x3  }
0x36: {  	p1 =	seq.s32 s10, $0x1;
	s10 =	sld [smem:$0x3FBA];
	_ =	sdelay $0x3  }
0x37: {  	[smem:$0x3FBA] =	sst s10  }
0x38: {  	s10 =	sld [smem:$0x3FBB]  }
0x39: {  	_ = 	snop;
	(pc) =	sbr.ind lr, $3  }
0x3a: {  	_ = 	snop  }
0x3b: {  	_ = 	snop  }
0x3c: {  	p2 =	seq.s32 s10, $0x1;
	s10 =	sld [smem:$0x3FBA]  }
0x3d: {  	_ =	shalt  }
0x3e: {  	_ =	shalt  }
0x3f: {  	_ =	shalt  }
0x40: {  	_ =	shalt  }
0x41: {  	_ =	shalt  }
0x42: {  	_ =	shalt  }
0x43: {  	_ =	shalt  }
0x44: {  	_ =	shalt  }
0x45: {  	_ =	shalt  }
0x46: {  	_ =	shalt  }
0x47: {  	_ =	shalt  }
0x48: {  	_ =	shalt  }
0x49: {  	_ =	shalt  }
0x4a: {  	_ =	shalt  }
0x4b: {  	_ =	shalt  }
0x4c: {  	_ =	shalt  }
0x4d: {  	_ =	shalt  }
0x4e: {  	_ =	shalt  }
0x4f: {  	_ =	shalt  }
0x50: {  	_ =	shalt  }
0x51: {  	_ =	shalt  }
0x52: {  	_ =	shalt  }
0x53: {  	_ =	shalt  }
0x54: {  	_ =	shalt  }
0x55: {  	_ =	shalt  }
0x56: {  	_ =	shalt  }
0x57: {  	_ =	shalt  }
0x58: {  	_ =	shalt  }
0x59: {  	_ =	shalt  }
0x5a: {  	_ =	shalt  }
0x5b: {  	_ =	shalt  }
0x5c: {  	_ =	shalt  }
0x5d: {  	_ =	shalt  }
0x5e: {  	_ =	shalt  }
0x5f: {  	_ =	shalt  }
0x60: {  	_ =	shalt  }
0x61: {  	_ =	shalt  }
0x62: {  	_ =	shalt  }
0x63: {  	_ =	shalt  }
0x64: {  	_ =	shalt  }
0x65: {  	_ =	shalt  }
0x66: {  	_ =	shalt  }
0x67: {  	_ =	shalt  }
0x68: {  	_ =	shalt  }
0x69: {  	_ =	shalt  }
0x6a: {  	_ =	shalt  }
0x6b: {  	_ =	shalt  }
0x6c: {  	_ =	shalt  }
0x6d: {  	_ =	shalt  }
0x6e: {  	_ =	shalt  }
0x6f: {  	_ =	shalt  }
0x70: {  	_ =	shalt  }
0x71: {  	_ =	shalt  }
0x72: {  	_ =	shalt  }
0x73: {  	_ =	shalt  }
0x74: {  	_ =	shalt  }
0x75: {  	_ =	shalt  }
0x76: {  	_ =	shalt  }
0x77: {  	_ =	shalt  }
0x78: {  	_ =	shalt  }
0x79: {  	_ =	shalt  }
0x7a: {  	_ =	shalt  }
0x7b: {  	_ =	shalt  }
0x7c: {  	_ =	shalt  }
0x7d: {  	_ =	shalt  }
0x7e: {  	_ =	shalt  }
0x7f: {  	_ =	shalt  }
0x80: {  	_ =	shalt  }
0x81: {  	_ =	shalt  }
0x82: {  	_ =	shalt  }
0x83: {  	_ =	shalt  }
0x84: {  	_ =	shalt  }
0x85: {  	_ =	shalt  }
0x86: {  	_ =	shalt  }
0x87: {  	_ =	shalt  }
.Lfunc_end0:
.L_simem_size_0:
called_computation_lowered:
.L_overlay_start_0:
0x88: {  	s2 =	sld [smem:$0x3FD9]  }
0x89: {  	s3 =	sld [smem:$0x3FFE];
	_ =	sdelay $0x1  }
0x8a: {  	s1 =	srdreg.scid  }
0x8b: {  	s0 =	sand.u32 $0x1, s1  }
0x8c: {  	s17 =	sshll.u32 s0, $0xA;
	s2 =	sadd.s32 s3, s2  }
0x8d: {  	s2 =	sadd.s32 s2, s17  }
0x8e: {  	[smem:$0x3FC6] =	sst s2  }
0x8f: {  	_ = 	snop  }
0x90: {  	(tm) =	ssettm $0x1  }
0x91: {  	s18 =	sld [smem:$0x3FFB];
	_ =	sdelay $0x3  }
0x92: {  	_ =	strace s18  }
0x93: {  	s2 =	sld [smem:$0x3FFC];
	_ =	sdelay $0x3  }
0x94: {  	_ =	strace s2  }
0x95: {  	s2 =	sld [smem:$0x3FFD];
	_ =	sdelay $0x3  }
0x96: {  	_ =	strace s2  }
0x97: {  	_ =	strace $0x8FFFFFFF  }
0x98: {  	s19 =	sld [smem:$0x3FDB];
	_ =	sdelay $0x1  }
0x99: {  	s20 =	simm.s32 $_scs_section_size  }
0x9a: {  	s4 =	simm.s32 $_size__tile_overlayer_lowered;
	s5 =	simm.s32 $_tile_overlayer_lowered  }
0x9b: {  	s6 =	simm.s32 $0x1BFF;
	s21 =	sshll.u32 s5, $0x1;
	s3 =	sadd.s32 s20, s19  }
0x9c: {  	s22 =	simm.s32 $0x0;
	s4 =	sshll.u32 s4, $0x1;
	s5 =	sadd.s32 s21, s3  }
0x9d: {  	[timem:s22], [sflag:s6] =	dma.local [hbm:s5], s4  }
0x9e: {  	_ =	swait.ge [sflag:s6], s4  }
0x9f: {  	s4 =	ssub.s32 $0x0, s4;
	[sflag:s6] =	ssyncset.done $0x0  }
0xa0: {  	[sflag:s6] =	ssyncadd.s32 s4;
	_ =	sdelay $0x1  }
0xa1: {  	s23 =	simm.s32 $0x1B8B  }
0xa2: {  	_ =	swait.ge [sflag:s23], $0x1  }
0xa3: {  	[sflag:s23] =	ssyncset.done $0x0  }
0xa4: {  	[sflag:s23] =	ssyncadd.s32 $0xFFFFFFFF  }
0xa5: {  	s4 =	sld [smem:$0x0]  }
0xa6: {  	s5 =	sand.u32 $0xFFFFFFFE, s1  }
0xa7: {  	p0 =	sne.s32 s1, s5  }
0xa8: {  	s5 =	sshll.u32 @p0 s5, $0xE  }
0xa9: {  	s5 =	sadd.s32 @p0 $0x11B8D, s5;
	s6 =	sshll.u32 @p0 s4, $0x11  }
0xaa: {  	s5 =	sor.u32 @p0 s6, s5  }
0xab: {  	[sflag:s5] =	ssyncadd.remote.s32 @p0 $0x1;
	_ =	sdelay $0x1  }
0xac: {  	s5 =	simm.s32 @p0 $0x1B8D  }
0xad: {  	_ =	swait.eq @p0 [sflag:s5], $0x1  }
0xae: {  	[sflag:s5] =	ssyncadd.s32 @p0 $0xFFFFFFFF  }
0xaf: {  	s6 =	sshll.u32 @!p0 s1, $0xE  }
0xb0: {  	s6 =	sor.u32 @!p0 $0x4000, s6;
	s5 =	simm.s32 @!p0 $0x1B8D  }
0xb1: {  	s4 =	sshll.u32 @!p0 s4, $0x11;
	s6 =	sadd.s32 @!p0 $0x11B8D, s6;
	_ =	swait.eq @!p0 [sflag:s5], $0x1  }
0xb2: {  	s4 =	sor.u32 @!p0 s4, s6;
	[sflag:s5] =	ssyncadd.s32 @!p0 $0xFFFFFFFF  }
0xb3: {  	s25 =	simm.s32 $0x1B8E;
	s24 =	sld [smem:$0x3FFE];
	[sflag:s4] =	ssyncadd.remote.s32 @!p0 $0x1  }
0xb4: {  	s26 =	simm.s32 $execute0_lowered;
	[smem:$0x3FD2] =	sst s25  }
0xb5: {  	s5 =	sshll.u32 s26, $0x1;
	_ =	strace $0x8000004C;
	[dreg:$0x1] =	wrdreg $0xFFFFFFFF  }
0xb6: {  	s28 =	simm.s32 $_size_execute0_lowered;
	s3 =	sadd.s32 s3, s5;
	[dreg:$0x0] =	wrdreg $0x0  }
0xb7: {  	s5 =	sshll.u32 s28, $0x1;
	[dreg:$0x2] =	wrdreg s3  }
0xb8: {  	[dreg:$0x3] =	wrdreg s5  }
0xb9: {  	[dreg:$0x4] =	wrdreg $0xC0  }
0xba: {  	_ =	task [dreg:s22], $0x5FFFF  }
0xbb: {  	[dreg:$0x1] =	wrdreg $0xFFFFFFFF  }
0xbc: {  	[dreg:$0x0] =	wrdreg $0x60  }
0xbd: {  	[dreg:$0x2] =	wrdreg s24  }
0xbe: {  	[dreg:$0x3] =	wrdreg $0x9  }
0xbf: {  	_ =	task.clear_ibuf [dreg:s22], $0x4FFFF;
	_ =	strace $0x9000004C  }
0xc0: {  	s29 =	simm.s32 $0x9;
	_ =	strace $0x8000004E  }
0xc1: {  	_ =	swait.ge [sflag:s29], $0x1  }
0xc2: {  	[sflag:s29] =	ssyncadd.s32 $0xFFFFFFFF  }
0xc3: {  	_ =	strace $0x9000004E  }
0xc4: {  	_ =	sfence  }
0xc5: {  	s30 =	sld [smem:$0x0];
	_ =	sdelay $0x2  }
0xc6: {  	s31 =	sshll.u32 s1, $0xD;
	s1 =	sshrl.u32 s1, $0x2  }
0xc7: {  	s4 =	sand.u32 $0x4000, s31;
	s1 =	sadd.s32 s1, s30  }
0xc8: {  	s0 =	sor.u32 s4, s0;
	s1 =	sshll.u32 s1, $0x11  }
0xc9: {  	s0 =	sor.u32 s1, s0  }
0xca: {  	s0 =	sadd.s32 $0x8F2B, s0  }
0xcb: {  	[sflag:s0] =	ssyncadd.remote.s32 $0x1  }
0xcc: {  	_ =	sfence.sel $0xFFFF  }
0xcd: {  	[dreg:$0x0] =	wrdreg $0xFFFFFFFF;
	(pc) =	sbr.abs _section_cstart, $3  }
0xce: {  	[dreg:$0x1] =	wrdreg $0xFFFFFFFF  }
0xcf: {  	_ =	task.clear_ibuf [dreg:s22], $0x2FFFF;
	_ =	strace $0x9FFFFFFF  }
0xd0: {  	(tm) =	ssettm $0x7FFFFFFF  }
0xd1: {  	_ =	shalt  }
tec
execute0_lowered:
.L_overlay_start_1:
0x0: {  	(tag) =	ssettag $0x1  }
0x1: {  	s0 =	srdreg.scid;
	s5 =	rddreg [dreg:$0x0]  }
0x2: {  	s1 =	stileid.u32;
	s6 =	simm.s32 $0x1;
	s9 =	simm.s32 $0x1  }
0x3: {  	s10 =	simm.s32 $0x3;
	s13 =	simm.s32 $0x0;
	s2 =	sshll.u32 s0, $0xA  }
0x4: {  	s12 =	simm.s32 $0x0;
	s3 =	sshll.u32 s1, $0xB;
	s2 =	sand.u32 $0x400, s2  }
0x5: {  	s0 =	rddreg [dreg:$0x1];
	_ =	strace $0x8000004D;
	s2 =	sor.u32 s3, s2  }
0x6: {  	s4 =	sadd.s32 $0xE000, s5;
	[sflag:s6] =	ssyncpa.u1 $0x0;
	s8 =	ssub.s32 $0x10000, s2  }
.Ltmp0:
0x7: {  	s3 =	sadd.s32 $0x4000, s5;
	s7 =	sand.u32 $0x7C00, s8;
	(pc) =	sbr.rel .LBB2_1-.Ltmp0, $4  }
0x8: {  	s5 =	sadd.s32 $0x16000, s5;
	s11 =	smov.u32 s2;
	p0 =	sne.s32 s7, $0x0  }
0x9: {  	s8 =	sshrl.u32 s8, $0xF;
	s7 =	simm.s32 $0x2;
	s9 =	simm.s32 @!p0 $0x0  }
0xa: {  	[sflag:s7] =	ssyncpa.u1 $0x0;
	p0 =	por $0x0, $0x0;
	s8 =	sadd.s32 s9, s8  }
0xb: {  	vm0 =	vmmov $0xffff;
	[sflag:s10] =	ssyncpa.u1 $0x0;
	s10 =	simm.s32 $0x0;
	s9 =	sadd.s32 $0x1, s8  }
.LBB2_4:
0xc: {  	v2 =	vand.u32 $0x1, v2;
	v3 =	vshrl.u32 v0, $0x2;
	v63 =	vshll.u32 v0, $0xF  }
0xd: {  	v2 =	vsel vm1, $0xFFFFFFFF, v2;
	v3 =	vand.u32 $0x3FFF, v3;
	v0 =	vand.u32 $0x8000, v63  }
0xe: {  	v3 =	vsel vm1, $0xFFFFFFFF, v3;
	v0 =	vsel vm1, $0xFFFF8000, v0;
	v4 =	vand.u32 $0xFFFF8000, v2  }
0xf: {  	v5 =	vand.u32 $0x7F, v3;
	v0 =	vadd.s32 v0, v4;
	v3 =	vshll.u32 v3, $0x1  }
0x10: {  	v2 =	vshll.u32 v2, $0x7;
	v3 =	vand.u32 $0xFFFFFF00, v3;
	v0 =	vor.u32 v5, v0  }
0x11: {  	v2 =	vand.u32 $0x80, v2;
	v0 =	vadd.s32 v3, v0  }
0x12: {  	v0 =	vor.u32 v2, v0;
	_ =	sdelay $0x1  }
0x13: {  	(ifvalue) =	ssetifvalue $0x7FFFFFFF;
	s14 =	sadd.s32 $0x10, s14  }
0x14: {  	[tilespmem:s14], [sflag:$0x1] =	stream.indirect_vreg.gather [hbm4b:s3+s10], $0x1, v1, vm0, $0x4038;
	[tilespmem:$0x1000] =	vst v63  }
0x15: {  	(ifvalue) =	ssetifvalue $0x7FFFFFFF;
	s14 =	sadd.s32 $0x10, s14  }
0x16: {  	[tilespmem:s14], [sflag:$0x1] =	stream.indirect_vreg.gather [hbm4b:s3+s10], $0x1, v0, vm0, $0x4038;
	[tilespmem:$0x1000] =	vst v63  }
0x17: {  	_ =	swait.ge [sflag:s6], $0x400  }
0x18: {  	s30 =	sshrl.u32 s13, $0x3;
	[sflag:s6] =	ssyncset.done $0x0  }
0x19: {  	s31 =	sand.u32 $0x7, s13;
	s14 =	sadd.s32 s5, s30;
	[sflag:s6] =	ssyncadd.s32 $0xFFFFFC00  }
0x1a: {  	[hbm4b:s14+s31] =	stream.linear.scatter [tilespmem:s15], [sflag:$0x3], $0x400, $0x38;
	[tilespmem:$0x1000] =	vst v63  }
.LBB2_5:
0x1b: {  	s15 =	sadd.s32 $0x8000, s11  }
0x1c: {  	p2 =	sgt.s32 s15, $0xFFFF  }
0x1d: {  	s15 =	smov.u32 @p2 s2;
	p2 =	sne.s32 s12, s9  }
.Ltmp1:
0x1e: {  	p1 =	slt.u32 s12, $0x2;
	(pc) =	sbr.rel @!p2 .LBB2_6-.Ltmp1, $4  }
0x1f: {  	s14 =	simm.s32 @!p1 $0x3  }
0x20: {  	s16 =	sadd.s32 $0x1, s12;
	_ =	swait.ge @!p1 [sflag:s14], $0x400  }
0x21: {  	s13 =	smov.u32 s11;
	p0 =	por !p0, !p0;
	[sflag:s14] =	ssyncset.done @!p1 $0x0  }
0x22: {  	s12 =	smov.u32 s16;
	s11 =	smov.u32 s15;
	[sflag:s14] =	ssyncadd.s32 @!p1 $0xFFFFFC00  }
.LBB2_1:
0x23: {  	p1 =	sge.u32 s12, s8  }
0x24: {  	s14 =	sxor.u32 @!p1 $0xFFFFFFFF, s12  }
0x25: {  	s31 =	sadd.s32 $0xFFFFFFFF, s12;
	s15 =	sshrl.u32 @!p1 s11, $0x3;
	s14 =	sshll.u32 @!p1 s14, $0xA  }
0x26: {  	s16 =	sand.u32 @!p1 $0x7, s11;
	s15 =	sadd.s32 @!p1 s4, s15;
	s14 =	sand.u32 @!p1 $0x400, s14  }
0x27: {  	[tilespmem:s14], [sflag:$0x2] =	stream.linear.gather @!p1 [hbm4b:s15+s16], $0x400, $0x38;
	[tilespmem:$0x1000] =	vst v63  }
0x28: {  	p1 =	sge.u32 s31, s8  }
.Ltmp2:
0x29: {  	_ = 	snop;
	(pc) =	sbr.rel @p1 .LBB2_5-.Ltmp2, $1  }
0x2a: {  	_ =	sdelay $0x3  }
0x2b: {  	s14 =	simm.s32 $0x1  }
0x2c: {  	_ =	swait.ge [sflag:s7], $0x400;
	s14 =	simm.s32 @!p0 $0x0  }
0x2d: {  	[sflag:s7] =	ssyncset.done $0x0;
	s14 =	sshll.u32 s14, $0xA  }
0x2e: {  	[sflag:s7] =	ssyncadd.s32 $0xFFFFFC00;
	(ifvalue) =	ssetifvalue $0x7FFFFFFF;
	v0 =	vld.msk [tilespmem:s14+$0x0 ss:$0x1], $0xffff;
	_ =	sdelay $0x1  }
0x2f: {  	s15 =	sadd.s32 $0x10, s14  }
0x30: {  	v3 =	vld.msk [tilespmem:s15+$0x0 ss:$0x1], $0xffff;
	_ =	sdelay $0x1  }
0x31: {  	vm1 =	veq.s32 v0, $0x80000000  }
0x32: {  	v1 =	vshrl.u32 v0, $0x1;
	v2 =	vshrl.u32 v0, $0x2;
	v0 =	vshll.u32 v0, $0xF  }
0x33: {  	v1 =	vand.u32 $0x1, v1;
	v2 =	vand.u32 $0x3FFF, v2;
	v0 =	vand.u32 $0x8000, v0  }
0x34: {  	v62 =	vshrl.u32 v3, $0x2;
	v1 =	vsel vm1, $0xFFFFFFFF, v1;
	v2 =	vsel vm1, $0xFFFFFFFF, v2  }
0x35: {  	v0 =	vsel vm1, $0xFFFF8000, v0;
	vm1 =	veq.s32 v3, $0x80000000;
	v4 =	vand.u32 $0xFFFF8000, v1  }
0x36: {  	v5 =	vand.u32 $0x7F, v2;
	v2 =	vshll.u32 v2, $0x1;
	v0 =	vadd.s32 v0, v4  }
0x37: {  	v1 =	vshll.u32 v1, $0x7;
	v2 =	vand.u32 $0xFFFFFF00, v2;
	v0 =	vor.u32 v5, v0  }
0x38: {  	v1 =	vand.u32 $0x80, v1;
	v0 =	vadd.s32 v2, v0;
	v2 =	vshrl.u32 v3, $0x1  }
0x39: {  	s17 =	sadd.s32 $0x10, s15;
	v3 =	vshll.u32 v3, $0xF;
	v1 =	vor.u32 v1, v0;
	v2 =	vand.u32 $0x1, v2  }
0x3a: {  	v4 =	vand.u32 $0x3FFF, v62;
	v0 =	vld.msk [tilespmem:s17+$0x0 ss:$0x1], $0xffff;
	v3 =	vand.u32 $0x8000, v3;
	v2 =	vsel vm1, $0xFFFFFFFF, v2  }
0x3b: {  	v4 =	vsel vm1, $0xFFFFFFFF, v4;
	v3 =	vsel vm1, $0xFFFF8000, v3;
	v63 =	vand.u32 $0xFFFF8000, v2  }
0x3c: {  	s31 =	sshll.u32 s12, $0xA;
	v6 =	vand.u32 $0x7F, v4;
	v4 =	vshll.u32 v4, $0x1;
	v3 =	vadd.s32 v3, v63  }
0x3d: {  	s14 =	sor.u32 $0x800, s14;
	s15 =	sand.u32 $0x400, s31;
	(ifvalue) =	ssetifvalue $0x7FFFFFFF;
	v4 =	vand.u32 $0xFFFFFF00, v4;
	v2 =	vshll.u32 v2, $0x7;
	v3 =	vor.u32 v6, v3  }
0x3e: {  	[tilespmem:s14], [sflag:$0x1] =	stream.indirect_vreg.gather [hbm4b:s3+s10], $0x1, v1, vm0, $0x4038;
	v1 =	vand.u32 $0x80, v2;
	v3 =	vadd.s32 v4, v3;
	[tilespmem:$0x1000] =	vst v63  }
0x3f: {  	s16 =	simm.s32 $0x20;
	s15 =	sor.u32 $0x800, s15;
	s17 =	sadd.s32 $0x10, s17;
	vm1 =	veq.s32 v0, $0x80000000;
	v2 =	vshrl.u32 v0, $0x1;
	v1 =	vor.u32 v1, v3  }
.LBB2_3:
0x40: {  	s16 =	sadd.s32 $0x10, s16;
	v2 =	vand.u32 $0x1, v2;
	v3 =	vshrl.u32 v0, $0x2;
	v4 =	vshll.u32 v0, $0xF;
	v0 =	vld.msk [tilespmem:s17+$0x0 ss:$0x1], $0xffff  }
0x41: {  	p1 =	slt.u32 s16, $0x3F0;
	v2 =	vsel vm1, $0xFFFFFFFF, v2;
	v3 =	vand.u32 $0x3FFF, v3;
	v4 =	vand.u32 $0x8000, v4  }
.Ltmp3:
0x42: {  	v3 =	vsel vm1, $0xFFFFFFFF, v3;
	v4 =	vsel vm1, $0xFFFF8000, v4;
	v5 =	vand.u32 $0xFFFF8000, v2;
	(pc) =	sbr.rel @p1 .LBB2_3-.Ltmp3, $4  }
0x43: {  	s14 =	sadd.s32 $0x10, s14;
	v6 =	vand.u32 $0x7F, v3;
	v4 =	vadd.s32 v4, v5;
	v3 =	vshll.u32 v3, $0x1;
	(ifvalue) =	ssetifvalue $0x7FFFFFFF  }
0x44: {  	v2 =	vshll.u32 v2, $0x7;
	v3 =	vand.u32 $0xFFFFFF00, v3;
	v4 =	vor.u32 v6, v4;
	[tilespmem:s14], [sflag:$0x1] =	stream.indirect_vreg.gather [hbm4b:s3+s10], $0x1, v1, vm0, $0x4038;
	[tilespmem:$0x1000] =	vst v63  }
0x45: {  	v1 =	vand.u32 $0x80, v2;
	v3 =	vadd.s32 v3, v4  }
0x46: {  	s17 =	sadd.s32 $0x10, s17;
	vm1 =	veq.s32 v0, $0x80000000;
	v2 =	vshrl.u32 v0, $0x1;
	v1 =	vor.u32 v1, v3  }
.Ltmp4:
0x47: {  	_ = 	snop;
	(pc) =	sbr.rel .LBB2_4-.Ltmp4, $1  }
0x48: {  	_ =	sdelay $0x3  }
.LBB2_6:
0x49: {  	_ =	sfence.sel $0x180000  }
0x4a: {  	s2 =	simm.s32 $0x2;
	[bflag:$0x0] =	sbarrier.arrive $0xFFFF  }
0x4b: {  	s30 =	simm.s32 $0x3;
	[sflag:s2] =	ssyncpa.u1 $0x1  }
0x4c: {  	s31 =	simm.s32 $0x1;
	[sflag:s30] =	ssyncpa.u1 $0x1  }
0x4d: {  	[sflag:s31] =	ssyncpa.u1 $0x1  }
0x4e: {  	p0 =	sne.s32 s1, $0x0;
	_ =	strace $0x9000004D  }
0x4f: {  	s0 =	sadd.s32 @!p0 $0x100000, s0;
	[bflag:$0x2] =	sbarrier.arrive $0xFFFF  }
0x50: {  	[sflag:s0] =	ssyncadd.tile.s32 @!p0 $0x1;
	_ =	shalt  }
.Lfunc_end2:
_tile_overlayer_lowered:
.L_overlay_start_2:
0x51: {  	(tag) =	ssettag $0x2  }
0x52: {  	s0 =	rddreg [dreg:$0x0];
	s2 =	stileid.u32  }
0x53: {  	s1 =	rddreg [dreg:$0x1];
	p0 =	sne.s32 s2, $0x0  }
0x54: {  	s3 =	rddreg [dreg:$0x2];
	[bflag:$0x3] =	sbarrier.arrive $0xFFFF;
	s2 =	simm.s32 @!p0 $0x1C01  }
0x55: {  	[timem:s3], [sflag:s2] =	dma.local @!p0 [hbm:s0], s1  }
0x56: {  	s0 =	simm.s32 @!p0 $0x1  }
0x57: {  	_ =	swait.ge @!p0 [sflag:s0], s1  }
0x58: {  	s1 =	ssub.s32 @!p0 $0x0, s1;
	[sflag:s0] =	ssyncset.done @!p0 $0x0  }
0x59: {  	[sflag:s0] =	ssyncadd.s32 @!p0 s1  }
0x5a: {  	[bflag:$0x3] =	sbarrier.arrive $0xFFFF  }
0x5b: {  	_ =	shalt  }

</sc_bundles>
